<compile_context>
chip_gen: v7x
topology: tpu7x:2x2x1
jax: 0.10.2.dev20260603
libtpu: 0.0.44.dev20260713+nightly
codegen_flags: <defaults>
</compile_context>

<pallas_src>
import functools

import jax
import jax.numpy as jnp
from jax import lax
from jax.experimental import pallas as pl
from jax.experimental.pallas import tpu as pltpu
from jax.experimental.pallas import tpu_sc as plsc

BN = 1000


def _make_gidx(E, N):
    E2 = E // 128

    def _gidx_body(src_ref, et_ref, dst_ref, pk_ref):
        pk_ref[:, 0, :] = et_ref[...] * N + src_ref[...]
        pk_ref[:, 1, :] = dst_ref[...]

    return pl.pallas_call(
        _gidx_body,
        out_shape=jax.ShapeDtypeStruct((E2, 2, 128), jnp.int32),
    )



def _premult_body(h_ref, w_ref, hrw_ref):
    R = w_ref.shape[0]
    h = h_ref[...]
    for r in range(R):
        hrw_ref[r] = h * w_ref[r]


def _make_premult(N, C, R):
    nb = N // BN
    return pl.pallas_call(
        _premult_body,
        grid=(nb,),
        in_specs=[
            pl.BlockSpec((BN, C), lambda i: (i, 0)),
            pl.BlockSpec((R, C), lambda i: (0, 0)),
        ],
        out_specs=pl.BlockSpec((R, BN, C), lambda i: (0, i, 0)),
        out_shape=jax.ShapeDtypeStruct((R, N, C), jnp.float32),
    )



def _mlp_body(eps_ref, h_ref, agg_ref, w1_ref, b1_ref, w2_ref, b2_ref,
              *rest):
    ht = (1.0 + eps_ref[0, 0]) * h_ref[...] + agg_ref[0] + agg_ref[1]
    hmid = jnp.maximum(
        jnp.dot(ht, w1_ref[...], preferred_element_type=jnp.float32)
        + b1_ref[...], 0.0)
    out = (jnp.dot(hmid, w2_ref[...], preferred_element_type=jnp.float32)
           + b2_ref[...])
    if len(rest) == 1:
        (out_ref,) = rest
        out_ref[...] = out
    else:
        wn_ref, out_ref, hrw_ref = rest
        out_ref[...] = out
        for r in range(wn_ref.shape[0]):
            hrw_ref[r] = out * wn_ref[r]


def _make_mlp(N, C, R, fuse_premult):
    nb = N // BN
    in_specs = [
        pl.BlockSpec((1, 1), lambda i: (0, 0)),
        pl.BlockSpec((BN, C), lambda i: (i, 0)),
        pl.BlockSpec((2, BN, C), lambda i: (0, i, 0)),
        pl.BlockSpec((C, C), lambda i: (0, 0)),
        pl.BlockSpec((1, C), lambda i: (0, 0)),
        pl.BlockSpec((C, C), lambda i: (0, 0)),
        pl.BlockSpec((1, C), lambda i: (0, 0)),
    ]
    out_specs = pl.BlockSpec((BN, C), lambda i: (i, 0))
    out_shape = jax.ShapeDtypeStruct((N, C), jnp.float32)
    if fuse_premult:
        in_specs.append(pl.BlockSpec((R, C), lambda i: (0, 0)))
        out_specs = [out_specs, pl.BlockSpec((R, BN, C), lambda i: (0, i, 0))]
        out_shape = [out_shape, jax.ShapeDtypeStruct((R, N, C), jnp.float32)]
    return pl.pallas_call(
        _mlp_body,
        grid=(nb,),
        in_specs=in_specs,
        out_specs=out_specs,
        out_shape=out_shape,
    )



def _make_sc_agg(N, C, E):
    NC, NS = 2, 16
    NW = NC * NS
    W = 128
    NCH = E // W
    NF = NCH // NW
    NEXTRA = NCH - NF * NW
    assert (NF - 3) % 3 == 0 and NF >= 6
    RPS = (N // NS) // 8 * 8
    RLAST = N - (NS - 1) * RPS
    mesh = plsc.VectorSubcoreMesh(core_axis_name="c", subcore_axis_name="s")

    @functools.partial(
        pl.kernel,
        out_type=jax.ShapeDtypeStruct((NC, N, C), jnp.float32),
        mesh=mesh,
        scratch_types=[
            pltpu.VMEM((2, W), jnp.int32),
            pltpu.VMEM((2, W), jnp.int32),
            pltpu.VMEM((2, W), jnp.int32),
            pltpu.VMEM((W, C), jnp.float32),
            pltpu.VMEM((W, C), jnp.float32),
            pltpu.VMEM((W, C), jnp.float32),
            pltpu.VMEM_SHARED((N, C), jnp.float32),
            pltpu.SemaphoreType.DMA,
            pltpu.SemaphoreType.DMA,
            pltpu.SemaphoreType.DMA,
            pltpu.SemaphoreType.DMA,
            pltpu.SemaphoreType.DMA,
            pltpu.SemaphoreType.DMA,
            pltpu.SemaphoreType.DMA,
        ],
    )
    def sc_agg(hrw_hbm, pk_hbm, zeros_hbm, out_hbm,
               ib0, ib1, ib2, rb0, rb1, rb2, acc_sh,
               gsem0, gsem1, gsem2, isem0, isem1, isem2, zsem):
        cid = lax.axis_index("c")
        sid = lax.axis_index("s")
        wid = cid * NS + sid
        row_base = pl.multiple_of(sid * RPS, 8)
        last_base = (NS - 1) * RPS + RPS
        cbase = wid * NF

        ibs = (ib0, ib1, ib2)
        rbs = (rb0, rb1, rb2)
        gsems = (gsem0, gsem1, gsem2)
        isems = (isem0, isem1, isem2)

        pltpu.async_copy(zeros_hbm.at[pl.ds(row_base, RPS)],
                         acc_sh.at[pl.ds(row_base, RPS)], zsem)

        @pl.when(sid == NS - 1)
        def _():
            if RLAST != RPS:
                pltpu.async_copy(
                    zeros_hbm.at[pl.ds(last_base, RLAST - RPS)],
                    acc_sh.at[pl.ds(last_base, RLAST - RPS)], zsem)

        def load_idx(s, j):
            return pltpu.async_copy(pk_hbm.at[cbase + s], ibs[j], isems[j])

        def wait_idx(s, j):
            pltpu.make_async_copy(pk_hbm.at[cbase + s], ibs[j],
                                  isems[j]).wait()

        def gather(j):
            return pltpu.async_copy(hrw_hbm.at[ibs[j].at[0]],
                                    rbs[j], gsems[j])

        def wait_gather(j):
            pltpu.make_async_copy(hrw_hbm.at[ibs[j].at[0]],
                                  rbs[j], gsems[j]).wait()

        def scat(j):
            pltpu.sync_copy(rbs[j], acc_sh.at[ibs[j].at[1]], add=True)

        load_idx(0, 0).wait()
        load_idx(1, 1).wait()
        gather(0)
        gather(1)
        load_idx(2, 2)

        pltpu.make_async_copy(zeros_hbm.at[pl.ds(row_base, RPS)],
                              acc_sh.at[pl.ds(row_base, RPS)], zsem).wait()

        @pl.when(sid == NS - 1)
        def _():
            if RLAST != RPS:
                pltpu.make_async_copy(
                    zeros_hbm.at[pl.ds(last_base, RLAST - RPS)],
                    acc_sh.at[pl.ds(last_base, RLAST - RPS)], zsem).wait()

        plsc.subcore_barrier()

        @pl.loop(0, (NF - 3) // 3)
        def _(g):
            for j in range(3):
                s = g * 3 + j
                wait_gather(j)
                wait_idx(s + 2, (j + 2) % 3)
                gather((j + 2) % 3)
                scat(j)
                load_idx(s + 3, j)

        wait_gather(0)
        wait_idx(NF - 1, 2)
        gather(2)
        scat(0)

        @pl.when(wid < NEXTRA)
        def _():
            pltpu.async_copy(pk_hbm.at[NW * NF + wid], ib0, isem0)

        wait_gather(1)
        scat(1)

        @pl.when(wid < NEXTRA)
        def _():
            pltpu.make_async_copy(pk_hbm.at[NW * NF + wid], ib0, isem0).wait()
            pltpu.async_copy(hrw_hbm.at[ib0.at[0]], rb0, gsem0)

        wait_gather(2)
        scat(2)

        @pl.when(wid < NEXTRA)
        def _():
            pltpu.make_async_copy(hrw_hbm.at[ib0.at[0]], rb0, gsem0).wait()
            pltpu.sync_copy(rb0, acc_sh.at[ib0.at[1]], add=True)

        plsc.subcore_barrier()

        @pl.when(sid != NS - 1)
        def _():
            pltpu.sync_copy(acc_sh.at[pl.ds(row_base, RPS)],
                            out_hbm.at[cid, pl.ds(row_base, RPS)])

        @pl.when(sid == NS - 1)
        def _():
            pltpu.sync_copy(acc_sh.at[pl.ds((NS - 1) * RPS, RLAST)],
                            out_hbm.at[cid, pl.ds((NS - 1) * RPS, RLAST)])

    return sc_agg



def kernel(x, edge_index, edge_type, num_edge_types,
           w0, eps0, m0w1, m0b1, m0w2, m0b2,
           w1, eps1, m1w1, m1b1, m1w2, m1b2):
    N, C = x.shape
    E = edge_type.shape[0]
    R = w0.shape[0]

    src = edge_index[0]
    dst = edge_index[1]
    pk = _make_gidx(E, N)(
        src.reshape(E // 128, 128), edge_type.reshape(E // 128, 128),
        dst.reshape(E // 128, 128))

    sc_agg = _make_sc_agg(N, C, E)
    mlp_fused = _make_mlp(N, C, R, fuse_premult=True)
    mlp_final = _make_mlp(N, C, R, fuse_premult=False)

    zeros = jnp.zeros((N, C), jnp.float32)
    hrw0 = _make_premult(N, C, R)(x, w0)
    part0 = sc_agg(hrw0.reshape(R * N, C), pk, zeros)
    h1, hrw1 = mlp_fused(eps0.reshape(1, 1), x, part0,
                         m0w1, m0b1.reshape(1, C), m0w2, m0b2.reshape(1, C),
                         w1)
    part1 = sc_agg(hrw1.reshape(R * N, C), pk, zeros)
    out = mlp_final(eps1.reshape(1, 1), h1, part1,
                    m1w1, m1b1.reshape(1, C), m1w2, m1b2.reshape(1, C))
    return out

# --- scband reference (transcript-rebuilt; emitter-appended) ---
"""Pipeline reference for scband-rgin-87677462381091 (READ-ONLY COPY).

The authoritative reference and input builder live on the scoring server;
editing this copy changes nothing except your own understanding.
"""

import jax, jax.numpy as jnp
import numpy as np

N = 10000
E = 320000
C = 128
R = 8


def setup_inputs(seed: int = 0) -> dict:
    key = jax.random.key(seed)
    ks = jax.random.split(key, 16)
    x = jax.random.normal(ks[0], (N, C), dtype=jnp.float32)
    edge_index = jax.random.randint(ks[1], (2, E), 0, N, dtype=jnp.int32)
    edge_type = jax.random.randint(ks[2], (E,), 0, R, dtype=jnp.int32)
    s = 1.0 / np.sqrt(C)
    # layer 0 params (diagonal relation weights + 2-layer MLP)
    w0 = jax.random.normal(ks[3], (R, C), dtype=jnp.float32) * s
    eps0 = jnp.zeros((1,), dtype=jnp.float32)
    m0w1 = jax.random.normal(ks[4], (C, C), dtype=jnp.float32) * s
    m0b1 = jnp.zeros((C,), dtype=jnp.float32)
    m0w2 = jax.random.normal(ks[5], (C, C), dtype=jnp.float32) * s
    m0b2 = jnp.zeros((C,), dtype=jnp.float32)
    # layer 1 params
    w1 = jax.random.normal(ks[6], (R, C), dtype=jnp.float32) * s
    eps1 = jnp.zeros((1,), dtype=jnp.float32)
    m1w1 = jax.random.normal(ks[7], (C, C), dtype=jnp.float32) * s
    m1b1 = jnp.zeros((C,), dtype=jnp.float32)
    m1w2 = jax.random.normal(ks[8], (C, C), dtype=jnp.float32) * s
    m1b2 = jnp.zeros((C,), dtype=jnp.float32)
    return {
        "x": x, "edge_index": edge_index, "edge_type": edge_type,
        "num_edge_types": R,
        "w0": w0, "eps0": eps0, "m0w1": m0w1, "m0b1": m0b1, "m0w2": m0w2, "m0b2": m0b2,
        "w1": w1, "eps1": eps1, "m1w1": m1w1, "m1b1": m1b1, "m1w2": m1w2, "m1b2": m1b2,
    }


def _rgin_layer(h, edge_index, edge_type, w, eps, mw1, mb1, mw2, mb2):
    # message: x_j * diag relation weight (gather by src, gather by edge_type)
    src = edge_index[0]
    dst = edge_index[1]
    msg = h[src] * w[edge_type]
    # aggregate: scatter-add to dst nodes
    agg = jax.ops.segment_sum(msg, dst, num_segments=N)
    # GIN combine
    ht = (1.0 + eps) * h + agg
    # 2-layer MLP with ReLU
    out = jnp.maximum(ht @ mw1 + mb1, 0.0) @ mw2 + mb2
    return out


def reference(x, edge_index, edge_type, num_edge_types,
              w0, eps0, m0w1, m0b1, m0w2, m0b2,
              w1, eps1, m1w1, m1b1, m1w2, m1b2):
    h = x
    h = _rgin_layer(h, edge_index, edge_type, w0, eps0, m0w1, m0b1, m0w2, m0b2)
    h = _rgin_layer(h, edge_index, edge_type, w1, eps1, m1w1, m1b1, m1w2, m1b2)
    return h

if __name__ == "__main__":
    import jax
    _d = setup_inputs()
    print(jax.jit(kernel)(*tuple(_d.values())))

</pallas_src>

<mosaic_0001>
#map = affine_map<(d0, d1) -> (0, 0)>
#map1 = affine_map<(d0, d1) -> (0, 0, 0)>
module attributes {stable_mosaic.version = 14 : i64} {
  func.func @sc_agg(%arg0: i32, %arg1: i32, %arg2: memref<80000x128xf32, #tpu.memory_space<hbm>>, %arg3: memref<2500x2x128xi32, #tpu.memory_space<hbm>>, %arg4: memref<10000x128xf32, #tpu.memory_space<hbm>>, %arg5: memref<2x10000x128xf32, #tpu.memory_space<hbm>>, %arg6: memref<2x128xi32, #tpu.memory_space<vmem>>, %arg7: memref<2x128xi32, #tpu.memory_space<vmem>>, %arg8: memref<2x128xi32, #tpu.memory_space<vmem>>, %arg9: memref<128x128xf32, #tpu.memory_space<vmem>>, %arg10: memref<128x128xf32, #tpu.memory_space<vmem>>, %arg11: memref<128x128xf32, #tpu.memory_space<vmem>>, %arg12: memref<10000x128xf32, #tpu.memory_space<vmem_shared>>, %arg13: memref<!tpu.dma_semaphore, #tpu.memory_space<semaphore_mem>>, %arg14: memref<!tpu.dma_semaphore, #tpu.memory_space<semaphore_mem>>, %arg15: memref<!tpu.dma_semaphore, #tpu.memory_space<semaphore_mem>>, %arg16: memref<!tpu.dma_semaphore, #tpu.memory_space<semaphore_mem>>, %arg17: memref<!tpu.dma_semaphore, #tpu.memory_space<semaphore_mem>>, %arg18: memref<!tpu.dma_semaphore, #tpu.memory_space<semaphore_mem>>, %arg19: memref<!tpu.dma_semaphore, #tpu.memory_space<semaphore_mem>>) attributes {dimension_semantics = [#tpu.dimension_semantics<core_parallel>, #tpu.dimension_semantics<subcore_parallel>], iteration_bounds = array<i64: 2, 16>, scalar_prefetch = 0 : i64, scratch_operands = 14 : i64, tpu.core_type = #tpu.core_type<sc_vector_subcore>, window_params = [{transform_indices = #map}, {transform_indices = #map1}, {transform_indices = #map}, {transform_indices = #map1}]} {
    %mul3A = arith.constant 16 : i32
    %mul3A_0 = arith.muli %arg0, %mul3A : i32
    %add3A = arith.addi %mul3A_0, %arg1 : i32
    %mul3A_1 = arith.constant 624 : i32
    %mul3A_2 = arith.muli %arg1, %mul3A_1 : i32
    %multiple_of3A = tpu.assume_multiple %mul3A_2, 8 : i32
    %mul3A_3 = arith.constant 78 : i32
    %mul3A_4 = arith.muli %add3A, %mul3A_3 : i32
    %dma_start3A = arith.constant 0 : i32
    %dma_start3A_5 = tpu.memref_slice %arg12[%multiple_of3A, %dma_start3A] : memref<10000x128xf32, #tpu.memory_space<vmem_shared>> -> memref<624x128xf32, #tpu.memory_space<vmem_shared>>
    %dma_start3A_6 = arith.constant 0 : i32
    %dma_start3A_7 = tpu.memref_slice %arg4[%multiple_of3A, %dma_start3A_6] : memref<10000x128xf32, #tpu.memory_space<hbm>> -> memref<624x128xf32, #tpu.memory_space<hbm>>
    tpu.enqueue_dma source(%dma_start3A_7 : memref<624x128xf32, #tpu.memory_space<hbm>>) target(%dma_start3A_5 : memref<624x128xf32, #tpu.memory_space<vmem_shared>>) target_semaphore(%arg19 : memref<!tpu.dma_semaphore, #tpu.memory_space<semaphore_mem>>)
    %eq3A = arith.constant 15 : i32
    %eq3A_8 = arith.cmpi eq, %arg1, %eq3A : i32
    %convert_element_type3A = arith.extui %eq3A_8 : i1 to i32
    %cond3A = arith.constant 0 : i32
    %cond3A_9 = arith.cmpi ne, %convert_element_type3A, %cond3A : i32
    scf.if %cond3A_9 {
      %dma_start3A_146 = arith.constant 9984 : i32
      %dma_start3A_147 = arith.constant 0 : i32
      %dma_start3A_148 = tpu.memref_slice %arg12[%dma_start3A_146, %dma_start3A_147] : memref<10000x128xf32, #tpu.memory_space<vmem_shared>> -> memref<16x128xf32, #tpu.memory_space<vmem_shared>>
      %dma_start3A_149 = arith.constant 9984 : i32
      %dma_start3A_150 = arith.constant 0 : i32
      %dma_start3A_151 = tpu.memref_slice %arg4[%dma_start3A_149, %dma_start3A_150] : memref<10000x128xf32, #tpu.memory_space<hbm>> -> memref<16x128xf32, #tpu.memory_space<hbm>>
      tpu.enqueue_dma source(%dma_start3A_151 : memref<16x128xf32, #tpu.memory_space<hbm>>) target(%dma_start3A_148 : memref<16x128xf32, #tpu.memory_space<vmem_shared>>) target_semaphore(%arg19 : memref<!tpu.dma_semaphore, #tpu.memory_space<semaphore_mem>>)
    } else {
    }
    %add3A_10 = arith.constant 0 : i32
    %add3A_11 = arith.addi %mul3A_4, %add3A_10 : i32
    %dma_start3A_12 = arith.constant 0 : i32
    %dma_start3A_13 = arith.constant 0 : i32
    %dma_start3A_14 = tpu.memref_slice %arg3[%add3A_11, %dma_start3A_12, %dma_start3A_13] : memref<2500x2x128xi32, #tpu.memory_space<hbm>> -> memref<1x2x128xi32, #tpu.memory_space<hbm>>
    %dma_start3A_15 = tpu.memref_squeeze %dma_start3A_14 : memref<1x2x128xi32, #tpu.memory_space<hbm>> -> memref<2x128xi32, #tpu.memory_space<hbm>>
    %dma_start3A_16 = arith.constant 0 : i32
    %dma_start3A_17 = arith.constant 0 : i32
    %dma_start3A_18 = tpu.memref_slice %arg3[%add3A_11, %dma_start3A_16, %dma_start3A_17] : memref<2500x2x128xi32, #tpu.memory_space<hbm>> -> memref<1x2x128xi32, #tpu.memory_space<hbm>>
    %dma_start3A_19 = tpu.memref_squeeze %dma_start3A_18 : memref<1x2x128xi32, #tpu.memory_space<hbm>> -> memref<2x128xi32, #tpu.memory_space<hbm>>
    tpu.enqueue_dma source(%dma_start3A_19 : memref<2x128xi32, #tpu.memory_space<hbm>>) target(%arg6 : memref<2x128xi32, #tpu.memory_space<vmem>>) target_semaphore(%arg16 : memref<!tpu.dma_semaphore, #tpu.memory_space<semaphore_mem>>)
    %dma_wait3A = arith.constant 0 : i32
    %dma_wait3A_20 = arith.constant 0 : i32
    %dma_wait3A_21 = tpu.memref_slice %arg3[%add3A_11, %dma_wait3A, %dma_wait3A_20] : memref<2500x2x128xi32, #tpu.memory_space<hbm>> -> memref<1x2x128xi32, #tpu.memory_space<hbm>>
    %dma_wait3A_22 = tpu.memref_squeeze %dma_wait3A_21 : memref<1x2x128xi32, #tpu.memory_space<hbm>> -> memref<2x128xi32, #tpu.memory_space<hbm>>
    %dma_wait3A_23 = arith.constant 0 : i32
    %dma_wait3A_24 = arith.constant 0 : i32
    %dma_wait3A_25 = tpu.memref_slice %arg3[%add3A_11, %dma_wait3A_23, %dma_wait3A_24] : memref<2500x2x128xi32, #tpu.memory_space<hbm>> -> memref<1x2x128xi32, #tpu.memory_space<hbm>>
    %dma_wait3A_26 = tpu.memref_squeeze %dma_wait3A_25 : memref<1x2x128xi32, #tpu.memory_space<hbm>> -> memref<2x128xi32, #tpu.memory_space<hbm>>
    tpu.wait_dma2 semaphore(%arg16 : memref<!tpu.dma_semaphore, #tpu.memory_space<semaphore_mem>>) src(%dma_wait3A_26 : memref<2x128xi32, #tpu.memory_space<hbm>>) dst(%arg6 : memref<2x128xi32, #tpu.memory_space<vmem>>)
    %add3A_27 = arith.constant 1 : i32
    %add3A_28 = arith.addi %mul3A_4, %add3A_27 : i32
    %dma_start3A_29 = arith.constant 0 : i32
    %dma_start3A_30 = arith.constant 0 : i32
    %dma_start3A_31 = tpu.memref_slice %arg3[%add3A_28, %dma_start3A_29, %dma_start3A_30] : memref<2500x2x128xi32, #tpu.memory_space<hbm>> -> memref<1x2x128xi32, #tpu.memory_space<hbm>>
    %dma_start3A_32 = tpu.memref_squeeze %dma_start3A_31 : memref<1x2x128xi32, #tpu.memory_space<hbm>> -> memref<2x128xi32, #tpu.memory_space<hbm>>
    %dma_start3A_33 = arith.constant 0 : i32
    %dma_start3A_34 = arith.constant 0 : i32
    %dma_start3A_35 = tpu.memref_slice %arg3[%add3A_28, %dma_start3A_33, %dma_start3A_34] : memref<2500x2x128xi32, #tpu.memory_space<hbm>> -> memref<1x2x128xi32, #tpu.memory_space<hbm>>
    %dma_start3A_36 = tpu.memref_squeeze %dma_start3A_35 : memref<1x2x128xi32, #tpu.memory_space<hbm>> -> memref<2x128xi32, #tpu.memory_space<hbm>>
    tpu.enqueue_dma source(%dma_start3A_36 : memref<2x128xi32, #tpu.memory_space<hbm>>) target(%arg7 : memref<2x128xi32, #tpu.memory_space<vmem>>) target_semaphore(%arg17 : memref<!tpu.dma_semaphore, #tpu.memory_space<semaphore_mem>>)
    %dma_wait3A_37 = arith.constant 0 : i32
    %dma_wait3A_38 = arith.constant 0 : i32
    %dma_wait3A_39 = tpu.memref_slice %arg3[%add3A_28, %dma_wait3A_37, %dma_wait3A_38] : memref<2500x2x128xi32, #tpu.memory_space<hbm>> -> memref<1x2x128xi32, #tpu.memory_space<hbm>>
    %dma_wait3A_40 = tpu.memref_squeeze %dma_wait3A_39 : memref<1x2x128xi32, #tpu.memory_space<hbm>> -> memref<2x128xi32, #tpu.memory_space<hbm>>
    %dma_wait3A_41 = arith.constant 0 : i32
    %dma_wait3A_42 = arith.constant 0 : i32
    %dma_wait3A_43 = tpu.memref_slice %arg3[%add3A_28, %dma_wait3A_41, %dma_wait3A_42] : memref<2500x2x128xi32, #tpu.memory_space<hbm>> -> memref<1x2x128xi32, #tpu.memory_space<hbm>>
    %dma_wait3A_44 = tpu.memref_squeeze %dma_wait3A_43 : memref<1x2x128xi32, #tpu.memory_space<hbm>> -> memref<2x128xi32, #tpu.memory_space<hbm>>
    tpu.wait_dma2 semaphore(%arg17 : memref<!tpu.dma_semaphore, #tpu.memory_space<semaphore_mem>>) src(%dma_wait3A_44 : memref<2x128xi32, #tpu.memory_space<hbm>>) dst(%arg7 : memref<2x128xi32, #tpu.memory_space<vmem>>)
    %dma_start3A_45 = arith.constant 0 : i32
    %dma_start3A_46 = arith.constant 0 : i32
    %dma_start3A_47 = tpu.memref_slice %arg6[%dma_start3A_45, %dma_start3A_46] : memref<2x128xi32, #tpu.memory_space<vmem>> -> memref<1x128xi32, #tpu.memory_space<vmem>>
    %dma_start3A_48 = tpu.memref_squeeze %dma_start3A_47 : memref<1x128xi32, #tpu.memory_space<vmem>> -> memref<128xi32, #tpu.memory_space<vmem>>
    %dma_start3A_49 = arith.constant 0 : i32
    %dma_start3A_50 = arith.constant 0 : i32
    %dma_start3A_51 = tpu.memref_slice %arg2[%dma_start3A_49, %dma_start3A_50] : memref<80000x128xf32, #tpu.memory_space<hbm>> -> memref<80000x128xf32, #tpu.memory_space<hbm>>
    tpu.enqueue_indirect_dma source(%dma_start3A_51 : memref<80000x128xf32, #tpu.memory_space<hbm>>) target(%arg9 : memref<128x128xf32, #tpu.memory_space<vmem>>) offsets(%dma_start3A_48 : memref<128xi32, #tpu.memory_space<vmem>>) semaphore(%arg13 : memref<!tpu.dma_semaphore, #tpu.memory_space<semaphore_mem>>)
    %dma_start3A_52 = arith.constant 0 : i32
    %dma_start3A_53 = arith.constant 0 : i32
    %dma_start3A_54 = tpu.memref_slice %arg7[%dma_start3A_52, %dma_start3A_53] : memref<2x128xi32, #tpu.memory_space<vmem>> -> memref<1x128xi32, #tpu.memory_space<vmem>>
    %dma_start3A_55 = tpu.memref_squeeze %dma_start3A_54 : memref<1x128xi32, #tpu.memory_space<vmem>> -> memref<128xi32, #tpu.memory_space<vmem>>
    %dma_start3A_56 = arith.constant 0 : i32
    %dma_start3A_57 = arith.constant 0 : i32
    %dma_start3A_58 = tpu.memref_slice %arg2[%dma_start3A_56, %dma_start3A_57] : memref<80000x128xf32, #tpu.memory_space<hbm>> -> memref<80000x128xf32, #tpu.memory_space<hbm>>
    tpu.enqueue_indirect_dma source(%dma_start3A_58 : memref<80000x128xf32, #tpu.memory_space<hbm>>) target(%arg10 : memref<128x128xf32, #tpu.memory_space<vmem>>) offsets(%dma_start3A_55 : memref<128xi32, #tpu.memory_space<vmem>>) semaphore(%arg14 : memref<!tpu.dma_semaphore, #tpu.memory_space<semaphore_mem>>)
    %add3A_59 = arith.constant 2 : i32
    %add3A_60 = arith.addi %mul3A_4, %add3A_59 : i32
    %dma_start3A_61 = arith.constant 0 : i32
    %dma_start3A_62 = arith.constant 0 : i32
    %dma_start3A_63 = tpu.memref_slice %arg3[%add3A_60, %dma_start3A_61, %dma_start3A_62] : memref<2500x2x128xi32, #tpu.memory_space<hbm>> -> memref<1x2x128xi32, #tpu.memory_space<hbm>>
    %dma_start3A_64 = tpu.memref_squeeze %dma_start3A_63 : memref<1x2x128xi32, #tpu.memory_space<hbm>> -> memref<2x128xi32, #tpu.memory_space<hbm>>
    %dma_start3A_65 = arith.constant 0 : i32
    %dma_start3A_66 = arith.constant 0 : i32
    %dma_start3A_67 = tpu.memref_slice %arg3[%add3A_60, %dma_start3A_65, %dma_start3A_66] : memref<2500x2x128xi32, #tpu.memory_space<hbm>> -> memref<1x2x128xi32, #tpu.memory_space<hbm>>
    %dma_start3A_68 = tpu.memref_squeeze %dma_start3A_67 : memref<1x2x128xi32, #tpu.memory_space<hbm>> -> memref<2x128xi32, #tpu.memory_space<hbm>>
    tpu.enqueue_dma source(%dma_start3A_68 : memref<2x128xi32, #tpu.memory_space<hbm>>) target(%arg8 : memref<2x128xi32, #tpu.memory_space<vmem>>) target_semaphore(%arg18 : memref<!tpu.dma_semaphore, #tpu.memory_space<semaphore_mem>>)
    %dma_wait3A_69 = arith.constant 0 : i32
    %dma_wait3A_70 = tpu.memref_slice %arg12[%multiple_of3A, %dma_wait3A_69] : memref<10000x128xf32, #tpu.memory_space<vmem_shared>> -> memref<624x128xf32, #tpu.memory_space<vmem_shared>>
    %dma_wait3A_71 = arith.constant 0 : i32
    %dma_wait3A_72 = tpu.memref_slice %arg4[%multiple_of3A, %dma_wait3A_71] : memref<10000x128xf32, #tpu.memory_space<hbm>> -> memref<624x128xf32, #tpu.memory_space<hbm>>
    tpu.wait_dma2 semaphore(%arg19 : memref<!tpu.dma_semaphore, #tpu.memory_space<semaphore_mem>>) src(%dma_wait3A_72 : memref<624x128xf32, #tpu.memory_space<hbm>>) dst(%dma_wait3A_70 : memref<624x128xf32, #tpu.memory_space<vmem_shared>>)
    %eq3A_73 = arith.constant 15 : i32
    %eq3A_74 = arith.cmpi eq, %arg1, %eq3A_73 : i32
    %convert_element_type3A_75 = arith.extui %eq3A_74 : i1 to i32
    %cond3A_76 = arith.constant 0 : i32
    %cond3A_77 = arith.cmpi ne, %convert_element_type3A_75, %cond3A_76 : i32
    scf.if %cond3A_77 {
      %dma_wait3A_146 = arith.constant 9984 : i32
      %dma_wait3A_147 = arith.constant 0 : i32
      %dma_wait3A_148 = tpu.memref_slice %arg12[%dma_wait3A_146, %dma_wait3A_147] : memref<10000x128xf32, #tpu.memory_space<vmem_shared>> -> memref<16x128xf32, #tpu.memory_space<vmem_shared>>
      %dma_wait3A_149 = arith.constant 9984 : i32
      %dma_wait3A_150 = arith.constant 0 : i32
      %dma_wait3A_151 = tpu.memref_slice %arg4[%dma_wait3A_149, %dma_wait3A_150] : memref<10000x128xf32, #tpu.memory_space<hbm>> -> memref<16x128xf32, #tpu.memory_space<hbm>>
      tpu.wait_dma2 semaphore(%arg19 : memref<!tpu.dma_semaphore, #tpu.memory_space<semaphore_mem>>) src(%dma_wait3A_151 : memref<16x128xf32, #tpu.memory_space<hbm>>) dst(%dma_wait3A_148 : memref<16x128xf32, #tpu.memory_space<vmem_shared>>)
    } else {
    }
    %barrier3A = arith.constant 0 : index
    tpu.barrier barrier_id(%barrier3A)
    %scan3A = arith.constant 0 : i32
    %scan3A_78 = arith.constant 25 : i32
    %scan3A_79 = arith.addi %scan3A, %scan3A_78 : i32
    %scan3A_80 = arith.constant 1 : i32
    scf.for %scan3A_146 = %scan3A to %scan3A_79 step %scan3A_80  : i32 {
      %mul3A_147 = arith.constant 1 : i32
      %mul3A_148 = arith.muli %scan3A_146, %mul3A_147 : i32
      %add3A_149 = arith.constant 0 : i32
      %add3A_150 = arith.addi %add3A_149, %mul3A_148 : i32
      %mul3A_151 = arith.constant 3 : i32
      %mul3A_152 = arith.muli %add3A_150, %mul3A_151 : i32
      %add3A_153 = arith.constant 0 : i32
      %add3A_154 = arith.addi %mul3A_152, %add3A_153 : i32
      %dma_wait3A_155 = arith.constant 0 : i32
      %dma_wait3A_156 = arith.constant 0 : i32
      %dma_wait3A_157 = tpu.memref_slice %arg6[%dma_wait3A_155, %dma_wait3A_156] : memref<2x128xi32, #tpu.memory_space<vmem>> -> memref<1x128xi32, #tpu.memory_space<vmem>>
      %dma_wait3A_158 = tpu.memref_squeeze %dma_wait3A_157 : memref<1x128xi32, #tpu.memory_space<vmem>> -> memref<128xi32, #tpu.memory_space<vmem>>
      %dma_wait3A_159 = arith.constant 0 : i32
      %dma_wait3A_160 = arith.constant 0 : i32
      %dma_wait3A_161 = tpu.memref_slice %arg2[%dma_wait3A_159, %dma_wait3A_160] : memref<80000x128xf32, #tpu.memory_space<hbm>> -> memref<80000x128xf32, #tpu.memory_space<hbm>>
      tpu.wait_indirect_dma semaphore(%arg13 : memref<!tpu.dma_semaphore, #tpu.memory_space<semaphore_mem>>) src(%dma_wait3A_161 : memref<80000x128xf32, #tpu.memory_space<hbm>>) dst(%arg9 : memref<128x128xf32, #tpu.memory_space<vmem>>)
      %add3A_162 = arith.constant 2 : i32
      %add3A_163 = arith.addi %add3A_154, %add3A_162 : i32
      %add3A_164 = arith.addi %mul3A_4, %add3A_163 : i32
      %dma_wait3A_165 = arith.constant 0 : i32
      %dma_wait3A_166 = arith.constant 0 : i32
      %dma_wait3A_167 = tpu.memref_slice %arg3[%add3A_164, %dma_wait3A_165, %dma_wait3A_166] : memref<2500x2x128xi32, #tpu.memory_space<hbm>> -> memref<1x2x128xi32, #tpu.memory_space<hbm>>
      %dma_wait3A_168 = tpu.memref_squeeze %dma_wait3A_167 : memref<1x2x128xi32, #tpu.memory_space<hbm>> -> memref<2x128xi32, #tpu.memory_space<hbm>>
      %dma_wait3A_169 = arith.constant 0 : i32
      %dma_wait3A_170 = arith.constant 0 : i32
      %dma_wait3A_171 = tpu.memref_slice %arg3[%add3A_164, %dma_wait3A_169, %dma_wait3A_170] : memref<2500x2x128xi32, #tpu.memory_space<hbm>> -> memref<1x2x128xi32, #tpu.memory_space<hbm>>
      %dma_wait3A_172 = tpu.memref_squeeze %dma_wait3A_171 : memref<1x2x128xi32, #tpu.memory_space<hbm>> -> memref<2x128xi32, #tpu.memory_space<hbm>>
      tpu.wait_dma2 semaphore(%arg18 : memref<!tpu.dma_semaphore, #tpu.memory_space<semaphore_mem>>) src(%dma_wait3A_172 : memref<2x128xi32, #tpu.memory_space<hbm>>) dst(%arg8 : memref<2x128xi32, #tpu.memory_space<vmem>>)
      %dma_start3A_173 = arith.constant 0 : i32
      %dma_start3A_174 = arith.constant 0 : i32
      %dma_start3A_175 = tpu.memref_slice %arg8[%dma_start3A_173, %dma_start3A_174] : memref<2x128xi32, #tpu.memory_space<vmem>> -> memref<1x128xi32, #tpu.memory_space<vmem>>
      %dma_start3A_176 = tpu.memref_squeeze %dma_start3A_175 : memref<1x128xi32, #tpu.memory_space<vmem>> -> memref<128xi32, #tpu.memory_space<vmem>>
      %dma_start3A_177 = arith.constant 0 : i32
      %dma_start3A_178 = arith.constant 0 : i32
      %dma_start3A_179 = tpu.memref_slice %arg2[%dma_start3A_177, %dma_start3A_178] : memref<80000x128xf32, #tpu.memory_space<hbm>> -> memref<80000x128xf32, #tpu.memory_space<hbm>>
      tpu.enqueue_indirect_dma source(%dma_start3A_179 : memref<80000x128xf32, #tpu.memory_space<hbm>>) target(%arg11 : memref<128x128xf32, #tpu.memory_space<vmem>>) offsets(%dma_start3A_176 : memref<128xi32, #tpu.memory_space<vmem>>) semaphore(%arg15 : memref<!tpu.dma_semaphore, #tpu.memory_space<semaphore_mem>>)
      %run_scoped3A_180 = arith.constant 1 : i32
      "tpu.region"() ({
        %run_scoped3A_274 = tpu.sem_alloc : memref<!tpu.dma_semaphore, #tpu.memory_space<semaphore_mem>>
        %dma_start3A_275 = arith.constant 0 : i32
        %dma_start3A_276 = tpu.memref_slice %arg6[%run_scoped3A_180, %dma_start3A_275] : memref<2x128xi32, #tpu.memory_space<vmem>> -> memref<1x128xi32, #tpu.memory_space<vmem>>
        %dma_start3A_277 = tpu.memref_squeeze %dma_start3A_276 : memref<1x128xi32, #tpu.memory_space<vmem>> -> memref<128xi32, #tpu.memory_space<vmem>>
        %dma_start3A_278 = arith.constant 0 : i32
        %dma_start3A_279 = arith.constant 0 : i32
        %dma_start3A_280 = tpu.memref_slice %arg12[%dma_start3A_278, %dma_start3A_279] : memref<10000x128xf32, #tpu.memory_space<vmem_shared>> -> memref<10000x128xf32, #tpu.memory_space<vmem_shared>>
        tpu.enqueue_indirect_dma source(%arg9 : memref<128x128xf32, #tpu.memory_space<vmem>>) target(%dma_start3A_280 : memref<10000x128xf32, #tpu.memory_space<vmem_shared>>) offsets(%dma_start3A_277 : memref<128xi32, #tpu.memory_space<vmem>>) semaphore(%run_scoped3A_274 : memref<!tpu.dma_semaphore, #tpu.memory_space<semaphore_mem>>) {add = true}
        %dma_wait3A_281 = arith.constant 0 : i32
        %dma_wait3A_282 = tpu.memref_slice %arg6[%run_scoped3A_180, %dma_wait3A_281] : memref<2x128xi32, #tpu.memory_space<vmem>> -> memref<1x128xi32, #tpu.memory_space<vmem>>
        %dma_wait3A_283 = tpu.memref_squeeze %dma_wait3A_282 : memref<1x128xi32, #tpu.memory_space<vmem>> -> memref<128xi32, #tpu.memory_space<vmem>>
        %dma_wait3A_284 = arith.constant 0 : i32
        %dma_wait3A_285 = arith.constant 0 : i32
        %dma_wait3A_286 = tpu.memref_slice %arg12[%dma_wait3A_284, %dma_wait3A_285] : memref<10000x128xf32, #tpu.memory_space<vmem_shared>> -> memref<10000x128xf32, #tpu.memory_space<vmem_shared>>
        tpu.wait_indirect_dma semaphore(%run_scoped3A_274 : memref<!tpu.dma_semaphore, #tpu.memory_space<semaphore_mem>>) src(%arg9 : memref<128x128xf32, #tpu.memory_space<vmem>>) dst(%dma_wait3A_286 : memref<10000x128xf32, #tpu.memory_space<vmem_shared>>)
        tpu.yield
      }) : () -> ()
      %add3A_181 = arith.constant 3 : i32
      %add3A_182 = arith.addi %add3A_154, %add3A_181 : i32
      %add3A_183 = arith.addi %mul3A_4, %add3A_182 : i32
      %dma_start3A_184 = arith.constant 0 : i32
      %dma_start3A_185 = arith.constant 0 : i32
      %dma_start3A_186 = tpu.memref_slice %arg3[%add3A_183, %dma_start3A_184, %dma_start3A_185] : memref<2500x2x128xi32, #tpu.memory_space<hbm>> -> memref<1x2x128xi32, #tpu.memory_space<hbm>>
      %dma_start3A_187 = tpu.memref_squeeze %dma_start3A_186 : memref<1x2x128xi32, #tpu.memory_space<hbm>> -> memref<2x128xi32, #tpu.memory_space<hbm>>
      %dma_start3A_188 = arith.constant 0 : i32
      %dma_start3A_189 = arith.constant 0 : i32
      %dma_start3A_190 = tpu.memref_slice %arg3[%add3A_183, %dma_start3A_188, %dma_start3A_189] : memref<2500x2x128xi32, #tpu.memory_space<hbm>> -> memref<1x2x128xi32, #tpu.memory_space<hbm>>
      %dma_start3A_191 = tpu.memref_squeeze %dma_start3A_190 : memref<1x2x128xi32, #tpu.memory_space<hbm>> -> memref<2x128xi32, #tpu.memory_space<hbm>>
      tpu.enqueue_dma source(%dma_start3A_191 : memref<2x128xi32, #tpu.memory_space<hbm>>) target(%arg6 : memref<2x128xi32, #tpu.memory_space<vmem>>) target_semaphore(%arg16 : memref<!tpu.dma_semaphore, #tpu.memory_space<semaphore_mem>>)
      %mul3A_192 = arith.constant 3 : i32
      %mul3A_193 = arith.muli %add3A_150, %mul3A_192 : i32
      %add3A_194 = arith.constant 1 : i32
      %add3A_195 = arith.addi %mul3A_193, %add3A_194 : i32
      %dma_wait3A_196 = arith.constant 0 : i32
      %dma_wait3A_197 = arith.constant 0 : i32
      %dma_wait3A_198 = tpu.memref_slice %arg7[%dma_wait3A_196, %dma_wait3A_197] : memref<2x128xi32, #tpu.memory_space<vmem>> -> memref<1x128xi32, #tpu.memory_space<vmem>>
      %dma_wait3A_199 = tpu.memref_squeeze %dma_wait3A_198 : memref<1x128xi32, #tpu.memory_space<vmem>> -> memref<128xi32, #tpu.memory_space<vmem>>
      %dma_wait3A_200 = arith.constant 0 : i32
      %dma_wait3A_201 = arith.constant 0 : i32
      %dma_wait3A_202 = tpu.memref_slice %arg2[%dma_wait3A_200, %dma_wait3A_201] : memref<80000x128xf32, #tpu.memory_space<hbm>> -> memref<80000x128xf32, #tpu.memory_space<hbm>>
      tpu.wait_indirect_dma semaphore(%arg14 : memref<!tpu.dma_semaphore, #tpu.memory_space<semaphore_mem>>) src(%dma_wait3A_202 : memref<80000x128xf32, #tpu.memory_space<hbm>>) dst(%arg10 : memref<128x128xf32, #tpu.memory_space<vmem>>)
      %add3A_203 = arith.constant 2 : i32
      %add3A_204 = arith.addi %add3A_195, %add3A_203 : i32
      %add3A_205 = arith.addi %mul3A_4, %add3A_204 : i32
      %dma_wait3A_206 = arith.constant 0 : i32
      %dma_wait3A_207 = arith.constant 0 : i32
      %dma_wait3A_208 = tpu.memref_slice %arg3[%add3A_205, %dma_wait3A_206, %dma_wait3A_207] : memref<2500x2x128xi32, #tpu.memory_space<hbm>> -> memref<1x2x128xi32, #tpu.memory_space<hbm>>
      %dma_wait3A_209 = tpu.memref_squeeze %dma_wait3A_208 : memref<1x2x128xi32, #tpu.memory_space<hbm>> -> memref<2x128xi32, #tpu.memory_space<hbm>>
      %dma_wait3A_210 = arith.constant 0 : i32
      %dma_wait3A_211 = arith.constant 0 : i32
      %dma_wait3A_212 = tpu.memref_slice %arg3[%add3A_205, %dma_wait3A_210, %dma_wait3A_211] : memref<2500x2x128xi32, #tpu.memory_space<hbm>> -> memref<1x2x128xi32, #tpu.memory_space<hbm>>
      %dma_wait3A_213 = tpu.memref_squeeze %dma_wait3A_212 : memref<1x2x128xi32, #tpu.memory_space<hbm>> -> memref<2x128xi32, #tpu.memory_space<hbm>>
      tpu.wait_dma2 semaphore(%arg16 : memref<!tpu.dma_semaphore, #tpu.memory_space<semaphore_mem>>) src(%dma_wait3A_213 : memref<2x128xi32, #tpu.memory_space<hbm>>) dst(%arg6 : memref<2x128xi32, #tpu.memory_space<vmem>>)
      %dma_start3A_214 = arith.constant 0 : i32
      %dma_start3A_215 = arith.constant 0 : i32
      %dma_start3A_216 = tpu.memref_slice %arg6[%dma_start3A_214, %dma_start3A_215] : memref<2x128xi32, #tpu.memory_space<vmem>> -> memref<1x128xi32, #tpu.memory_space<vmem>>
      %dma_start3A_217 = tpu.memref_squeeze %dma_start3A_216 : memref<1x128xi32, #tpu.memory_space<vmem>> -> memref<128xi32, #tpu.memory_space<vmem>>
      %dma_start3A_218 = arith.constant 0 : i32
      %dma_start3A_219 = arith.constant 0 : i32
      %dma_start3A_220 = tpu.memref_slice %arg2[%dma_start3A_218, %dma_start3A_219] : memref<80000x128xf32, #tpu.memory_space<hbm>> -> memref<80000x128xf32, #tpu.memory_space<hbm>>
      tpu.enqueue_indirect_dma source(%dma_start3A_220 : memref<80000x128xf32, #tpu.memory_space<hbm>>) target(%arg9 : memref<128x128xf32, #tpu.memory_space<vmem>>) offsets(%dma_start3A_217 : memref<128xi32, #tpu.memory_space<vmem>>) semaphore(%arg13 : memref<!tpu.dma_semaphore, #tpu.memory_space<semaphore_mem>>)
      %run_scoped3A_221 = arith.constant 1 : i32
      "tpu.region"() ({
        %run_scoped3A_274 = tpu.sem_alloc : memref<!tpu.dma_semaphore, #tpu.memory_space<semaphore_mem>>
        %dma_start3A_275 = arith.constant 0 : i32
        %dma_start3A_276 = tpu.memref_slice %arg7[%run_scoped3A_221, %dma_start3A_275] : memref<2x128xi32, #tpu.memory_space<vmem>> -> memref<1x128xi32, #tpu.memory_space<vmem>>
        %dma_start3A_277 = tpu.memref_squeeze %dma_start3A_276 : memref<1x128xi32, #tpu.memory_space<vmem>> -> memref<128xi32, #tpu.memory_space<vmem>>
        %dma_start3A_278 = arith.constant 0 : i32
        %dma_start3A_279 = arith.constant 0 : i32
        %dma_start3A_280 = tpu.memref_slice %arg12[%dma_start3A_278, %dma_start3A_279] : memref<10000x128xf32, #tpu.memory_space<vmem_shared>> -> memref<10000x128xf32, #tpu.memory_space<vmem_shared>>
        tpu.enqueue_indirect_dma source(%arg10 : memref<128x128xf32, #tpu.memory_space<vmem>>) target(%dma_start3A_280 : memref<10000x128xf32, #tpu.memory_space<vmem_shared>>) offsets(%dma_start3A_277 : memref<128xi32, #tpu.memory_space<vmem>>) semaphore(%run_scoped3A_274 : memref<!tpu.dma_semaphore, #tpu.memory_space<semaphore_mem>>) {add = true}
        %dma_wait3A_281 = arith.constant 0 : i32
        %dma_wait3A_282 = tpu.memref_slice %arg7[%run_scoped3A_221, %dma_wait3A_281] : memref<2x128xi32, #tpu.memory_space<vmem>> -> memref<1x128xi32, #tpu.memory_space<vmem>>
        %dma_wait3A_283 = tpu.memref_squeeze %dma_wait3A_282 : memref<1x128xi32, #tpu.memory_space<vmem>> -> memref<128xi32, #tpu.memory_space<vmem>>
        %dma_wait3A_284 = arith.constant 0 : i32
        %dma_wait3A_285 = arith.constant 0 : i32
        %dma_wait3A_286 = tpu.memref_slice %arg12[%dma_wait3A_284, %dma_wait3A_285] : memref<10000x128xf32, #tpu.memory_space<vmem_shared>> -> memref<10000x128xf32, #tpu.memory_space<vmem_shared>>
        tpu.wait_indirect_dma semaphore(%run_scoped3A_274 : memref<!tpu.dma_semaphore, #tpu.memory_space<semaphore_mem>>) src(%arg10 : memref<128x128xf32, #tpu.memory_space<vmem>>) dst(%dma_wait3A_286 : memref<10000x128xf32, #tpu.memory_space<vmem_shared>>)
        tpu.yield
      }) : () -> ()
      %add3A_222 = arith.constant 3 : i32
      %add3A_223 = arith.addi %add3A_195, %add3A_222 : i32
      %add3A_224 = arith.addi %mul3A_4, %add3A_223 : i32
      %dma_start3A_225 = arith.constant 0 : i32
      %dma_start3A_226 = arith.constant 0 : i32
      %dma_start3A_227 = tpu.memref_slice %arg3[%add3A_224, %dma_start3A_225, %dma_start3A_226] : memref<2500x2x128xi32, #tpu.memory_space<hbm>> -> memref<1x2x128xi32, #tpu.memory_space<hbm>>
      %dma_start3A_228 = tpu.memref_squeeze %dma_start3A_227 : memref<1x2x128xi32, #tpu.memory_space<hbm>> -> memref<2x128xi32, #tpu.memory_space<hbm>>
      %dma_start3A_229 = arith.constant 0 : i32
      %dma_start3A_230 = arith.constant 0 : i32
      %dma_start3A_231 = tpu.memref_slice %arg3[%add3A_224, %dma_start3A_229, %dma_start3A_230] : memref<2500x2x128xi32, #tpu.memory_space<hbm>> -> memref<1x2x128xi32, #tpu.memory_space<hbm>>
      %dma_start3A_232 = tpu.memref_squeeze %dma_start3A_231 : memref<1x2x128xi32, #tpu.memory_space<hbm>> -> memref<2x128xi32, #tpu.memory_space<hbm>>
      tpu.enqueue_dma source(%dma_start3A_232 : memref<2x128xi32, #tpu.memory_space<hbm>>) target(%arg7 : memref<2x128xi32, #tpu.memory_space<vmem>>) target_semaphore(%arg17 : memref<!tpu.dma_semaphore, #tpu.memory_space<semaphore_mem>>)
      %mul3A_233 = arith.constant 3 : i32
      %mul3A_234 = arith.muli %add3A_150, %mul3A_233 : i32
      %add3A_235 = arith.constant 2 : i32
      %add3A_236 = arith.addi %mul3A_234, %add3A_235 : i32
      %dma_wait3A_237 = arith.constant 0 : i32
      %dma_wait3A_238 = arith.constant 0 : i32
      %dma_wait3A_239 = tpu.memref_slice %arg8[%dma_wait3A_237, %dma_wait3A_238] : memref<2x128xi32, #tpu.memory_space<vmem>> -> memref<1x128xi32, #tpu.memory_space<vmem>>
      %dma_wait3A_240 = tpu.memref_squeeze %dma_wait3A_239 : memref<1x128xi32, #tpu.memory_space<vmem>> -> memref<128xi32, #tpu.memory_space<vmem>>
      %dma_wait3A_241 = arith.constant 0 : i32
      %dma_wait3A_242 = arith.constant 0 : i32
      %dma_wait3A_243 = tpu.memref_slice %arg2[%dma_wait3A_241, %dma_wait3A_242] : memref<80000x128xf32, #tpu.memory_space<hbm>> -> memref<80000x128xf32, #tpu.memory_space<hbm>>
      tpu.wait_indirect_dma semaphore(%arg15 : memref<!tpu.dma_semaphore, #tpu.memory_space<semaphore_mem>>) src(%dma_wait3A_243 : memref<80000x128xf32, #tpu.memory_space<hbm>>) dst(%arg11 : memref<128x128xf32, #tpu.memory_space<vmem>>)
      %add3A_244 = arith.constant 2 : i32
      %add3A_245 = arith.addi %add3A_236, %add3A_244 : i32
      %add3A_246 = arith.addi %mul3A_4, %add3A_245 : i32
      %dma_wait3A_247 = arith.constant 0 : i32
      %dma_wait3A_248 = arith.constant 0 : i32
      %dma_wait3A_249 = tpu.memref_slice %arg3[%add3A_246, %dma_wait3A_247, %dma_wait3A_248] : memref<2500x2x128xi32, #tpu.memory_space<hbm>> -> memref<1x2x128xi32, #tpu.memory_space<hbm>>
      %dma_wait3A_250 = tpu.memref_squeeze %dma_wait3A_249 : memref<1x2x128xi32, #tpu.memory_space<hbm>> -> memref<2x128xi32, #tpu.memory_space<hbm>>
      %dma_wait3A_251 = arith.constant 0 : i32
      %dma_wait3A_252 = arith.constant 0 : i32
      %dma_wait3A_253 = tpu.memref_slice %arg3[%add3A_246, %dma_wait3A_251, %dma_wait3A_252] : memref<2500x2x128xi32, #tpu.memory_space<hbm>> -> memref<1x2x128xi32, #tpu.memory_space<hbm>>
      %dma_wait3A_254 = tpu.memref_squeeze %dma_wait3A_253 : memref<1x2x128xi32, #tpu.memory_space<hbm>> -> memref<2x128xi32, #tpu.memory_space<hbm>>
      tpu.wait_dma2 semaphore(%arg17 : memref<!tpu.dma_semaphore, #tpu.memory_space<semaphore_mem>>) src(%dma_wait3A_254 : memref<2x128xi32, #tpu.memory_space<hbm>>) dst(%arg7 : memref<2x128xi32, #tpu.memory_space<vmem>>)
      %dma_start3A_255 = arith.constant 0 : i32
      %dma_start3A_256 = arith.constant 0 : i32
      %dma_start3A_257 = tpu.memref_slice %arg7[%dma_start3A_255, %dma_start3A_256] : memref<2x128xi32, #tpu.memory_space<vmem>> -> memref<1x128xi32, #tpu.memory_space<vmem>>
      %dma_start3A_258 = tpu.memref_squeeze %dma_start3A_257 : memref<1x128xi32, #tpu.memory_space<vmem>> -> memref<128xi32, #tpu.memory_space<vmem>>
      %dma_start3A_259 = arith.constant 0 : i32
      %dma_start3A_260 = arith.constant 0 : i32
      %dma_start3A_261 = tpu.memref_slice %arg2[%dma_start3A_259, %dma_start3A_260] : memref<80000x128xf32, #tpu.memory_space<hbm>> -> memref<80000x128xf32, #tpu.memory_space<hbm>>
      tpu.enqueue_indirect_dma source(%dma_start3A_261 : memref<80000x128xf32, #tpu.memory_space<hbm>>) target(%arg10 : memref<128x128xf32, #tpu.memory_space<vmem>>) offsets(%dma_start3A_258 : memref<128xi32, #tpu.memory_space<vmem>>) semaphore(%arg14 : memref<!tpu.dma_semaphore, #tpu.memory_space<semaphore_mem>>)
      %run_scoped3A_262 = arith.constant 1 : i32
      "tpu.region"() ({
        %run_scoped3A_274 = tpu.sem_alloc : memref<!tpu.dma_semaphore, #tpu.memory_space<semaphore_mem>>
        %dma_start3A_275 = arith.constant 0 : i32
        %dma_start3A_276 = tpu.memref_slice %arg8[%run_scoped3A_262, %dma_start3A_275] : memref<2x128xi32, #tpu.memory_space<vmem>> -> memref<1x128xi32, #tpu.memory_space<vmem>>
        %dma_start3A_277 = tpu.memref_squeeze %dma_start3A_276 : memref<1x128xi32, #tpu.memory_space<vmem>> -> memref<128xi32, #tpu.memory_space<vmem>>
        %dma_start3A_278 = arith.constant 0 : i32
        %dma_start3A_279 = arith.constant 0 : i32
        %dma_start3A_280 = tpu.memref_slice %arg12[%dma_start3A_278, %dma_start3A_279] : memref<10000x128xf32, #tpu.memory_space<vmem_shared>> -> memref<10000x128xf32, #tpu.memory_space<vmem_shared>>
        tpu.enqueue_indirect_dma source(%arg11 : memref<128x128xf32, #tpu.memory_space<vmem>>) target(%dma_start3A_280 : memref<10000x128xf32, #tpu.memory_space<vmem_shared>>) offsets(%dma_start3A_277 : memref<128xi32, #tpu.memory_space<vmem>>) semaphore(%run_scoped3A_274 : memref<!tpu.dma_semaphore, #tpu.memory_space<semaphore_mem>>) {add = true}
        %dma_wait3A_281 = arith.constant 0 : i32
        %dma_wait3A_282 = tpu.memref_slice %arg8[%run_scoped3A_262, %dma_wait3A_281] : memref<2x128xi32, #tpu.memory_space<vmem>> -> memref<1x128xi32, #tpu.memory_space<vmem>>
        %dma_wait3A_283 = tpu.memref_squeeze %dma_wait3A_282 : memref<1x128xi32, #tpu.memory_space<vmem>> -> memref<128xi32, #tpu.memory_space<vmem>>
        %dma_wait3A_284 = arith.constant 0 : i32
        %dma_wait3A_285 = arith.constant 0 : i32
        %dma_wait3A_286 = tpu.memref_slice %arg12[%dma_wait3A_284, %dma_wait3A_285] : memref<10000x128xf32, #tpu.memory_space<vmem_shared>> -> memref<10000x128xf32, #tpu.memory_space<vmem_shared>>
        tpu.wait_indirect_dma semaphore(%run_scoped3A_274 : memref<!tpu.dma_semaphore, #tpu.memory_space<semaphore_mem>>) src(%arg11 : memref<128x128xf32, #tpu.memory_space<vmem>>) dst(%dma_wait3A_286 : memref<10000x128xf32, #tpu.memory_space<vmem_shared>>)
        tpu.yield
      }) : () -> ()
      %add3A_263 = arith.constant 3 : i32
      %add3A_264 = arith.addi %add3A_236, %add3A_263 : i32
      %add3A_265 = arith.addi %mul3A_4, %add3A_264 : i32
      %dma_start3A_266 = arith.constant 0 : i32
      %dma_start3A_267 = arith.constant 0 : i32
      %dma_start3A_268 = tpu.memref_slice %arg3[%add3A_265, %dma_start3A_266, %dma_start3A_267] : memref<2500x2x128xi32, #tpu.memory_space<hbm>> -> memref<1x2x128xi32, #tpu.memory_space<hbm>>
      %dma_start3A_269 = tpu.memref_squeeze %dma_start3A_268 : memref<1x2x128xi32, #tpu.memory_space<hbm>> -> memref<2x128xi32, #tpu.memory_space<hbm>>
      %dma_start3A_270 = arith.constant 0 : i32
      %dma_start3A_271 = arith.constant 0 : i32
      %dma_start3A_272 = tpu.memref_slice %arg3[%add3A_265, %dma_start3A_270, %dma_start3A_271] : memref<2500x2x128xi32, #tpu.memory_space<hbm>> -> memref<1x2x128xi32, #tpu.memory_space<hbm>>
      %dma_start3A_273 = tpu.memref_squeeze %dma_start3A_272 : memref<1x2x128xi32, #tpu.memory_space<hbm>> -> memref<2x128xi32, #tpu.memory_space<hbm>>
      tpu.enqueue_dma source(%dma_start3A_273 : memref<2x128xi32, #tpu.memory_space<hbm>>) target(%arg8 : memref<2x128xi32, #tpu.memory_space<vmem>>) target_semaphore(%arg18 : memref<!tpu.dma_semaphore, #tpu.memory_space<semaphore_mem>>)
    }
    %scan3A_81 = arith.constant 25 : i32
    %dma_wait3A_82 = arith.constant 0 : i32
    %dma_wait3A_83 = arith.constant 0 : i32
    %dma_wait3A_84 = tpu.memref_slice %arg6[%dma_wait3A_82, %dma_wait3A_83] : memref<2x128xi32, #tpu.memory_space<vmem>> -> memref<1x128xi32, #tpu.memory_space<vmem>>
    %dma_wait3A_85 = tpu.memref_squeeze %dma_wait3A_84 : memref<1x128xi32, #tpu.memory_space<vmem>> -> memref<128xi32, #tpu.memory_space<vmem>>
    %dma_wait3A_86 = arith.constant 0 : i32
    %dma_wait3A_87 = arith.constant 0 : i32
    %dma_wait3A_88 = tpu.memref_slice %arg2[%dma_wait3A_86, %dma_wait3A_87] : memref<80000x128xf32, #tpu.memory_space<hbm>> -> memref<80000x128xf32, #tpu.memory_space<hbm>>
    tpu.wait_indirect_dma semaphore(%arg13 : memref<!tpu.dma_semaphore, #tpu.memory_space<semaphore_mem>>) src(%dma_wait3A_88 : memref<80000x128xf32, #tpu.memory_space<hbm>>) dst(%arg9 : memref<128x128xf32, #tpu.memory_space<vmem>>)
    %add3A_89 = arith.constant 77 : i32
    %add3A_90 = arith.addi %mul3A_4, %add3A_89 : i32
    %dma_wait3A_91 = arith.constant 0 : i32
    %dma_wait3A_92 = arith.constant 0 : i32
    %dma_wait3A_93 = tpu.memref_slice %arg3[%add3A_90, %dma_wait3A_91, %dma_wait3A_92] : memref<2500x2x128xi32, #tpu.memory_space<hbm>> -> memref<1x2x128xi32, #tpu.memory_space<hbm>>
    %dma_wait3A_94 = tpu.memref_squeeze %dma_wait3A_93 : memref<1x2x128xi32, #tpu.memory_space<hbm>> -> memref<2x128xi32, #tpu.memory_space<hbm>>
    %dma_wait3A_95 = arith.constant 0 : i32
    %dma_wait3A_96 = arith.constant 0 : i32
    %dma_wait3A_97 = tpu.memref_slice %arg3[%add3A_90, %dma_wait3A_95, %dma_wait3A_96] : memref<2500x2x128xi32, #tpu.memory_space<hbm>> -> memref<1x2x128xi32, #tpu.memory_space<hbm>>
    %dma_wait3A_98 = tpu.memref_squeeze %dma_wait3A_97 : memref<1x2x128xi32, #tpu.memory_space<hbm>> -> memref<2x128xi32, #tpu.memory_space<hbm>>
    tpu.wait_dma2 semaphore(%arg18 : memref<!tpu.dma_semaphore, #tpu.memory_space<semaphore_mem>>) src(%dma_wait3A_98 : memref<2x128xi32, #tpu.memory_space<hbm>>) dst(%arg8 : memref<2x128xi32, #tpu.memory_space<vmem>>)
    %dma_start3A_99 = arith.constant 0 : i32
    %dma_start3A_100 = arith.constant 0 : i32
    %dma_start3A_101 = tpu.memref_slice %arg8[%dma_start3A_99, %dma_start3A_100] : memref<2x128xi32, #tpu.memory_space<vmem>> -> memref<1x128xi32, #tpu.memory_space<vmem>>
    %dma_start3A_102 = tpu.memref_squeeze %dma_start3A_101 : memref<1x128xi32, #tpu.memory_space<vmem>> -> memref<128xi32, #tpu.memory_space<vmem>>
    %dma_start3A_103 = arith.constant 0 : i32
    %dma_start3A_104 = arith.constant 0 : i32
    %dma_start3A_105 = tpu.memref_slice %arg2[%dma_start3A_103, %dma_start3A_104] : memref<80000x128xf32, #tpu.memory_space<hbm>> -> memref<80000x128xf32, #tpu.memory_space<hbm>>
    tpu.enqueue_indirect_dma source(%dma_start3A_105 : memref<80000x128xf32, #tpu.memory_space<hbm>>) target(%arg11 : memref<128x128xf32, #tpu.memory_space<vmem>>) offsets(%dma_start3A_102 : memref<128xi32, #tpu.memory_space<vmem>>) semaphore(%arg15 : memref<!tpu.dma_semaphore, #tpu.memory_space<semaphore_mem>>)
    %run_scoped3A = arith.constant 1 : i32
    "tpu.region"() ({
      %run_scoped3A_146 = tpu.sem_alloc : memref<!tpu.dma_semaphore, #tpu.memory_space<semaphore_mem>>
      %dma_start3A_147 = arith.constant 0 : i32
      %dma_start3A_148 = tpu.memref_slice %arg6[%run_scoped3A, %dma_start3A_147] : memref<2x128xi32, #tpu.memory_space<vmem>> -> memref<1x128xi32, #tpu.memory_space<vmem>>
      %dma_start3A_149 = tpu.memref_squeeze %dma_start3A_148 : memref<1x128xi32, #tpu.memory_space<vmem>> -> memref<128xi32, #tpu.memory_space<vmem>>
      %dma_start3A_150 = arith.constant 0 : i32
      %dma_start3A_151 = arith.constant 0 : i32
      %dma_start3A_152 = tpu.memref_slice %arg12[%dma_start3A_150, %dma_start3A_151] : memref<10000x128xf32, #tpu.memory_space<vmem_shared>> -> memref<10000x128xf32, #tpu.memory_space<vmem_shared>>
      tpu.enqueue_indirect_dma source(%arg9 : memref<128x128xf32, #tpu.memory_space<vmem>>) target(%dma_start3A_152 : memref<10000x128xf32, #tpu.memory_space<vmem_shared>>) offsets(%dma_start3A_149 : memref<128xi32, #tpu.memory_space<vmem>>) semaphore(%run_scoped3A_146 : memref<!tpu.dma_semaphore, #tpu.memory_space<semaphore_mem>>) {add = true}
      %dma_wait3A_153 = arith.constant 0 : i32
      %dma_wait3A_154 = tpu.memref_slice %arg6[%run_scoped3A, %dma_wait3A_153] : memref<2x128xi32, #tpu.memory_space<vmem>> -> memref<1x128xi32, #tpu.memory_space<vmem>>
      %dma_wait3A_155 = tpu.memref_squeeze %dma_wait3A_154 : memref<1x128xi32, #tpu.memory_space<vmem>> -> memref<128xi32, #tpu.memory_space<vmem>>
      %dma_wait3A_156 = arith.constant 0 : i32
      %dma_wait3A_157 = arith.constant 0 : i32
      %dma_wait3A_158 = tpu.memref_slice %arg12[%dma_wait3A_156, %dma_wait3A_157] : memref<10000x128xf32, #tpu.memory_space<vmem_shared>> -> memref<10000x128xf32, #tpu.memory_space<vmem_shared>>
      tpu.wait_indirect_dma semaphore(%run_scoped3A_146 : memref<!tpu.dma_semaphore, #tpu.memory_space<semaphore_mem>>) src(%arg9 : memref<128x128xf32, #tpu.memory_space<vmem>>) dst(%dma_wait3A_158 : memref<10000x128xf32, #tpu.memory_space<vmem_shared>>)
      tpu.yield
    }) : () -> ()
    %lt3A = arith.constant 4 : i32
    %lt3A_106 = arith.cmpi slt, %add3A, %lt3A : i32
    %convert_element_type3A_107 = arith.extui %lt3A_106 : i1 to i32
    %cond3A_108 = arith.constant 0 : i32
    %cond3A_109 = arith.cmpi ne, %convert_element_type3A_107, %cond3A_108 : i32
    scf.if %cond3A_109 {
      %add3A_146 = arith.constant 2496 : i32
      %add3A_147 = arith.addi %add3A_146, %add3A : i32
      %dma_start3A_148 = arith.constant 0 : i32
      %dma_start3A_149 = arith.constant 0 : i32
      %dma_start3A_150 = tpu.memref_slice %arg3[%add3A_147, %dma_start3A_148, %dma_start3A_149] : memref<2500x2x128xi32, #tpu.memory_space<hbm>> -> memref<1x2x128xi32, #tpu.memory_space<hbm>>
      %dma_start3A_151 = tpu.memref_squeeze %dma_start3A_150 : memref<1x2x128xi32, #tpu.memory_space<hbm>> -> memref<2x128xi32, #tpu.memory_space<hbm>>
      %dma_start3A_152 = arith.constant 0 : i32
      %dma_start3A_153 = arith.constant 0 : i32
      %dma_start3A_154 = tpu.memref_slice %arg3[%add3A_147, %dma_start3A_152, %dma_start3A_153] : memref<2500x2x128xi32, #tpu.memory_space<hbm>> -> memref<1x2x128xi32, #tpu.memory_space<hbm>>
      %dma_start3A_155 = tpu.memref_squeeze %dma_start3A_154 : memref<1x2x128xi32, #tpu.memory_space<hbm>> -> memref<2x128xi32, #tpu.memory_space<hbm>>
      tpu.enqueue_dma source(%dma_start3A_155 : memref<2x128xi32, #tpu.memory_space<hbm>>) target(%arg6 : memref<2x128xi32, #tpu.memory_space<vmem>>) target_semaphore(%arg16 : memref<!tpu.dma_semaphore, #tpu.memory_space<semaphore_mem>>)
    } else {
    }
    %dma_wait3A_110 = arith.constant 0 : i32
    %dma_wait3A_111 = arith.constant 0 : i32
    %dma_wait3A_112 = tpu.memref_slice %arg7[%dma_wait3A_110, %dma_wait3A_111] : memref<2x128xi32, #tpu.memory_space<vmem>> -> memref<1x128xi32, #tpu.memory_space<vmem>>
    %dma_wait3A_113 = tpu.memref_squeeze %dma_wait3A_112 : memref<1x128xi32, #tpu.memory_space<vmem>> -> memref<128xi32, #tpu.memory_space<vmem>>
    %dma_wait3A_114 = arith.constant 0 : i32
    %dma_wait3A_115 = arith.constant 0 : i32
    %dma_wait3A_116 = tpu.memref_slice %arg2[%dma_wait3A_114, %dma_wait3A_115] : memref<80000x128xf32, #tpu.memory_space<hbm>> -> memref<80000x128xf32, #tpu.memory_space<hbm>>
    tpu.wait_indirect_dma semaphore(%arg14 : memref<!tpu.dma_semaphore, #tpu.memory_space<semaphore_mem>>) src(%dma_wait3A_116 : memref<80000x128xf32, #tpu.memory_space<hbm>>) dst(%arg10 : memref<128x128xf32, #tpu.memory_space<vmem>>)
    %run_scoped3A_117 = arith.constant 1 : i32
    "tpu.region"() ({
      %run_scoped3A_146 = tpu.sem_alloc : memref<!tpu.dma_semaphore, #tpu.memory_space<semaphore_mem>>
      %dma_start3A_147 = arith.constant 0 : i32
      %dma_start3A_148 = tpu.memref_slice %arg7[%run_scoped3A_117, %dma_start3A_147] : memref<2x128xi32, #tpu.memory_space<vmem>> -> memref<1x128xi32, #tpu.memory_space<vmem>>
      %dma_start3A_149 = tpu.memref_squeeze %dma_start3A_148 : memref<1x128xi32, #tpu.memory_space<vmem>> -> memref<128xi32, #tpu.memory_space<vmem>>
      %dma_start3A_150 = arith.constant 0 : i32
      %dma_start3A_151 = arith.constant 0 : i32
      %dma_start3A_152 = tpu.memref_slice %arg12[%dma_start3A_150, %dma_start3A_151] : memref<10000x128xf32, #tpu.memory_space<vmem_shared>> -> memref<10000x128xf32, #tpu.memory_space<vmem_shared>>
      tpu.enqueue_indirect_dma source(%arg10 : memref<128x128xf32, #tpu.memory_space<vmem>>) target(%dma_start3A_152 : memref<10000x128xf32, #tpu.memory_space<vmem_shared>>) offsets(%dma_start3A_149 : memref<128xi32, #tpu.memory_space<vmem>>) semaphore(%run_scoped3A_146 : memref<!tpu.dma_semaphore, #tpu.memory_space<semaphore_mem>>) {add = true}
      %dma_wait3A_153 = arith.constant 0 : i32
      %dma_wait3A_154 = tpu.memref_slice %arg7[%run_scoped3A_117, %dma_wait3A_153] : memref<2x128xi32, #tpu.memory_space<vmem>> -> memref<1x128xi32, #tpu.memory_space<vmem>>
      %dma_wait3A_155 = tpu.memref_squeeze %dma_wait3A_154 : memref<1x128xi32, #tpu.memory_space<vmem>> -> memref<128xi32, #tpu.memory_space<vmem>>
      %dma_wait3A_156 = arith.constant 0 : i32
      %dma_wait3A_157 = arith.constant 0 : i32
      %dma_wait3A_158 = tpu.memref_slice %arg12[%dma_wait3A_156, %dma_wait3A_157] : memref<10000x128xf32, #tpu.memory_space<vmem_shared>> -> memref<10000x128xf32, #tpu.memory_space<vmem_shared>>
      tpu.wait_indirect_dma semaphore(%run_scoped3A_146 : memref<!tpu.dma_semaphore, #tpu.memory_space<semaphore_mem>>) src(%arg10 : memref<128x128xf32, #tpu.memory_space<vmem>>) dst(%dma_wait3A_158 : memref<10000x128xf32, #tpu.memory_space<vmem_shared>>)
      tpu.yield
    }) : () -> ()
    %lt3A_118 = arith.constant 4 : i32
    %lt3A_119 = arith.cmpi slt, %add3A, %lt3A_118 : i32
    %convert_element_type3A_120 = arith.extui %lt3A_119 : i1 to i32
    %cond3A_121 = arith.constant 0 : i32
    %cond3A_122 = arith.cmpi ne, %convert_element_type3A_120, %cond3A_121 : i32
    scf.if %cond3A_122 {
      %add3A_146 = arith.constant 2496 : i32
      %add3A_147 = arith.addi %add3A_146, %add3A : i32
      %dma_wait3A_148 = arith.constant 0 : i32
      %dma_wait3A_149 = arith.constant 0 : i32
      %dma_wait3A_150 = tpu.memref_slice %arg3[%add3A_147, %dma_wait3A_148, %dma_wait3A_149] : memref<2500x2x128xi32, #tpu.memory_space<hbm>> -> memref<1x2x128xi32, #tpu.memory_space<hbm>>
      %dma_wait3A_151 = tpu.memref_squeeze %dma_wait3A_150 : memref<1x2x128xi32, #tpu.memory_space<hbm>> -> memref<2x128xi32, #tpu.memory_space<hbm>>
      %dma_wait3A_152 = arith.constant 0 : i32
      %dma_wait3A_153 = arith.constant 0 : i32
      %dma_wait3A_154 = tpu.memref_slice %arg3[%add3A_147, %dma_wait3A_152, %dma_wait3A_153] : memref<2500x2x128xi32, #tpu.memory_space<hbm>> -> memref<1x2x128xi32, #tpu.memory_space<hbm>>
      %dma_wait3A_155 = tpu.memref_squeeze %dma_wait3A_154 : memref<1x2x128xi32, #tpu.memory_space<hbm>> -> memref<2x128xi32, #tpu.memory_space<hbm>>
      tpu.wait_dma2 semaphore(%arg16 : memref<!tpu.dma_semaphore, #tpu.memory_space<semaphore_mem>>) src(%dma_wait3A_155 : memref<2x128xi32, #tpu.memory_space<hbm>>) dst(%arg6 : memref<2x128xi32, #tpu.memory_space<vmem>>)
      %dma_start3A_156 = arith.constant 0 : i32
      %dma_start3A_157 = arith.constant 0 : i32
      %dma_start3A_158 = tpu.memref_slice %arg6[%dma_start3A_156, %dma_start3A_157] : memref<2x128xi32, #tpu.memory_space<vmem>> -> memref<1x128xi32, #tpu.memory_space<vmem>>
      %dma_start3A_159 = tpu.memref_squeeze %dma_start3A_158 : memref<1x128xi32, #tpu.memory_space<vmem>> -> memref<128xi32, #tpu.memory_space<vmem>>
      %dma_start3A_160 = arith.constant 0 : i32
      %dma_start3A_161 = arith.constant 0 : i32
      %dma_start3A_162 = tpu.memref_slice %arg2[%dma_start3A_160, %dma_start3A_161] : memref<80000x128xf32, #tpu.memory_space<hbm>> -> memref<80000x128xf32, #tpu.memory_space<hbm>>
      tpu.enqueue_indirect_dma source(%dma_start3A_162 : memref<80000x128xf32, #tpu.memory_space<hbm>>) target(%arg9 : memref<128x128xf32, #tpu.memory_space<vmem>>) offsets(%dma_start3A_159 : memref<128xi32, #tpu.memory_space<vmem>>) semaphore(%arg13 : memref<!tpu.dma_semaphore, #tpu.memory_space<semaphore_mem>>)
    } else {
    }
    %dma_wait3A_123 = arith.constant 0 : i32
    %dma_wait3A_124 = arith.constant 0 : i32
    %dma_wait3A_125 = tpu.memref_slice %arg8[%dma_wait3A_123, %dma_wait3A_124] : memref<2x128xi32, #tpu.memory_space<vmem>> -> memref<1x128xi32, #tpu.memory_space<vmem>>
    %dma_wait3A_126 = tpu.memref_squeeze %dma_wait3A_125 : memref<1x128xi32, #tpu.memory_space<vmem>> -> memref<128xi32, #tpu.memory_space<vmem>>
    %dma_wait3A_127 = arith.constant 0 : i32
    %dma_wait3A_128 = arith.constant 0 : i32
    %dma_wait3A_129 = tpu.memref_slice %arg2[%dma_wait3A_127, %dma_wait3A_128] : memref<80000x128xf32, #tpu.memory_space<hbm>> -> memref<80000x128xf32, #tpu.memory_space<hbm>>
    tpu.wait_indirect_dma semaphore(%arg15 : memref<!tpu.dma_semaphore, #tpu.memory_space<semaphore_mem>>) src(%dma_wait3A_129 : memref<80000x128xf32, #tpu.memory_space<hbm>>) dst(%arg11 : memref<128x128xf32, #tpu.memory_space<vmem>>)
    %run_scoped3A_130 = arith.constant 1 : i32
    "tpu.region"() ({
      %run_scoped3A_146 = tpu.sem_alloc : memref<!tpu.dma_semaphore, #tpu.memory_space<semaphore_mem>>
      %dma_start3A_147 = arith.constant 0 : i32
      %dma_start3A_148 = tpu.memref_slice %arg8[%run_scoped3A_130, %dma_start3A_147] : memref<2x128xi32, #tpu.memory_space<vmem>> -> memref<1x128xi32, #tpu.memory_space<vmem>>
      %dma_start3A_149 = tpu.memref_squeeze %dma_start3A_148 : memref<1x128xi32, #tpu.memory_space<vmem>> -> memref<128xi32, #tpu.memory_space<vmem>>
      %dma_start3A_150 = arith.constant 0 : i32
      %dma_start3A_151 = arith.constant 0 : i32
      %dma_start3A_152 = tpu.memref_slice %arg12[%dma_start3A_150, %dma_start3A_151] : memref<10000x128xf32, #tpu.memory_space<vmem_shared>> -> memref<10000x128xf32, #tpu.memory_space<vmem_shared>>
      tpu.enqueue_indirect_dma source(%arg11 : memref<128x128xf32, #tpu.memory_space<vmem>>) target(%dma_start3A_152 : memref<10000x128xf32, #tpu.memory_space<vmem_shared>>) offsets(%dma_start3A_149 : memref<128xi32, #tpu.memory_space<vmem>>) semaphore(%run_scoped3A_146 : memref<!tpu.dma_semaphore, #tpu.memory_space<semaphore_mem>>) {add = true}
      %dma_wait3A_153 = arith.constant 0 : i32
      %dma_wait3A_154 = tpu.memref_slice %arg8[%run_scoped3A_130, %dma_wait3A_153] : memref<2x128xi32, #tpu.memory_space<vmem>> -> memref<1x128xi32, #tpu.memory_space<vmem>>
      %dma_wait3A_155 = tpu.memref_squeeze %dma_wait3A_154 : memref<1x128xi32, #tpu.memory_space<vmem>> -> memref<128xi32, #tpu.memory_space<vmem>>
      %dma_wait3A_156 = arith.constant 0 : i32
      %dma_wait3A_157 = arith.constant 0 : i32
      %dma_wait3A_158 = tpu.memref_slice %arg12[%dma_wait3A_156, %dma_wait3A_157] : memref<10000x128xf32, #tpu.memory_space<vmem_shared>> -> memref<10000x128xf32, #tpu.memory_space<vmem_shared>>
      tpu.wait_indirect_dma semaphore(%run_scoped3A_146 : memref<!tpu.dma_semaphore, #tpu.memory_space<semaphore_mem>>) src(%arg11 : memref<128x128xf32, #tpu.memory_space<vmem>>) dst(%dma_wait3A_158 : memref<10000x128xf32, #tpu.memory_space<vmem_shared>>)
      tpu.yield
    }) : () -> ()
    %lt3A_131 = arith.constant 4 : i32
    %lt3A_132 = arith.cmpi slt, %add3A, %lt3A_131 : i32
    %convert_element_type3A_133 = arith.extui %lt3A_132 : i1 to i32
    %cond3A_134 = arith.constant 0 : i32
    %cond3A_135 = arith.cmpi ne, %convert_element_type3A_133, %cond3A_134 : i32
    scf.if %cond3A_135 {
      %dma_wait3A_146 = arith.constant 0 : i32
      %dma_wait3A_147 = arith.constant 0 : i32
      %dma_wait3A_148 = tpu.memref_slice %arg6[%dma_wait3A_146, %dma_wait3A_147] : memref<2x128xi32, #tpu.memory_space<vmem>> -> memref<1x128xi32, #tpu.memory_space<vmem>>
      %dma_wait3A_149 = tpu.memref_squeeze %dma_wait3A_148 : memref<1x128xi32, #tpu.memory_space<vmem>> -> memref<128xi32, #tpu.memory_space<vmem>>
      %dma_wait3A_150 = arith.constant 0 : i32
      %dma_wait3A_151 = arith.constant 0 : i32
      %dma_wait3A_152 = tpu.memref_slice %arg2[%dma_wait3A_150, %dma_wait3A_151] : memref<80000x128xf32, #tpu.memory_space<hbm>> -> memref<80000x128xf32, #tpu.memory_space<hbm>>
      tpu.wait_indirect_dma semaphore(%arg13 : memref<!tpu.dma_semaphore, #tpu.memory_space<semaphore_mem>>) src(%dma_wait3A_152 : memref<80000x128xf32, #tpu.memory_space<hbm>>) dst(%arg9 : memref<128x128xf32, #tpu.memory_space<vmem>>)
      %run_scoped3A_153 = arith.constant 1 : i32
      "tpu.region"() ({
        %run_scoped3A_154 = tpu.sem_alloc : memref<!tpu.dma_semaphore, #tpu.memory_space<semaphore_mem>>
        %dma_start3A_155 = arith.constant 0 : i32
        %dma_start3A_156 = tpu.memref_slice %arg6[%run_scoped3A_153, %dma_start3A_155] : memref<2x128xi32, #tpu.memory_space<vmem>> -> memref<1x128xi32, #tpu.memory_space<vmem>>
        %dma_start3A_157 = tpu.memref_squeeze %dma_start3A_156 : memref<1x128xi32, #tpu.memory_space<vmem>> -> memref<128xi32, #tpu.memory_space<vmem>>
        %dma_start3A_158 = arith.constant 0 : i32
        %dma_start3A_159 = arith.constant 0 : i32
        %dma_start3A_160 = tpu.memref_slice %arg12[%dma_start3A_158, %dma_start3A_159] : memref<10000x128xf32, #tpu.memory_space<vmem_shared>> -> memref<10000x128xf32, #tpu.memory_space<vmem_shared>>
        tpu.enqueue_indirect_dma source(%arg9 : memref<128x128xf32, #tpu.memory_space<vmem>>) target(%dma_start3A_160 : memref<10000x128xf32, #tpu.memory_space<vmem_shared>>) offsets(%dma_start3A_157 : memref<128xi32, #tpu.memory_space<vmem>>) semaphore(%run_scoped3A_154 : memref<!tpu.dma_semaphore, #tpu.memory_space<semaphore_mem>>) {add = true}
        %dma_wait3A_161 = arith.constant 0 : i32
        %dma_wait3A_162 = tpu.memref_slice %arg6[%run_scoped3A_153, %dma_wait3A_161] : memref<2x128xi32, #tpu.memory_space<vmem>> -> memref<1x128xi32, #tpu.memory_space<vmem>>
        %dma_wait3A_163 = tpu.memref_squeeze %dma_wait3A_162 : memref<1x128xi32, #tpu.memory_space<vmem>> -> memref<128xi32, #tpu.memory_space<vmem>>
        %dma_wait3A_164 = arith.constant 0 : i32
        %dma_wait3A_165 = arith.constant 0 : i32
        %dma_wait3A_166 = tpu.memref_slice %arg12[%dma_wait3A_164, %dma_wait3A_165] : memref<10000x128xf32, #tpu.memory_space<vmem_shared>> -> memref<10000x128xf32, #tpu.memory_space<vmem_shared>>
        tpu.wait_indirect_dma semaphore(%run_scoped3A_154 : memref<!tpu.dma_semaphore, #tpu.memory_space<semaphore_mem>>) src(%arg9 : memref<128x128xf32, #tpu.memory_space<vmem>>) dst(%dma_wait3A_166 : memref<10000x128xf32, #tpu.memory_space<vmem_shared>>)
        tpu.yield
      }) : () -> ()
    } else {
    }
    %barrier3A_136 = arith.constant 0 : index
    tpu.barrier barrier_id(%barrier3A_136)
    %ne3A = arith.constant 15 : i32
    %ne3A_137 = arith.cmpi ne, %arg1, %ne3A : i32
    %convert_element_type3A_138 = arith.extui %ne3A_137 : i1 to i32
    %cond3A_139 = arith.constant 0 : i32
    %cond3A_140 = arith.cmpi ne, %convert_element_type3A_138, %cond3A_139 : i32
    scf.if %cond3A_140 {
      "tpu.region"() ({
        %run_scoped3A_146 = tpu.sem_alloc : memref<!tpu.dma_semaphore, #tpu.memory_space<semaphore_mem>>
        %dma_start3A_147 = arith.constant 0 : i32
        %dma_start3A_148 = tpu.memref_slice %arg5[%arg0, %multiple_of3A, %dma_start3A_147] : memref<2x10000x128xf32, #tpu.memory_space<hbm>> -> memref<1x624x128xf32, #tpu.memory_space<hbm>>
        %dma_start3A_149 = tpu.memref_squeeze %dma_start3A_148 : memref<1x624x128xf32, #tpu.memory_space<hbm>> -> memref<624x128xf32, #tpu.memory_space<hbm>>
        %dma_start3A_150 = arith.constant 0 : i32
        %dma_start3A_151 = tpu.memref_slice %arg12[%multiple_of3A, %dma_start3A_150] : memref<10000x128xf32, #tpu.memory_space<vmem_shared>> -> memref<624x128xf32, #tpu.memory_space<vmem_shared>>
        tpu.enqueue_dma source(%dma_start3A_151 : memref<624x128xf32, #tpu.memory_space<vmem_shared>>) target(%dma_start3A_149 : memref<624x128xf32, #tpu.memory_space<hbm>>) target_semaphore(%run_scoped3A_146 : memref<!tpu.dma_semaphore, #tpu.memory_space<semaphore_mem>>)
        %dma_wait3A_152 = arith.constant 0 : i32
        %dma_wait3A_153 = tpu.memref_slice %arg5[%arg0, %multiple_of3A, %dma_wait3A_152] : memref<2x10000x128xf32, #tpu.memory_space<hbm>> -> memref<1x624x128xf32, #tpu.memory_space<hbm>>
        %dma_wait3A_154 = tpu.memref_squeeze %dma_wait3A_153 : memref<1x624x128xf32, #tpu.memory_space<hbm>> -> memref<624x128xf32, #tpu.memory_space<hbm>>
        %dma_wait3A_155 = arith.constant 0 : i32
        %dma_wait3A_156 = tpu.memref_slice %arg12[%multiple_of3A, %dma_wait3A_155] : memref<10000x128xf32, #tpu.memory_space<vmem_shared>> -> memref<624x128xf32, #tpu.memory_space<vmem_shared>>
        tpu.wait_dma2 semaphore(%run_scoped3A_146 : memref<!tpu.dma_semaphore, #tpu.memory_space<semaphore_mem>>) src(%dma_wait3A_156 : memref<624x128xf32, #tpu.memory_space<vmem_shared>>) dst(%dma_wait3A_154 : memref<624x128xf32, #tpu.memory_space<hbm>>)
        tpu.yield
      }) : () -> ()
    } else {
    }
    %eq3A_141 = arith.constant 15 : i32
    %eq3A_142 = arith.cmpi eq, %arg1, %eq3A_141 : i32
    %convert_element_type3A_143 = arith.extui %eq3A_142 : i1 to i32
    %cond3A_144 = arith.constant 0 : i32
    %cond3A_145 = arith.cmpi ne, %convert_element_type3A_143, %cond3A_144 : i32
    scf.if %cond3A_145 {
      "tpu.region"() ({
        %run_scoped3A_146 = tpu.sem_alloc : memref<!tpu.dma_semaphore, #tpu.memory_space<semaphore_mem>>
        %dma_start3A_147 = arith.constant 9360 : i32
        %dma_start3A_148 = arith.constant 0 : i32
        %dma_start3A_149 = tpu.memref_slice %arg5[%arg0, %dma_start3A_147, %dma_start3A_148] : memref<2x10000x128xf32, #tpu.memory_space<hbm>> -> memref<1x640x128xf32, #tpu.memory_space<hbm>>
        %dma_start3A_150 = tpu.memref_squeeze %dma_start3A_149 : memref<1x640x128xf32, #tpu.memory_space<hbm>> -> memref<640x128xf32, #tpu.memory_space<hbm>>
        %dma_start3A_151 = arith.constant 9360 : i32
        %dma_start3A_152 = arith.constant 0 : i32
        %dma_start3A_153 = tpu.memref_slice %arg12[%dma_start3A_151, %dma_start3A_152] : memref<10000x128xf32, #tpu.memory_space<vmem_shared>> -> memref<640x128xf32, #tpu.memory_space<vmem_shared>>
        tpu.enqueue_dma source(%dma_start3A_153 : memref<640x128xf32, #tpu.memory_space<vmem_shared>>) target(%dma_start3A_150 : memref<640x128xf32, #tpu.memory_space<hbm>>) target_semaphore(%run_scoped3A_146 : memref<!tpu.dma_semaphore, #tpu.memory_space<semaphore_mem>>)
        %dma_wait3A_154 = arith.constant 9360 : i32
        %dma_wait3A_155 = arith.constant 0 : i32
        %dma_wait3A_156 = tpu.memref_slice %arg5[%arg0, %dma_wait3A_154, %dma_wait3A_155] : memref<2x10000x128xf32, #tpu.memory_space<hbm>> -> memref<1x640x128xf32, #tpu.memory_space<hbm>>
        %dma_wait3A_157 = tpu.memref_squeeze %dma_wait3A_156 : memref<1x640x128xf32, #tpu.memory_space<hbm>> -> memref<640x128xf32, #tpu.memory_space<hbm>>
        %dma_wait3A_158 = arith.constant 9360 : i32
        %dma_wait3A_159 = arith.constant 0 : i32
        %dma_wait3A_160 = tpu.memref_slice %arg12[%dma_wait3A_158, %dma_wait3A_159] : memref<10000x128xf32, #tpu.memory_space<vmem_shared>> -> memref<640x128xf32, #tpu.memory_space<vmem_shared>>
        tpu.wait_dma2 semaphore(%run_scoped3A_146 : memref<!tpu.dma_semaphore, #tpu.memory_space<semaphore_mem>>) src(%dma_wait3A_160 : memref<640x128xf32, #tpu.memory_space<vmem_shared>>) dst(%dma_wait3A_157 : memref<640x128xf32, #tpu.memory_space<hbm>>)
        tpu.yield
      }) : () -> ()
    } else {
    }
    return
  }
}

#map = affine_map<(d0, d1) -> (0, 0)>
#map1 = affine_map<(d0, d1) -> (0, 0, 0)>
module attributes {stable_mosaic.version = 14 : i64} {
  func.func @sc_agg(%arg0: i32, %arg1: i32, %arg2: memref<80000x128xf32, #tpu.memory_space<hbm>>, %arg3: memref<2500x2x128xi32, #tpu.memory_space<hbm>>, %arg4: memref<10000x128xf32, #tpu.memory_space<hbm>>, %arg5: memref<2x10000x128xf32, #tpu.memory_space<hbm>>, %arg6: memref<2x128xi32, #tpu.memory_space<vmem>>, %arg7: memref<2x128xi32, #tpu.memory_space<vmem>>, %arg8: memref<2x128xi32, #tpu.memory_space<vmem>>, %arg9: memref<128x128xf32, #tpu.memory_space<vmem>>, %arg10: memref<128x128xf32, #tpu.memory_space<vmem>>, %arg11: memref<128x128xf32, #tpu.memory_space<vmem>>, %arg12: memref<10000x128xf32, #tpu.memory_space<vmem_shared>>, %arg13: memref<!tpu.dma_semaphore, #tpu.memory_space<semaphore_mem>>, %arg14: memref<!tpu.dma_semaphore, #tpu.memory_space<semaphore_mem>>, %arg15: memref<!tpu.dma_semaphore, #tpu.memory_space<semaphore_mem>>, %arg16: memref<!tpu.dma_semaphore, #tpu.memory_space<semaphore_mem>>, %arg17: memref<!tpu.dma_semaphore, #tpu.memory_space<semaphore_mem>>, %arg18: memref<!tpu.dma_semaphore, #tpu.memory_space<semaphore_mem>>, %arg19: memref<!tpu.dma_semaphore, #tpu.memory_space<semaphore_mem>>) attributes {dimension_semantics = [#tpu.dimension_semantics<core_parallel>, #tpu.dimension_semantics<subcore_parallel>], iteration_bounds = array<i64: 2, 16>, scalar_prefetch = 0 : i64, scratch_operands = 14 : i64, tpu.core_type = #tpu.core_type<sc_vector_subcore>, window_params = [{transform_indices = #map}, {transform_indices = #map1}, {transform_indices = #map}, {transform_indices = #map1}]} {
    %mul3A = arith.constant 16 : i32
    %mul3A_0 = arith.muli %arg0, %mul3A : i32
    %add3A = arith.addi %mul3A_0, %arg1 : i32
    %mul3A_1 = arith.constant 624 : i32
    %mul3A_2 = arith.muli %arg1, %mul3A_1 : i32
    %multiple_of3A = tpu.assume_multiple %mul3A_2, 8 : i32
    %mul3A_3 = arith.constant 78 : i32
    %mul3A_4 = arith.muli %add3A, %mul3A_3 : i32
    %dma_start3A = arith.constant 0 : i32
    %dma_start3A_5 = tpu.memref_slice %arg12[%multiple_of3A, %dma_start3A] : memref<10000x128xf32, #tpu.memory_space<vmem_shared>> -> memref<624x128xf32, #tpu.memory_space<vmem_shared>>
    %dma_start3A_6 = arith.constant 0 : i32
    %dma_start3A_7 = tpu.memref_slice %arg4[%multiple_of3A, %dma_start3A_6] : memref<10000x128xf32, #tpu.memory_space<hbm>> -> memref<624x128xf32, #tpu.memory_space<hbm>>
    tpu.enqueue_dma source(%dma_start3A_7 : memref<624x128xf32, #tpu.memory_space<hbm>>) target(%dma_start3A_5 : memref<624x128xf32, #tpu.memory_space<vmem_shared>>) target_semaphore(%arg19 : memref<!tpu.dma_semaphore, #tpu.memory_space<semaphore_mem>>)
    %eq3A = arith.constant 15 : i32
    %eq3A_8 = arith.cmpi eq, %arg1, %eq3A : i32
    %convert_element_type3A = arith.extui %eq3A_8 : i1 to i32
    %cond3A = arith.constant 0 : i32
    %cond3A_9 = arith.cmpi ne, %convert_element_type3A, %cond3A : i32
    scf.if %cond3A_9 {
      %dma_start3A_146 = arith.constant 9984 : i32
      %dma_start3A_147 = arith.constant 0 : i32
      %dma_start3A_148 = tpu.memref_slice %arg12[%dma_start3A_146, %dma_start3A_147] : memref<10000x128xf32, #tpu.memory_space<vmem_shared>> -> memref<16x128xf32, #tpu.memory_space<vmem_shared>>
      %dma_start3A_149 = arith.constant 9984 : i32
      %dma_start3A_150 = arith.constant 0 : i32
      %dma_start3A_151 = tpu.memref_slice %arg4[%dma_start3A_149, %dma_start3A_150] : memref<10000x128xf32, #tpu.memory_space<hbm>> -> memref<16x128xf32, #tpu.memory_space<hbm>>
      tpu.enqueue_dma source(%dma_start3A_151 : memref<16x128xf32, #tpu.memory_space<hbm>>) target(%dma_start3A_148 : memref<16x128xf32, #tpu.memory_space<vmem_shared>>) target_semaphore(%arg19 : memref<!tpu.dma_semaphore, #tpu.memory_space<semaphore_mem>>)
    } else {
    }
    %add3A_10 = arith.constant 0 : i32
    %add3A_11 = arith.addi %mul3A_4, %add3A_10 : i32
    %dma_start3A_12 = arith.constant 0 : i32
    %dma_start3A_13 = arith.constant 0 : i32
    %dma_start3A_14 = tpu.memref_slice %arg3[%add3A_11, %dma_start3A_12, %dma_start3A_13] : memref<2500x2x128xi32, #tpu.memory_space<hbm>> -> memref<1x2x128xi32, #tpu.memory_space<hbm>>
    %dma_start3A_15 = tpu.memref_squeeze %dma_start3A_14 : memref<1x2x128xi32, #tpu.memory_space<hbm>> -> memref<2x128xi32, #tpu.memory_space<hbm>>
    %dma_start3A_16 = arith.constant 0 : i32
    %dma_start3A_17 = arith.constant 0 : i32
    %dma_start3A_18 = tpu.memref_slice %arg3[%add3A_11, %dma_start3A_16, %dma_start3A_17] : memref<2500x2x128xi32, #tpu.memory_space<hbm>> -> memref<1x2x128xi32, #tpu.memory_space<hbm>>
    %dma_start3A_19 = tpu.memref_squeeze %dma_start3A_18 : memref<1x2x128xi32, #tpu.memory_space<hbm>> -> memref<2x128xi32, #tpu.memory_space<hbm>>
    tpu.enqueue_dma source(%dma_start3A_19 : memref<2x128xi32, #tpu.memory_space<hbm>>) target(%arg6 : memref<2x128xi32, #tpu.memory_space<vmem>>) target_semaphore(%arg16 : memref<!tpu.dma_semaphore, #tpu.memory_space<semaphore_mem>>)
    %dma_wait3A = arith.constant 0 : i32
    %dma_wait3A_20 = arith.constant 0 : i32
    %dma_wait3A_21 = tpu.memref_slice %arg3[%add3A_11, %dma_wait3A, %dma_wait3A_20] : memref<2500x2x128xi32, #tpu.memory_space<hbm>> -> memref<1x2x128xi32, #tpu.memory_space<hbm>>
    %dma_wait3A_22 = tpu.memref_squeeze %dma_wait3A_21 : memref<1x2x128xi32, #tpu.memory_space<hbm>> -> memref<2x128xi32, #tpu.memory_space<hbm>>
    %dma_wait3A_23 = arith.constant 0 : i32
    %dma_wait3A_24 = arith.constant 0 : i32
    %dma_wait3A_25 = tpu.memref_slice %arg3[%add3A_11, %dma_wait3A_23, %dma_wait3A_24] : memref<2500x2x128xi32, #tpu.memory_space<hbm>> -> memref<1x2x128xi32, #tpu.memory_space<hbm>>
    %dma_wait3A_26 = tpu.memref_squeeze %dma_wait3A_25 : memref<1x2x128xi32, #tpu.memory_space<hbm>> -> memref<2x128xi32, #tpu.memory_space<hbm>>
    tpu.wait_dma2 semaphore(%arg16 : memref<!tpu.dma_semaphore, #tpu.memory_space<semaphore_mem>>) src(%dma_wait3A_26 : memref<2x128xi32, #tpu.memory_space<hbm>>) dst(%arg6 : memref<2x128xi32, #tpu.memory_space<vmem>>)
    %add3A_27 = arith.constant 1 : i32
    %add3A_28 = arith.addi %mul3A_4, %add3A_27 : i32
    %dma_start3A_29 = arith.constant 0 : i32
    %dma_start3A_30 = arith.constant 0 : i32
    %dma_start3A_31 = tpu.memref_slice %arg3[%add3A_28, %dma_start3A_29, %dma_start3A_30] : memref<2500x2x128xi32, #tpu.memory_space<hbm>> -> memref<1x2x128xi32, #tpu.memory_space<hbm>>
    %dma_start3A_32 = tpu.memref_squeeze %dma_start3A_31 : memref<1x2x128xi32, #tpu.memory_space<hbm>> -> memref<2x128xi32, #tpu.memory_space<hbm>>
    %dma_start3A_33 = arith.constant 0 : i32
    %dma_start3A_34 = arith.constant 0 : i32
    %dma_start3A_35 = tpu.memref_slice %arg3[%add3A_28, %dma_start3A_33, %dma_start3A_34] : memref<2500x2x128xi32, #tpu.memory_space<hbm>> -> memref<1x2x128xi32, #tpu.memory_space<hbm>>
    %dma_start3A_36 = tpu.memref_squeeze %dma_start3A_35 : memref<1x2x128xi32, #tpu.memory_space<hbm>> -> memref<2x128xi32, #tpu.memory_space<hbm>>
    tpu.enqueue_dma source(%dma_start3A_36 : memref<2x128xi32, #tpu.memory_space<hbm>>) target(%arg7 : memref<2x128xi32, #tpu.memory_space<vmem>>) target_semaphore(%arg17 : memref<!tpu.dma_semaphore, #tpu.memory_space<semaphore_mem>>)
    %dma_wait3A_37 = arith.constant 0 : i32
    %dma_wait3A_38 = arith.constant 0 : i32
    %dma_wait3A_39 = tpu.memref_slice %arg3[%add3A_28, %dma_wait3A_37, %dma_wait3A_38] : memref<2500x2x128xi32, #tpu.memory_space<hbm>> -> memref<1x2x128xi32, #tpu.memory_space<hbm>>
    %dma_wait3A_40 = tpu.memref_squeeze %dma_wait3A_39 : memref<1x2x128xi32, #tpu.memory_space<hbm>> -> memref<2x128xi32, #tpu.memory_space<hbm>>
    %dma_wait3A_41 = arith.constant 0 : i32
    %dma_wait3A_42 = arith.constant 0 : i32
    %dma_wait3A_43 = tpu.memref_slice %arg3[%add3A_28, %dma_wait3A_41, %dma_wait3A_42] : memref<2500x2x128xi32, #tpu.memory_space<hbm>> -> memref<1x2x128xi32, #tpu.memory_space<hbm>>
    %dma_wait3A_44 = tpu.memref_squeeze %dma_wait3A_43 : memref<1x2x128xi32, #tpu.memory_space<hbm>> -> memref<2x128xi32, #tpu.memory_space<hbm>>
    tpu.wait_dma2 semaphore(%arg17 : memref<!tpu.dma_semaphore, #tpu.memory_space<semaphore_mem>>) src(%dma_wait3A_44 : memref<2x128xi32, #tpu.memory_space<hbm>>) dst(%arg7 : memref<2x128xi32, #tpu.memory_space<vmem>>)
    %dma_start3A_45 = arith.constant 0 : i32
    %dma_start3A_46 = arith.constant 0 : i32
    %dma_start3A_47 = tpu.memref_slice %arg6[%dma_start3A_45, %dma_start3A_46] : memref<2x128xi32, #tpu.memory_space<vmem>> -> memref<1x128xi32, #tpu.memory_space<vmem>>
    %dma_start3A_48 = tpu.memref_squeeze %dma_start3A_47 : memref<1x128xi32, #tpu.memory_space<vmem>> -> memref<128xi32, #tpu.memory_space<vmem>>
    %dma_start3A_49 = arith.constant 0 : i32
    %dma_start3A_50 = arith.constant 0 : i32
    %dma_start3A_51 = tpu.memref_slice %arg2[%dma_start3A_49, %dma_start3A_50] : memref<80000x128xf32, #tpu.memory_space<hbm>> -> memref<80000x128xf32, #tpu.memory_space<hbm>>
    tpu.enqueue_indirect_dma source(%dma_start3A_51 : memref<80000x128xf32, #tpu.memory_space<hbm>>) target(%arg9 : memref<128x128xf32, #tpu.memory_space<vmem>>) offsets(%dma_start3A_48 : memref<128xi32, #tpu.memory_space<vmem>>) semaphore(%arg13 : memref<!tpu.dma_semaphore, #tpu.memory_space<semaphore_mem>>)
    %dma_start3A_52 = arith.constant 0 : i32
    %dma_start3A_53 = arith.constant 0 : i32
    %dma_start3A_54 = tpu.memref_slice %arg7[%dma_start3A_52, %dma_start3A_53] : memref<2x128xi32, #tpu.memory_space<vmem>> -> memref<1x128xi32, #tpu.memory_space<vmem>>
    %dma_start3A_55 = tpu.memref_squeeze %dma_start3A_54 : memref<1x128xi32, #tpu.memory_space<vmem>> -> memref<128xi32, #tpu.memory_space<vmem>>
    %dma_start3A_56 = arith.constant 0 : i32
    %dma_start3A_57 = arith.constant 0 : i32
    %dma_start3A_58 = tpu.memref_slice %arg2[%dma_start3A_56, %dma_start3A_57] : memref<80000x128xf32, #tpu.memory_space<hbm>> -> memref<80000x128xf32, #tpu.memory_space<hbm>>
    tpu.enqueue_indirect_dma source(%dma_start3A_58 : memref<80000x128xf32, #tpu.memory_space<hbm>>) target(%arg10 : memref<128x128xf32, #tpu.memory_space<vmem>>) offsets(%dma_start3A_55 : memref<128xi32, #tpu.memory_space<vmem>>) semaphore(%arg14 : memref<!tpu.dma_semaphore, #tpu.memory_space<semaphore_mem>>)
    %add3A_59 = arith.constant 2 : i32
    %add3A_60 = arith.addi %mul3A_4, %add3A_59 : i32
    %dma_start3A_61 = arith.constant 0 : i32
    %dma_start3A_62 = arith.constant 0 : i32
    %dma_start3A_63 = tpu.memref_slice %arg3[%add3A_60, %dma_start3A_61, %dma_start3A_62] : memref<2500x2x128xi32, #tpu.memory_space<hbm>> -> memref<1x2x128xi32, #tpu.memory_space<hbm>>
    %dma_start3A_64 = tpu.memref_squeeze %dma_start3A_63 : memref<1x2x128xi32, #tpu.memory_space<hbm>> -> memref<2x128xi32, #tpu.memory_space<hbm>>
    %dma_start3A_65 = arith.constant 0 : i32
    %dma_start3A_66 = arith.constant 0 : i32
    %dma_start3A_67 = tpu.memref_slice %arg3[%add3A_60, %dma_start3A_65, %dma_start3A_66] : memref<2500x2x128xi32, #tpu.memory_space<hbm>> -> memref<1x2x128xi32, #tpu.memory_space<hbm>>
    %dma_start3A_68 = tpu.memref_squeeze %dma_start3A_67 : memref<1x2x128xi32, #tpu.memory_space<hbm>> -> memref<2x128xi32, #tpu.memory_space<hbm>>
    tpu.enqueue_dma source(%dma_start3A_68 : memref<2x128xi32, #tpu.memory_space<hbm>>) target(%arg8 : memref<2x128xi32, #tpu.memory_space<vmem>>) target_semaphore(%arg18 : memref<!tpu.dma_semaphore, #tpu.memory_space<semaphore_mem>>)
    %dma_wait3A_69 = arith.constant 0 : i32
    %dma_wait3A_70 = tpu.memref_slice %arg12[%multiple_of3A, %dma_wait3A_69] : memref<10000x128xf32, #tpu.memory_space<vmem_shared>> -> memref<624x128xf32, #tpu.memory_space<vmem_shared>>
    %dma_wait3A_71 = arith.constant 0 : i32
    %dma_wait3A_72 = tpu.memref_slice %arg4[%multiple_of3A, %dma_wait3A_71] : memref<10000x128xf32, #tpu.memory_space<hbm>> -> memref<624x128xf32, #tpu.memory_space<hbm>>
    tpu.wait_dma2 semaphore(%arg19 : memref<!tpu.dma_semaphore, #tpu.memory_space<semaphore_mem>>) src(%dma_wait3A_72 : memref<624x128xf32, #tpu.memory_space<hbm>>) dst(%dma_wait3A_70 : memref<624x128xf32, #tpu.memory_space<vmem_shared>>)
    %eq3A_73 = arith.constant 15 : i32
    %eq3A_74 = arith.cmpi eq, %arg1, %eq3A_73 : i32
    %convert_element_type3A_75 = arith.extui %eq3A_74 : i1 to i32
    %cond3A_76 = arith.constant 0 : i32
    %cond3A_77 = arith.cmpi ne, %convert_element_type3A_75, %cond3A_76 : i32
    scf.if %cond3A_77 {
      %dma_wait3A_146 = arith.constant 9984 : i32
      %dma_wait3A_147 = arith.constant 0 : i32
      %dma_wait3A_148 = tpu.memref_slice %arg12[%dma_wait3A_146, %dma_wait3A_147] : memref<10000x128xf32, #tpu.memory_space<vmem_shared>> -> memref<16x128xf32, #tpu.memory_space<vmem_shared>>
      %dma_wait3A_149 = arith.constant 9984 : i32
      %dma_wait3A_150 = arith.constant 0 : i32
      %dma_wait3A_151 = tpu.memref_slice %arg4[%dma_wait3A_149, %dma_wait3A_150] : memref<10000x128xf32, #tpu.memory_space<hbm>> -> memref<16x128xf32, #tpu.memory_space<hbm>>
      tpu.wait_dma2 semaphore(%arg19 : memref<!tpu.dma_semaphore, #tpu.memory_space<semaphore_mem>>) src(%dma_wait3A_151 : memref<16x128xf32, #tpu.memory_space<hbm>>) dst(%dma_wait3A_148 : memref<16x128xf32, #tpu.memory_space<vmem_shared>>)
    } else {
    }
    %barrier3A = arith.constant 0 : index
    tpu.barrier barrier_id(%barrier3A)
    %scan3A = arith.constant 0 : i32
    %scan3A_78 = arith.constant 25 : i32
    %scan3A_79 = arith.addi %scan3A, %scan3A_78 : i32
    %scan3A_80 = arith.constant 1 : i32
    scf.for %scan3A_146 = %scan3A to %scan3A_79 step %scan3A_80  : i32 {
      %mul3A_147 = arith.constant 1 : i32
      %mul3A_148 = arith.muli %scan3A_146, %mul3A_147 : i32
      %add3A_149 = arith.constant 0 : i32
      %add3A_150 = arith.addi %add3A_149, %mul3A_148 : i32
      %mul3A_151 = arith.constant 3 : i32
      %mul3A_152 = arith.muli %add3A_150, %mul3A_151 : i32
      %add3A_153 = arith.constant 0 : i32
      %add3A_154 = arith.addi %mul3A_152, %add3A_153 : i32
      %dma_wait3A_155 = arith.constant 0 : i32
      %dma_wait3A_156 = arith.constant 0 : i32
      %dma_wait3A_157 = tpu.memref_slice %arg6[%dma_wait3A_155, %dma_wait3A_156] : memref<2x128xi32, #tpu.memory_space<vmem>> -> memref<1x128xi32, #tpu.memory_space<vmem>>
      %dma_wait3A_158 = tpu.memref_squeeze %dma_wait3A_157 : memref<1x128xi32, #tpu.memory_space<vmem>> -> memref<128xi32, #tpu.memory_space<vmem>>
      %dma_wait3A_159 = arith.constant 0 : i32
      %dma_wait3A_160 = arith.constant 0 : i32
      %dma_wait3A_161 = tpu.memref_slice %arg2[%dma_wait3A_159, %dma_wait3A_160] : memref<80000x128xf32, #tpu.memory_space<hbm>> -> memref<80000x128xf32, #tpu.memory_space<hbm>>
      tpu.wait_indirect_dma semaphore(%arg13 : memref<!tpu.dma_semaphore, #tpu.memory_space<semaphore_mem>>) src(%dma_wait3A_161 : memref<80000x128xf32, #tpu.memory_space<hbm>>) dst(%arg9 : memref<128x128xf32, #tpu.memory_space<vmem>>)
      %add3A_162 = arith.constant 2 : i32
      %add3A_163 = arith.addi %add3A_154, %add3A_162 : i32
      %add3A_164 = arith.addi %mul3A_4, %add3A_163 : i32
      %dma_wait3A_165 = arith.constant 0 : i32
      %dma_wait3A_166 = arith.constant 0 : i32
      %dma_wait3A_167 = tpu.memref_slice %arg3[%add3A_164, %dma_wait3A_165, %dma_wait3A_166] : memref<2500x2x128xi32, #tpu.memory_space<hbm>> -> memref<1x2x128xi32, #tpu.memory_space<hbm>>
      %dma_wait3A_168 = tpu.memref_squeeze %dma_wait3A_167 : memref<1x2x128xi32, #tpu.memory_space<hbm>> -> memref<2x128xi32, #tpu.memory_space<hbm>>
      %dma_wait3A_169 = arith.constant 0 : i32
      %dma_wait3A_170 = arith.constant 0 : i32
      %dma_wait3A_171 = tpu.memref_slice %arg3[%add3A_164, %dma_wait3A_169, %dma_wait3A_170] : memref<2500x2x128xi32, #tpu.memory_space<hbm>> -> memref<1x2x128xi32, #tpu.memory_space<hbm>>
      %dma_wait3A_172 = tpu.memref_squeeze %dma_wait3A_171 : memref<1x2x128xi32, #tpu.memory_space<hbm>> -> memref<2x128xi32, #tpu.memory_space<hbm>>
      tpu.wait_dma2 semaphore(%arg18 : memref<!tpu.dma_semaphore, #tpu.memory_space<semaphore_mem>>) src(%dma_wait3A_172 : memref<2x128xi32, #tpu.memory_space<hbm>>) dst(%arg8 : memref<2x128xi32, #tpu.memory_space<vmem>>)
      %dma_start3A_173 = arith.constant 0 : i32
      %dma_start3A_174 = arith.constant 0 : i32
      %dma_start3A_175 = tpu.memref_slice %arg8[%dma_start3A_173, %dma_start3A_174] : memref<2x128xi32, #tpu.memory_space<vmem>> -> memref<1x128xi32, #tpu.memory_space<vmem>>
      %dma_start3A_176 = tpu.memref_squeeze %dma_start3A_175 : memref<1x128xi32, #tpu.memory_space<vmem>> -> memref<128xi32, #tpu.memory_space<vmem>>
      %dma_start3A_177 = arith.constant 0 : i32
      %dma_start3A_178 = arith.constant 0 : i32
      %dma_start3A_179 = tpu.memref_slice %arg2[%dma_start3A_177, %dma_start3A_178] : memref<80000x128xf32, #tpu.memory_space<hbm>> -> memref<80000x128xf32, #tpu.memory_space<hbm>>
      tpu.enqueue_indirect_dma source(%dma_start3A_179 : memref<80000x128xf32, #tpu.memory_space<hbm>>) target(%arg11 : memref<128x128xf32, #tpu.memory_space<vmem>>) offsets(%dma_start3A_176 : memref<128xi32, #tpu.memory_space<vmem>>) semaphore(%arg15 : memref<!tpu.dma_semaphore, #tpu.memory_space<semaphore_mem>>)
      %run_scoped3A_180 = arith.constant 1 : i32
      "tpu.region"() ({
        %run_scoped3A_274 = tpu.sem_alloc : memref<!tpu.dma_semaphore, #tpu.memory_space<semaphore_mem>>
        %dma_start3A_275 = arith.constant 0 : i32
        %dma_start3A_276 = tpu.memref_slice %arg6[%run_scoped3A_180, %dma_start3A_275] : memref<2x128xi32, #tpu.memory_space<vmem>> -> memref<1x128xi32, #tpu.memory_space<vmem>>
        %dma_start3A_277 = tpu.memref_squeeze %dma_start3A_276 : memref<1x128xi32, #tpu.memory_space<vmem>> -> memref<128xi32, #tpu.memory_space<vmem>>
        %dma_start3A_278 = arith.constant 0 : i32
        %dma_start3A_279 = arith.constant 0 : i32
        %dma_start3A_280 = tpu.memref_slice %arg12[%dma_start3A_278, %dma_start3A_279] : memref<10000x128xf32, #tpu.memory_space<vmem_shared>> -> memref<10000x128xf32, #tpu.memory_space<vmem_shared>>
        tpu.enqueue_indirect_dma source(%arg9 : memref<128x128xf32, #tpu.memory_space<vmem>>) target(%dma_start3A_280 : memref<10000x128xf32, #tpu.memory_space<vmem_shared>>) offsets(%dma_start3A_277 : memref<128xi32, #tpu.memory_space<vmem>>) semaphore(%run_scoped3A_274 : memref<!tpu.dma_semaphore, #tpu.memory_space<semaphore_mem>>) {add = true}
        %dma_wait3A_281 = arith.constant 0 : i32
        %dma_wait3A_282 = tpu.memref_slice %arg6[%run_scoped3A_180, %dma_wait3A_281] : memref<2x128xi32, #tpu.memory_space<vmem>> -> memref<1x128xi32, #tpu.memory_space<vmem>>
        %dma_wait3A_283 = tpu.memref_squeeze %dma_wait3A_282 : memref<1x128xi32, #tpu.memory_space<vmem>> -> memref<128xi32, #tpu.memory_space<vmem>>
        %dma_wait3A_284 = arith.constant 0 : i32
        %dma_wait3A_285 = arith.constant 0 : i32
        %dma_wait3A_286 = tpu.memref_slice %arg12[%dma_wait3A_284, %dma_wait3A_285] : memref<10000x128xf32, #tpu.memory_space<vmem_shared>> -> memref<10000x128xf32, #tpu.memory_space<vmem_shared>>
        tpu.wait_indirect_dma semaphore(%run_scoped3A_274 : memref<!tpu.dma_semaphore, #tpu.memory_space<semaphore_mem>>) src(%arg9 : memref<128x128xf32, #tpu.memory_space<vmem>>) dst(%dma_wait3A_286 : memref<10000x128xf32, #tpu.memory_space<vmem_shared>>)
        tpu.yield
      }) : () -> ()
      %add3A_181 = arith.constant 3 : i32
      %add3A_182 = arith.addi %add3A_154, %add3A_181 : i32
      %add3A_183 = arith.addi %mul3A_4, %add3A_182 : i32
      %dma_start3A_184 = arith.constant 0 : i32
      %dma_start3A_185 = arith.constant 0 : i32
      %dma_start3A_186 = tpu.memref_slice %arg3[%add3A_183, %dma_start3A_184, %dma_start3A_185] : memref<2500x2x128xi32, #tpu.memory_space<hbm>> -> memref<1x2x128xi32, #tpu.memory_space<hbm>>
      %dma_start3A_187 = tpu.memref_squeeze %dma_start3A_186 : memref<1x2x128xi32, #tpu.memory_space<hbm>> -> memref<2x128xi32, #tpu.memory_space<hbm>>
      %dma_start3A_188 = arith.constant 0 : i32
      %dma_start3A_189 = arith.constant 0 : i32
      %dma_start3A_190 = tpu.memref_slice %arg3[%add3A_183, %dma_start3A_188, %dma_start3A_189] : memref<2500x2x128xi32, #tpu.memory_space<hbm>> -> memref<1x2x128xi32, #tpu.memory_space<hbm>>
      %dma_start3A_191 = tpu.memref_squeeze %dma_start3A_190 : memref<1x2x128xi32, #tpu.memory_space<hbm>> -> memref<2x128xi32, #tpu.memory_space<hbm>>
      tpu.enqueue_dma source(%dma_start3A_191 : memref<2x128xi32, #tpu.memory_space<hbm>>) target(%arg6 : memref<2x128xi32, #tpu.memory_space<vmem>>) target_semaphore(%arg16 : memref<!tpu.dma_semaphore, #tpu.memory_space<semaphore_mem>>)
      %mul3A_192 = arith.constant 3 : i32
      %mul3A_193 = arith.muli %add3A_150, %mul3A_192 : i32
      %add3A_194 = arith.constant 1 : i32
      %add3A_195 = arith.addi %mul3A_193, %add3A_194 : i32
      %dma_wait3A_196 = arith.constant 0 : i32
      %dma_wait3A_197 = arith.constant 0 : i32
      %dma_wait3A_198 = tpu.memref_slice %arg7[%dma_wait3A_196, %dma_wait3A_197] : memref<2x128xi32, #tpu.memory_space<vmem>> -> memref<1x128xi32, #tpu.memory_space<vmem>>
      %dma_wait3A_199 = tpu.memref_squeeze %dma_wait3A_198 : memref<1x128xi32, #tpu.memory_space<vmem>> -> memref<128xi32, #tpu.memory_space<vmem>>
      %dma_wait3A_200 = arith.constant 0 : i32
      %dma_wait3A_201 = arith.constant 0 : i32
      %dma_wait3A_202 = tpu.memref_slice %arg2[%dma_wait3A_200, %dma_wait3A_201] : memref<80000x128xf32, #tpu.memory_space<hbm>> -> memref<80000x128xf32, #tpu.memory_space<hbm>>
      tpu.wait_indirect_dma semaphore(%arg14 : memref<!tpu.dma_semaphore, #tpu.memory_space<semaphore_mem>>) src(%dma_wait3A_202 : memref<80000x128xf32, #tpu.memory_space<hbm>>) dst(%arg10 : memref<128x128xf32, #tpu.memory_space<vmem>>)
      %add3A_203 = arith.constant 2 : i32
      %add3A_204 = arith.addi %add3A_195, %add3A_203 : i32
      %add3A_205 = arith.addi %mul3A_4, %add3A_204 : i32
      %dma_wait3A_206 = arith.constant 0 : i32
      %dma_wait3A_207 = arith.constant 0 : i32
      %dma_wait3A_208 = tpu.memref_slice %arg3[%add3A_205, %dma_wait3A_206, %dma_wait3A_207] : memref<2500x2x128xi32, #tpu.memory_space<hbm>> -> memref<1x2x128xi32, #tpu.memory_space<hbm>>
      %dma_wait3A_209 = tpu.memref_squeeze %dma_wait3A_208 : memref<1x2x128xi32, #tpu.memory_space<hbm>> -> memref<2x128xi32, #tpu.memory_space<hbm>>
      %dma_wait3A_210 = arith.constant 0 : i32
      %dma_wait3A_211 = arith.constant 0 : i32
      %dma_wait3A_212 = tpu.memref_slice %arg3[%add3A_205, %dma_wait3A_210, %dma_wait3A_211] : memref<2500x2x128xi32, #tpu.memory_space<hbm>> -> memref<1x2x128xi32, #tpu.memory_space<hbm>>
      %dma_wait3A_213 = tpu.memref_squeeze %dma_wait3A_212 : memref<1x2x128xi32, #tpu.memory_space<hbm>> -> memref<2x128xi32, #tpu.memory_space<hbm>>
      tpu.wait_dma2 semaphore(%arg16 : memref<!tpu.dma_semaphore, #tpu.memory_space<semaphore_mem>>) src(%dma_wait3A_213 : memref<2x128xi32, #tpu.memory_space<hbm>>) dst(%arg6 : memref<2x128xi32, #tpu.memory_space<vmem>>)
      %dma_start3A_214 = arith.constant 0 : i32
      %dma_start3A_215 = arith.constant 0 : i32
      %dma_start3A_216 = tpu.memref_slice %arg6[%dma_start3A_214, %dma_start3A_215] : memref<2x128xi32, #tpu.memory_space<vmem>> -> memref<1x128xi32, #tpu.memory_space<vmem>>
      %dma_start3A_217 = tpu.memref_squeeze %dma_start3A_216 : memref<1x128xi32, #tpu.memory_space<vmem>> -> memref<128xi32, #tpu.memory_space<vmem>>
      %dma_start3A_218 = arith.constant 0 : i32
      %dma_start3A_219 = arith.constant 0 : i32
      %dma_start3A_220 = tpu.memref_slice %arg2[%dma_start3A_218, %dma_start3A_219] : memref<80000x128xf32, #tpu.memory_space<hbm>> -> memref<80000x128xf32, #tpu.memory_space<hbm>>
      tpu.enqueue_indirect_dma source(%dma_start3A_220 : memref<80000x128xf32, #tpu.memory_space<hbm>>) target(%arg9 : memref<128x128xf32, #tpu.memory_space<vmem>>) offsets(%dma_start3A_217 : memref<128xi32, #tpu.memory_space<vmem>>) semaphore(%arg13 : memref<!tpu.dma_semaphore, #tpu.memory_space<semaphore_mem>>)
      %run_scoped3A_221 = arith.constant 1 : i32
      "tpu.region"() ({
        %run_scoped3A_274 = tpu.sem_alloc : memref<!tpu.dma_semaphore, #tpu.memory_space<semaphore_mem>>
        %dma_start3A_275 = arith.constant 0 : i32
        %dma_start3A_276 = tpu.memref_slice %arg7[%run_scoped3A_221, %dma_start3A_275] : memref<2x128xi32, #tpu.memory_space<vmem>> -> memref<1x128xi32, #tpu.memory_space<vmem>>
        %dma_start3A_277 = tpu.memref_squeeze %dma_start3A_276 : memref<1x128xi32, #tpu.memory_space<vmem>> -> memref<128xi32, #tpu.memory_space<vmem>>
        %dma_start3A_278 = arith.constant 0 : i32
        %dma_start3A_279 = arith.constant 0 : i32
        %dma_start3A_280 = tpu.memref_slice %arg12[%dma_start3A_278, %dma_start3A_279] : memref<10000x128xf32, #tpu.memory_space<vmem_shared>> -> memref<10000x128xf32, #tpu.memory_space<vmem_shared>>
        tpu.enqueue_indirect_dma source(%arg10 : memref<128x128xf32, #tpu.memory_space<vmem>>) target(%dma_start3A_280 : memref<10000x128xf32, #tpu.memory_space<vmem_shared>>) offsets(%dma_start3A_277 : memref<128xi32, #tpu.memory_space<vmem>>) semaphore(%run_scoped3A_274 : memref<!tpu.dma_semaphore, #tpu.memory_space<semaphore_mem>>) {add = true}
        %dma_wait3A_281 = arith.constant 0 : i32
        %dma_wait3A_282 = tpu.memref_slice %arg7[%run_scoped3A_221, %dma_wait3A_281] : memref<2x128xi32, #tpu.memory_space<vmem>> -> memref<1x128xi32, #tpu.memory_space<vmem>>
        %dma_wait3A_283 = tpu.memref_squeeze %dma_wait3A_282 : memref<1x128xi32, #tpu.memory_space<vmem>> -> memref<128xi32, #tpu.memory_space<vmem>>
        %dma_wait3A_284 = arith.constant 0 : i32
        %dma_wait3A_285 = arith.constant 0 : i32
        %dma_wait3A_286 = tpu.memref_slice %arg12[%dma_wait3A_284, %dma_wait3A_285] : memref<10000x128xf32, #tpu.memory_space<vmem_shared>> -> memref<10000x128xf32, #tpu.memory_space<vmem_shared>>
        tpu.wait_indirect_dma semaphore(%run_scoped3A_274 : memref<!tpu.dma_semaphore, #tpu.memory_space<semaphore_mem>>) src(%arg10 : memref<128x128xf32, #tpu.memory_space<vmem>>) dst(%dma_wait3A_286 : memref<10000x128xf32, #tpu.memory_space<vmem_shared>>)
        tpu.yield
      }) : () -> ()
      %add3A_222 = arith.constant 3 : i32
      %add3A_223 = arith.addi %add3A_195, %add3A_222 : i32
      %add3A_224 = arith.addi %mul3A_4, %add3A_223 : i32
      %dma_start3A_225 = arith.constant 0 : i32
      %dma_start3A_226 = arith.constant 0 : i32
      %dma_start3A_227 = tpu.memref_slice %arg3[%add3A_224, %dma_start3A_225, %dma_start3A_226] : memref<2500x2x128xi32, #tpu.memory_space<hbm>> -> memref<1x2x128xi32, #tpu.memory_space<hbm>>
      %dma_start3A_228 = tpu.memref_squeeze %dma_start3A_227 : memref<1x2x128xi32, #tpu.memory_space<hbm>> -> memref<2x128xi32, #tpu.memory_space<hbm>>
      %dma_start3A_229 = arith.constant 0 : i32
      %dma_start3A_230 = arith.constant 0 : i32
      %dma_start3A_231 = tpu.memref_slice %arg3[%add3A_224, %dma_start3A_229, %dma_start3A_230] : memref<2500x2x128xi32, #tpu.memory_space<hbm>> -> memref<1x2x128xi32, #tpu.memory_space<hbm>>
      %dma_start3A_232 = tpu.memref_squeeze %dma_start3A_231 : memref<1x2x128xi32, #tpu.memory_space<hbm>> -> memref<2x128xi32, #tpu.memory_space<hbm>>
      tpu.enqueue_dma source(%dma_start3A_232 : memref<2x128xi32, #tpu.memory_space<hbm>>) target(%arg7 : memref<2x128xi32, #tpu.memory_space<vmem>>) target_semaphore(%arg17 : memref<!tpu.dma_semaphore, #tpu.memory_space<semaphore_mem>>)
      %mul3A_233 = arith.constant 3 : i32
      %mul3A_234 = arith.muli %add3A_150, %mul3A_233 : i32
      %add3A_235 = arith.constant 2 : i32
      %add3A_236 = arith.addi %mul3A_234, %add3A_235 : i32
      %dma_wait3A_237 = arith.constant 0 : i32
      %dma_wait3A_238 = arith.constant 0 : i32
      %dma_wait3A_239 = tpu.memref_slice %arg8[%dma_wait3A_237, %dma_wait3A_238] : memref<2x128xi32, #tpu.memory_space<vmem>> -> memref<1x128xi32, #tpu.memory_space<vmem>>
      %dma_wait3A_240 = tpu.memref_squeeze %dma_wait3A_239 : memref<1x128xi32, #tpu.memory_space<vmem>> -> memref<128xi32, #tpu.memory_space<vmem>>
      %dma_wait3A_241 = arith.constant 0 : i32
      %dma_wait3A_242 = arith.constant 0 : i32
      %dma_wait3A_243 = tpu.memref_slice %arg2[%dma_wait3A_241, %dma_wait3A_242] : memref<80000x128xf32, #tpu.memory_space<hbm>> -> memref<80000x128xf32, #tpu.memory_space<hbm>>
      tpu.wait_indirect_dma semaphore(%arg15 : memref<!tpu.dma_semaphore, #tpu.memory_space<semaphore_mem>>) src(%dma_wait3A_243 : memref<80000x128xf32, #tpu.memory_space<hbm>>) dst(%arg11 : memref<128x128xf32, #tpu.memory_space<vmem>>)
      %add3A_244 = arith.constant 2 : i32
      %add3A_245 = arith.addi %add3A_236, %add3A_244 : i32
      %add3A_246 = arith.addi %mul3A_4, %add3A_245 : i32
      %dma_wait3A_247 = arith.constant 0 : i32
      %dma_wait3A_248 = arith.constant 0 : i32
      %dma_wait3A_249 = tpu.memref_slice %arg3[%add3A_246, %dma_wait3A_247, %dma_wait3A_248] : memref<2500x2x128xi32, #tpu.memory_space<hbm>> -> memref<1x2x128xi32, #tpu.memory_space<hbm>>
      %dma_wait3A_250 = tpu.memref_squeeze %dma_wait3A_249 : memref<1x2x128xi32, #tpu.memory_space<hbm>> -> memref<2x128xi32, #tpu.memory_space<hbm>>
      %dma_wait3A_251 = arith.constant 0 : i32
      %dma_wait3A_252 = arith.constant 0 : i32
      %dma_wait3A_253 = tpu.memref_slice %arg3[%add3A_246, %dma_wait3A_251, %dma_wait3A_252] : memref<2500x2x128xi32, #tpu.memory_space<hbm>> -> memref<1x2x128xi32, #tpu.memory_space<hbm>>
      %dma_wait3A_254 = tpu.memref_squeeze %dma_wait3A_253 : memref<1x2x128xi32, #tpu.memory_space<hbm>> -> memref<2x128xi32, #tpu.memory_space<hbm>>
      tpu.wait_dma2 semaphore(%arg17 : memref<!tpu.dma_semaphore, #tpu.memory_space<semaphore_mem>>) src(%dma_wait3A_254 : memref<2x128xi32, #tpu.memory_space<hbm>>) dst(%arg7 : memref<2x128xi32, #tpu.memory_space<vmem>>)
      %dma_start3A_255 = arith.constant 0 : i32
      %dma_start3A_256 = arith.constant 0 : i32
      %dma_start3A_257 = tpu.memref_slice %arg7[%dma_start3A_255, %dma_start3A_256] : memref<2x128xi32, #tpu.memory_space<vmem>> -> memref<1x128xi32, #tpu.memory_space<vmem>>
      %dma_start3A_258 = tpu.memref_squeeze %dma_start3A_257 : memref<1x128xi32, #tpu.memory_space<vmem>> -> memref<128xi32, #tpu.memory_space<vmem>>
      %dma_start3A_259 = arith.constant 0 : i32
      %dma_start3A_260 = arith.constant 0 : i32
      %dma_start3A_261 = tpu.memref_slice %arg2[%dma_start3A_259, %dma_start3A_260] : memref<80000x128xf32, #tpu.memory_space<hbm>> -> memref<80000x128xf32, #tpu.memory_space<hbm>>
      tpu.enqueue_indirect_dma source(%dma_start3A_261 : memref<80000x128xf32, #tpu.memory_space<hbm>>) target(%arg10 : memref<128x128xf32, #tpu.memory_space<vmem>>) offsets(%dma_start3A_258 : memref<128xi32, #tpu.memory_space<vmem>>) semaphore(%arg14 : memref<!tpu.dma_semaphore, #tpu.memory_space<semaphore_mem>>)
      %run_scoped3A_262 = arith.constant 1 : i32
      "tpu.region"() ({
        %run_scoped3A_274 = tpu.sem_alloc : memref<!tpu.dma_semaphore, #tpu.memory_space<semaphore_mem>>
        %dma_start3A_275 = arith.constant 0 : i32
        %dma_start3A_276 = tpu.memref_slice %arg8[%run_scoped3A_262, %dma_start3A_275] : memref<2x128xi32, #tpu.memory_space<vmem>> -> memref<1x128xi32, #tpu.memory_space<vmem>>
        %dma_start3A_277 = tpu.memref_squeeze %dma_start3A_276 : memref<1x128xi32, #tpu.memory_space<vmem>> -> memref<128xi32, #tpu.memory_space<vmem>>
        %dma_start3A_278 = arith.constant 0 : i32
        %dma_start3A_279 = arith.constant 0 : i32
        %dma_start3A_280 = tpu.memref_slice %arg12[%dma_start3A_278, %dma_start3A_279] : memref<10000x128xf32, #tpu.memory_space<vmem_shared>> -> memref<10000x128xf32, #tpu.memory_space<vmem_shared>>
        tpu.enqueue_indirect_dma source(%arg11 : memref<128x128xf32, #tpu.memory_space<vmem>>) target(%dma_start3A_280 : memref<10000x128xf32, #tpu.memory_space<vmem_shared>>) offsets(%dma_start3A_277 : memref<128xi32, #tpu.memory_space<vmem>>) semaphore(%run_scoped3A_274 : memref<!tpu.dma_semaphore, #tpu.memory_space<semaphore_mem>>) {add = true}
        %dma_wait3A_281 = arith.constant 0 : i32
        %dma_wait3A_282 = tpu.memref_slice %arg8[%run_scoped3A_262, %dma_wait3A_281] : memref<2x128xi32, #tpu.memory_space<vmem>> -> memref<1x128xi32, #tpu.memory_space<vmem>>
        %dma_wait3A_283 = tpu.memref_squeeze %dma_wait3A_282 : memref<1x128xi32, #tpu.memory_space<vmem>> -> memref<128xi32, #tpu.memory_space<vmem>>
        %dma_wait3A_284 = arith.constant 0 : i32
        %dma_wait3A_285 = arith.constant 0 : i32
        %dma_wait3A_286 = tpu.memref_slice %arg12[%dma_wait3A_284, %dma_wait3A_285] : memref<10000x128xf32, #tpu.memory_space<vmem_shared>> -> memref<10000x128xf32, #tpu.memory_space<vmem_shared>>
        tpu.wait_indirect_dma semaphore(%run_scoped3A_274 : memref<!tpu.dma_semaphore, #tpu.memory_space<semaphore_mem>>) src(%arg11 : memref<128x128xf32, #tpu.memory_space<vmem>>) dst(%dma_wait3A_286 : memref<10000x128xf32, #tpu.memory_space<vmem_shared>>)
        tpu.yield
      }) : () -> ()
      %add3A_263 = arith.constant 3 : i32
      %add3A_264 = arith.addi %add3A_236, %add3A_263 : i32
      %add3A_265 = arith.addi %mul3A_4, %add3A_264 : i32
      %dma_start3A_266 = arith.constant 0 : i32
      %dma_start3A_267 = arith.constant 0 : i32
      %dma_start3A_268 = tpu.memref_slice %arg3[%add3A_265, %dma_start3A_266, %dma_start3A_267] : memref<2500x2x128xi32, #tpu.memory_space<hbm>> -> memref<1x2x128xi32, #tpu.memory_space<hbm>>
      %dma_start3A_269 = tpu.memref_squeeze %dma_start3A_268 : memref<1x2x128xi32, #tpu.memory_space<hbm>> -> memref<2x128xi32, #tpu.memory_space<hbm>>
      %dma_start3A_270 = arith.constant 0 : i32
      %dma_start3A_271 = arith.constant 0 : i32
      %dma_start3A_272 = tpu.memref_slice %arg3[%add3A_265, %dma_start3A_270, %dma_start3A_271] : memref<2500x2x128xi32, #tpu.memory_space<hbm>> -> memref<1x2x128xi32, #tpu.memory_space<hbm>>
      %dma_start3A_273 = tpu.memref_squeeze %dma_start3A_272 : memref<1x2x128xi32, #tpu.memory_space<hbm>> -> memref<2x128xi32, #tpu.memory_space<hbm>>
      tpu.enqueue_dma source(%dma_start3A_273 : memref<2x128xi32, #tpu.memory_space<hbm>>) target(%arg8 : memref<2x128xi32, #tpu.memory_space<vmem>>) target_semaphore(%arg18 : memref<!tpu.dma_semaphore, #tpu.memory_space<semaphore_mem>>)
    }
    %scan3A_81 = arith.constant 25 : i32
    %dma_wait3A_82 = arith.constant 0 : i32
    %dma_wait3A_83 = arith.constant 0 : i32
    %dma_wait3A_84 = tpu.memref_slice %arg6[%dma_wait3A_82, %dma_wait3A_83] : memref<2x128xi32, #tpu.memory_space<vmem>> -> memref<1x128xi32, #tpu.memory_space<vmem>>
    %dma_wait3A_85 = tpu.memref_squeeze %dma_wait3A_84 : memref<1x128xi32, #tpu.memory_space<vmem>> -> memref<128xi32, #tpu.memory_space<vmem>>
    %dma_wait3A_86 = arith.constant 0 : i32
    %dma_wait3A_87 = arith.constant 0 : i32
    %dma_wait3A_88 = tpu.memref_slice %arg2[%dma_wait3A_86, %dma_wait3A_87] : memref<80000x128xf32, #tpu.memory_space<hbm>> -> memref<80000x128xf32, #tpu.memory_space<hbm>>
    tpu.wait_indirect_dma semaphore(%arg13 : memref<!tpu.dma_semaphore, #tpu.memory_space<semaphore_mem>>) src(%dma_wait3A_88 : memref<80000x128xf32, #tpu.memory_space<hbm>>) dst(%arg9 : memref<128x128xf32, #tpu.memory_space<vmem>>)
    %add3A_89 = arith.constant 77 : i32
    %add3A_90 = arith.addi %mul3A_4, %add3A_89 : i32
    %dma_wait3A_91 = arith.constant 0 : i32
    %dma_wait3A_92 = arith.constant 0 : i32
    %dma_wait3A_93 = tpu.memref_slice %arg3[%add3A_90, %dma_wait3A_91, %dma_wait3A_92] : memref<2500x2x128xi32, #tpu.memory_space<hbm>> -> memref<1x2x128xi32, #tpu.memory_space<hbm>>
    %dma_wait3A_94 = tpu.memref_squeeze %dma_wait3A_93 : memref<1x2x128xi32, #tpu.memory_space<hbm>> -> memref<2x128xi32, #tpu.memory_space<hbm>>
    %dma_wait3A_95 = arith.constant 0 : i32
    %dma_wait3A_96 = arith.constant 0 : i32
    %dma_wait3A_97 = tpu.memref_slice %arg3[%add3A_90, %dma_wait3A_95, %dma_wait3A_96] : memref<2500x2x128xi32, #tpu.memory_space<hbm>> -> memref<1x2x128xi32, #tpu.memory_space<hbm>>
    %dma_wait3A_98 = tpu.memref_squeeze %dma_wait3A_97 : memref<1x2x128xi32, #tpu.memory_space<hbm>> -> memref<2x128xi32, #tpu.memory_space<hbm>>
    tpu.wait_dma2 semaphore(%arg18 : memref<!tpu.dma_semaphore, #tpu.memory_space<semaphore_mem>>) src(%dma_wait3A_98 : memref<2x128xi32, #tpu.memory_space<hbm>>) dst(%arg8 : memref<2x128xi32, #tpu.memory_space<vmem>>)
    %dma_start3A_99 = arith.constant 0 : i32
    %dma_start3A_100 = arith.constant 0 : i32
    %dma_start3A_101 = tpu.memref_slice %arg8[%dma_start3A_99, %dma_start3A_100] : memref<2x128xi32, #tpu.memory_space<vmem>> -> memref<1x128xi32, #tpu.memory_space<vmem>>
    %dma_start3A_102 = tpu.memref_squeeze %dma_start3A_101 : memref<1x128xi32, #tpu.memory_space<vmem>> -> memref<128xi32, #tpu.memory_space<vmem>>
    %dma_start3A_103 = arith.constant 0 : i32
    %dma_start3A_104 = arith.constant 0 : i32
    %dma_start3A_105 = tpu.memref_slice %arg2[%dma_start3A_103, %dma_start3A_104] : memref<80000x128xf32, #tpu.memory_space<hbm>> -> memref<80000x128xf32, #tpu.memory_space<hbm>>
    tpu.enqueue_indirect_dma source(%dma_start3A_105 : memref<80000x128xf32, #tpu.memory_space<hbm>>) target(%arg11 : memref<128x128xf32, #tpu.memory_space<vmem>>) offsets(%dma_start3A_102 : memref<128xi32, #tpu.memory_space<vmem>>) semaphore(%arg15 : memref<!tpu.dma_semaphore, #tpu.memory_space<semaphore_mem>>)
    %run_scoped3A = arith.constant 1 : i32
    "tpu.region"() ({
      %run_scoped3A_146 = tpu.sem_alloc : memref<!tpu.dma_semaphore, #tpu.memory_space<semaphore_mem>>
      %dma_start3A_147 = arith.constant 0 : i32
      %dma_start3A_148 = tpu.memref_slice %arg6[%run_scoped3A, %dma_start3A_147] : memref<2x128xi32, #tpu.memory_space<vmem>> -> memref<1x128xi32, #tpu.memory_space<vmem>>
      %dma_start3A_149 = tpu.memref_squeeze %dma_start3A_148 : memref<1x128xi32, #tpu.memory_space<vmem>> -> memref<128xi32, #tpu.memory_space<vmem>>
      %dma_start3A_150 = arith.constant 0 : i32
      %dma_start3A_151 = arith.constant 0 : i32
      %dma_start3A_152 = tpu.memref_slice %arg12[%dma_start3A_150, %dma_start3A_151] : memref<10000x128xf32, #tpu.memory_space<vmem_shared>> -> memref<10000x128xf32, #tpu.memory_space<vmem_shared>>
      tpu.enqueue_indirect_dma source(%arg9 : memref<128x128xf32, #tpu.memory_space<vmem>>) target(%dma_start3A_152 : memref<10000x128xf32, #tpu.memory_space<vmem_shared>>) offsets(%dma_start3A_149 : memref<128xi32, #tpu.memory_space<vmem>>) semaphore(%run_scoped3A_146 : memref<!tpu.dma_semaphore, #tpu.memory_space<semaphore_mem>>) {add = true}
      %dma_wait3A_153 = arith.constant 0 : i32
      %dma_wait3A_154 = tpu.memref_slice %arg6[%run_scoped3A, %dma_wait3A_153] : memref<2x128xi32, #tpu.memory_space<vmem>> -> memref<1x128xi32, #tpu.memory_space<vmem>>
      %dma_wait3A_155 = tpu.memref_squeeze %dma_wait3A_154 : memref<1x128xi32, #tpu.memory_space<vmem>> -> memref<128xi32, #tpu.memory_space<vmem>>
      %dma_wait3A_156 = arith.constant 0 : i32
      %dma_wait3A_157 = arith.constant 0 : i32
      %dma_wait3A_158 = tpu.memref_slice %arg12[%dma_wait3A_156, %dma_wait3A_157] : memref<10000x128xf32, #tpu.memory_space<vmem_shared>> -> memref<10000x128xf32, #tpu.memory_space<vmem_shared>>
      tpu.wait_indirect_dma semaphore(%run_scoped3A_146 : memref<!tpu.dma_semaphore, #tpu.memory_space<semaphore_mem>>) src(%arg9 : memref<128x128xf32, #tpu.memory_space<vmem>>) dst(%dma_wait3A_158 : memref<10000x128xf32, #tpu.memory_space<vmem_shared>>)
      tpu.yield
    }) : () -> ()
    %lt3A = arith.constant 4 : i32
    %lt3A_106 = arith.cmpi slt, %add3A, %lt3A : i32
    %convert_element_type3A_107 = arith.extui %lt3A_106 : i1 to i32
    %cond3A_108 = arith.constant 0 : i32
    %cond3A_109 = arith.cmpi ne, %convert_element_type3A_107, %cond3A_108 : i32
    scf.if %cond3A_109 {
      %add3A_146 = arith.constant 2496 : i32
      %add3A_147 = arith.addi %add3A_146, %add3A : i32
      %dma_start3A_148 = arith.constant 0 : i32
      %dma_start3A_149 = arith.constant 0 : i32
      %dma_start3A_150 = tpu.memref_slice %arg3[%add3A_147, %dma_start3A_148, %dma_start3A_149] : memref<2500x2x128xi32, #tpu.memory_space<hbm>> -> memref<1x2x128xi32, #tpu.memory_space<hbm>>
      %dma_start3A_151 = tpu.memref_squeeze %dma_start3A_150 : memref<1x2x128xi32, #tpu.memory_space<hbm>> -> memref<2x128xi32, #tpu.memory_space<hbm>>
      %dma_start3A_152 = arith.constant 0 : i32
      %dma_start3A_153 = arith.constant 0 : i32
      %dma_start3A_154 = tpu.memref_slice %arg3[%add3A_147, %dma_start3A_152, %dma_start3A_153] : memref<2500x2x128xi32, #tpu.memory_space<hbm>> -> memref<1x2x128xi32, #tpu.memory_space<hbm>>
      %dma_start3A_155 = tpu.memref_squeeze %dma_start3A_154 : memref<1x2x128xi32, #tpu.memory_space<hbm>> -> memref<2x128xi32, #tpu.memory_space<hbm>>
      tpu.enqueue_dma source(%dma_start3A_155 : memref<2x128xi32, #tpu.memory_space<hbm>>) target(%arg6 : memref<2x128xi32, #tpu.memory_space<vmem>>) target_semaphore(%arg16 : memref<!tpu.dma_semaphore, #tpu.memory_space<semaphore_mem>>)
    } else {
    }
    %dma_wait3A_110 = arith.constant 0 : i32
    %dma_wait3A_111 = arith.constant 0 : i32
    %dma_wait3A_112 = tpu.memref_slice %arg7[%dma_wait3A_110, %dma_wait3A_111] : memref<2x128xi32, #tpu.memory_space<vmem>> -> memref<1x128xi32, #tpu.memory_space<vmem>>
    %dma_wait3A_113 = tpu.memref_squeeze %dma_wait3A_112 : memref<1x128xi32, #tpu.memory_space<vmem>> -> memref<128xi32, #tpu.memory_space<vmem>>
    %dma_wait3A_114 = arith.constant 0 : i32
    %dma_wait3A_115 = arith.constant 0 : i32
    %dma_wait3A_116 = tpu.memref_slice %arg2[%dma_wait3A_114, %dma_wait3A_115] : memref<80000x128xf32, #tpu.memory_space<hbm>> -> memref<80000x128xf32, #tpu.memory_space<hbm>>
    tpu.wait_indirect_dma semaphore(%arg14 : memref<!tpu.dma_semaphore, #tpu.memory_space<semaphore_mem>>) src(%dma_wait3A_116 : memref<80000x128xf32, #tpu.memory_space<hbm>>) dst(%arg10 : memref<128x128xf32, #tpu.memory_space<vmem>>)
    %run_scoped3A_117 = arith.constant 1 : i32
    "tpu.region"() ({
      %run_scoped3A_146 = tpu.sem_alloc : memref<!tpu.dma_semaphore, #tpu.memory_space<semaphore_mem>>
      %dma_start3A_147 = arith.constant 0 : i32
      %dma_start3A_148 = tpu.memref_slice %arg7[%run_scoped3A_117, %dma_start3A_147] : memref<2x128xi32, #tpu.memory_space<vmem>> -> memref<1x128xi32, #tpu.memory_space<vmem>>
      %dma_start3A_149 = tpu.memref_squeeze %dma_start3A_148 : memref<1x128xi32, #tpu.memory_space<vmem>> -> memref<128xi32, #tpu.memory_space<vmem>>
      %dma_start3A_150 = arith.constant 0 : i32
      %dma_start3A_151 = arith.constant 0 : i32
      %dma_start3A_152 = tpu.memref_slice %arg12[%dma_start3A_150, %dma_start3A_151] : memref<10000x128xf32, #tpu.memory_space<vmem_shared>> -> memref<10000x128xf32, #tpu.memory_space<vmem_shared>>
      tpu.enqueue_indirect_dma source(%arg10 : memref<128x128xf32, #tpu.memory_space<vmem>>) target(%dma_start3A_152 : memref<10000x128xf32, #tpu.memory_space<vmem_shared>>) offsets(%dma_start3A_149 : memref<128xi32, #tpu.memory_space<vmem>>) semaphore(%run_scoped3A_146 : memref<!tpu.dma_semaphore, #tpu.memory_space<semaphore_mem>>) {add = true}
      %dma_wait3A_153 = arith.constant 0 : i32
      %dma_wait3A_154 = tpu.memref_slice %arg7[%run_scoped3A_117, %dma_wait3A_153] : memref<2x128xi32, #tpu.memory_space<vmem>> -> memref<1x128xi32, #tpu.memory_space<vmem>>
      %dma_wait3A_155 = tpu.memref_squeeze %dma_wait3A_154 : memref<1x128xi32, #tpu.memory_space<vmem>> -> memref<128xi32, #tpu.memory_space<vmem>>
      %dma_wait3A_156 = arith.constant 0 : i32
      %dma_wait3A_157 = arith.constant 0 : i32
      %dma_wait3A_158 = tpu.memref_slice %arg12[%dma_wait3A_156, %dma_wait3A_157] : memref<10000x128xf32, #tpu.memory_space<vmem_shared>> -> memref<10000x128xf32, #tpu.memory_space<vmem_shared>>
      tpu.wait_indirect_dma semaphore(%run_scoped3A_146 : memref<!tpu.dma_semaphore, #tpu.memory_space<semaphore_mem>>) src(%arg10 : memref<128x128xf32, #tpu.memory_space<vmem>>) dst(%dma_wait3A_158 : memref<10000x128xf32, #tpu.memory_space<vmem_shared>>)
      tpu.yield
    }) : () -> ()
    %lt3A_118 = arith.constant 4 : i32
    %lt3A_119 = arith.cmpi slt, %add3A, %lt3A_118 : i32
    %convert_element_type3A_120 = arith.extui %lt3A_119 : i1 to i32
    %cond3A_121 = arith.constant 0 : i32
    %cond3A_122 = arith.cmpi ne, %convert_element_type3A_120, %cond3A_121 : i32
    scf.if %cond3A_122 {
      %add3A_146 = arith.constant 2496 : i32
      %add3A_147 = arith.addi %add3A_146, %add3A : i32
      %dma_wait3A_148 = arith.constant 0 : i32
      %dma_wait3A_149 = arith.constant 0 : i32
      %dma_wait3A_150 = tpu.memref_slice %arg3[%add3A_147, %dma_wait3A_148, %dma_wait3A_149] : memref<2500x2x128xi32, #tpu.memory_space<hbm>> -> memref<1x2x128xi32, #tpu.memory_space<hbm>>
      %dma_wait3A_151 = tpu.memref_squeeze %dma_wait3A_150 : memref<1x2x128xi32, #tpu.memory_space<hbm>> -> memref<2x128xi32, #tpu.memory_space<hbm>>
      %dma_wait3A_152 = arith.constant 0 : i32
      %dma_wait3A_153 = arith.constant 0 : i32
      %dma_wait3A_154 = tpu.memref_slice %arg3[%add3A_147, %dma_wait3A_152, %dma_wait3A_153] : memref<2500x2x128xi32, #tpu.memory_space<hbm>> -> memref<1x2x128xi32, #tpu.memory_space<hbm>>
      %dma_wait3A_155 = tpu.memref_squeeze %dma_wait3A_154 : memref<1x2x128xi32, #tpu.memory_space<hbm>> -> memref<2x128xi32, #tpu.memory_space<hbm>>
      tpu.wait_dma2 semaphore(%arg16 : memref<!tpu.dma_semaphore, #tpu.memory_space<semaphore_mem>>) src(%dma_wait3A_155 : memref<2x128xi32, #tpu.memory_space<hbm>>) dst(%arg6 : memref<2x128xi32, #tpu.memory_space<vmem>>)
      %dma_start3A_156 = arith.constant 0 : i32
      %dma_start3A_157 = arith.constant 0 : i32
      %dma_start3A_158 = tpu.memref_slice %arg6[%dma_start3A_156, %dma_start3A_157] : memref<2x128xi32, #tpu.memory_space<vmem>> -> memref<1x128xi32, #tpu.memory_space<vmem>>
      %dma_start3A_159 = tpu.memref_squeeze %dma_start3A_158 : memref<1x128xi32, #tpu.memory_space<vmem>> -> memref<128xi32, #tpu.memory_space<vmem>>
      %dma_start3A_160 = arith.constant 0 : i32
      %dma_start3A_161 = arith.constant 0 : i32
      %dma_start3A_162 = tpu.memref_slice %arg2[%dma_start3A_160, %dma_start3A_161] : memref<80000x128xf32, #tpu.memory_space<hbm>> -> memref<80000x128xf32, #tpu.memory_space<hbm>>
      tpu.enqueue_indirect_dma source(%dma_start3A_162 : memref<80000x128xf32, #tpu.memory_space<hbm>>) target(%arg9 : memref<128x128xf32, #tpu.memory_space<vmem>>) offsets(%dma_start3A_159 : memref<128xi32, #tpu.memory_space<vmem>>) semaphore(%arg13 : memref<!tpu.dma_semaphore, #tpu.memory_space<semaphore_mem>>)
    } else {
    }
    %dma_wait3A_123 = arith.constant 0 : i32
    %dma_wait3A_124 = arith.constant 0 : i32
    %dma_wait3A_125 = tpu.memref_slice %arg8[%dma_wait3A_123, %dma_wait3A_124] : memref<2x128xi32, #tpu.memory_space<vmem>> -> memref<1x128xi32, #tpu.memory_space<vmem>>
    %dma_wait3A_126 = tpu.memref_squeeze %dma_wait3A_125 : memref<1x128xi32, #tpu.memory_space<vmem>> -> memref<128xi32, #tpu.memory_space<vmem>>
    %dma_wait3A_127 = arith.constant 0 : i32
    %dma_wait3A_128 = arith.constant 0 : i32
    %dma_wait3A_129 = tpu.memref_slice %arg2[%dma_wait3A_127, %dma_wait3A_128] : memref<80000x128xf32, #tpu.memory_space<hbm>> -> memref<80000x128xf32, #tpu.memory_space<hbm>>
    tpu.wait_indirect_dma semaphore(%arg15 : memref<!tpu.dma_semaphore, #tpu.memory_space<semaphore_mem>>) src(%dma_wait3A_129 : memref<80000x128xf32, #tpu.memory_space<hbm>>) dst(%arg11 : memref<128x128xf32, #tpu.memory_space<vmem>>)
    %run_scoped3A_130 = arith.constant 1 : i32
    "tpu.region"() ({
      %run_scoped3A_146 = tpu.sem_alloc : memref<!tpu.dma_semaphore, #tpu.memory_space<semaphore_mem>>
      %dma_start3A_147 = arith.constant 0 : i32
      %dma_start3A_148 = tpu.memref_slice %arg8[%run_scoped3A_130, %dma_start3A_147] : memref<2x128xi32, #tpu.memory_space<vmem>> -> memref<1x128xi32, #tpu.memory_space<vmem>>
      %dma_start3A_149 = tpu.memref_squeeze %dma_start3A_148 : memref<1x128xi32, #tpu.memory_space<vmem>> -> memref<128xi32, #tpu.memory_space<vmem>>
      %dma_start3A_150 = arith.constant 0 : i32
      %dma_start3A_151 = arith.constant 0 : i32
      %dma_start3A_152 = tpu.memref_slice %arg12[%dma_start3A_150, %dma_start3A_151] : memref<10000x128xf32, #tpu.memory_space<vmem_shared>> -> memref<10000x128xf32, #tpu.memory_space<vmem_shared>>
      tpu.enqueue_indirect_dma source(%arg11 : memref<128x128xf32, #tpu.memory_space<vmem>>) target(%dma_start3A_152 : memref<10000x128xf32, #tpu.memory_space<vmem_shared>>) offsets(%dma_start3A_149 : memref<128xi32, #tpu.memory_space<vmem>>) semaphore(%run_scoped3A_146 : memref<!tpu.dma_semaphore, #tpu.memory_space<semaphore_mem>>) {add = true}
      %dma_wait3A_153 = arith.constant 0 : i32
      %dma_wait3A_154 = tpu.memref_slice %arg8[%run_scoped3A_130, %dma_wait3A_153] : memref<2x128xi32, #tpu.memory_space<vmem>> -> memref<1x128xi32, #tpu.memory_space<vmem>>
      %dma_wait3A_155 = tpu.memref_squeeze %dma_wait3A_154 : memref<1x128xi32, #tpu.memory_space<vmem>> -> memref<128xi32, #tpu.memory_space<vmem>>
      %dma_wait3A_156 = arith.constant 0 : i32
      %dma_wait3A_157 = arith.constant 0 : i32
      %dma_wait3A_158 = tpu.memref_slice %arg12[%dma_wait3A_156, %dma_wait3A_157] : memref<10000x128xf32, #tpu.memory_space<vmem_shared>> -> memref<10000x128xf32, #tpu.memory_space<vmem_shared>>
      tpu.wait_indirect_dma semaphore(%run_scoped3A_146 : memref<!tpu.dma_semaphore, #tpu.memory_space<semaphore_mem>>) src(%arg11 : memref<128x128xf32, #tpu.memory_space<vmem>>) dst(%dma_wait3A_158 : memref<10000x128xf32, #tpu.memory_space<vmem_shared>>)
      tpu.yield
    }) : () -> ()
    %lt3A_131 = arith.constant 4 : i32
    %lt3A_132 = arith.cmpi slt, %add3A, %lt3A_131 : i32
    %convert_element_type3A_133 = arith.extui %lt3A_132 : i1 to i32
    %cond3A_134 = arith.constant 0 : i32
    %cond3A_135 = arith.cmpi ne, %convert_element_type3A_133, %cond3A_134 : i32
    scf.if %cond3A_135 {
      %dma_wait3A_146 = arith.constant 0 : i32
      %dma_wait3A_147 = arith.constant 0 : i32
      %dma_wait3A_148 = tpu.memref_slice %arg6[%dma_wait3A_146, %dma_wait3A_147] : memref<2x128xi32, #tpu.memory_space<vmem>> -> memref<1x128xi32, #tpu.memory_space<vmem>>
      %dma_wait3A_149 = tpu.memref_squeeze %dma_wait3A_148 : memref<1x128xi32, #tpu.memory_space<vmem>> -> memref<128xi32, #tpu.memory_space<vmem>>
      %dma_wait3A_150 = arith.constant 0 : i32
      %dma_wait3A_151 = arith.constant 0 : i32
      %dma_wait3A_152 = tpu.memref_slice %arg2[%dma_wait3A_150, %dma_wait3A_151] : memref<80000x128xf32, #tpu.memory_space<hbm>> -> memref<80000x128xf32, #tpu.memory_space<hbm>>
      tpu.wait_indirect_dma semaphore(%arg13 : memref<!tpu.dma_semaphore, #tpu.memory_space<semaphore_mem>>) src(%dma_wait3A_152 : memref<80000x128xf32, #tpu.memory_space<hbm>>) dst(%arg9 : memref<128x128xf32, #tpu.memory_space<vmem>>)
      %run_scoped3A_153 = arith.constant 1 : i32
      "tpu.region"() ({
        %run_scoped3A_154 = tpu.sem_alloc : memref<!tpu.dma_semaphore, #tpu.memory_space<semaphore_mem>>
        %dma_start3A_155 = arith.constant 0 : i32
        %dma_start3A_156 = tpu.memref_slice %arg6[%run_scoped3A_153, %dma_start3A_155] : memref<2x128xi32, #tpu.memory_space<vmem>> -> memref<1x128xi32, #tpu.memory_space<vmem>>
        %dma_start3A_157 = tpu.memref_squeeze %dma_start3A_156 : memref<1x128xi32, #tpu.memory_space<vmem>> -> memref<128xi32, #tpu.memory_space<vmem>>
        %dma_start3A_158 = arith.constant 0 : i32
        %dma_start3A_159 = arith.constant 0 : i32
        %dma_start3A_160 = tpu.memref_slice %arg12[%dma_start3A_158, %dma_start3A_159] : memref<10000x128xf32, #tpu.memory_space<vmem_shared>> -> memref<10000x128xf32, #tpu.memory_space<vmem_shared>>
        tpu.enqueue_indirect_dma source(%arg9 : memref<128x128xf32, #tpu.memory_space<vmem>>) target(%dma_start3A_160 : memref<10000x128xf32, #tpu.memory_space<vmem_shared>>) offsets(%dma_start3A_157 : memref<128xi32, #tpu.memory_space<vmem>>) semaphore(%run_scoped3A_154 : memref<!tpu.dma_semaphore, #tpu.memory_space<semaphore_mem>>) {add = true}
        %dma_wait3A_161 = arith.constant 0 : i32
        %dma_wait3A_162 = tpu.memref_slice %arg6[%run_scoped3A_153, %dma_wait3A_161] : memref<2x128xi32, #tpu.memory_space<vmem>> -> memref<1x128xi32, #tpu.memory_space<vmem>>
        %dma_wait3A_163 = tpu.memref_squeeze %dma_wait3A_162 : memref<1x128xi32, #tpu.memory_space<vmem>> -> memref<128xi32, #tpu.memory_space<vmem>>
        %dma_wait3A_164 = arith.constant 0 : i32
        %dma_wait3A_165 = arith.constant 0 : i32
        %dma_wait3A_166 = tpu.memref_slice %arg12[%dma_wait3A_164, %dma_wait3A_165] : memref<10000x128xf32, #tpu.memory_space<vmem_shared>> -> memref<10000x128xf32, #tpu.memory_space<vmem_shared>>
        tpu.wait_indirect_dma semaphore(%run_scoped3A_154 : memref<!tpu.dma_semaphore, #tpu.memory_space<semaphore_mem>>) src(%arg9 : memref<128x128xf32, #tpu.memory_space<vmem>>) dst(%dma_wait3A_166 : memref<10000x128xf32, #tpu.memory_space<vmem_shared>>)
        tpu.yield
      }) : () -> ()
    } else {
    }
    %barrier3A_136 = arith.constant 0 : index
    tpu.barrier barrier_id(%barrier3A_136)
    %ne3A = arith.constant 15 : i32
    %ne3A_137 = arith.cmpi ne, %arg1, %ne3A : i32
    %convert_element_type3A_138 = arith.extui %ne3A_137 : i1 to i32
    %cond3A_139 = arith.constant 0 : i32
    %cond3A_140 = arith.cmpi ne, %convert_element_type3A_138, %cond3A_139 : i32
    scf.if %cond3A_140 {
      "tpu.region"() ({
        %run_scoped3A_146 = tpu.sem_alloc : memref<!tpu.dma_semaphore, #tpu.memory_space<semaphore_mem>>
        %dma_start3A_147 = arith.constant 0 : i32
        %dma_start3A_148 = tpu.memref_slice %arg5[%arg0, %multiple_of3A, %dma_start3A_147] : memref<2x10000x128xf32, #tpu.memory_space<hbm>> -> memref<1x624x128xf32, #tpu.memory_space<hbm>>
        %dma_start3A_149 = tpu.memref_squeeze %dma_start3A_148 : memref<1x624x128xf32, #tpu.memory_space<hbm>> -> memref<624x128xf32, #tpu.memory_space<hbm>>
        %dma_start3A_150 = arith.constant 0 : i32
        %dma_start3A_151 = tpu.memref_slice %arg12[%multiple_of3A, %dma_start3A_150] : memref<10000x128xf32, #tpu.memory_space<vmem_shared>> -> memref<624x128xf32, #tpu.memory_space<vmem_shared>>
        tpu.enqueue_dma source(%dma_start3A_151 : memref<624x128xf32, #tpu.memory_space<vmem_shared>>) target(%dma_start3A_149 : memref<624x128xf32, #tpu.memory_space<hbm>>) target_semaphore(%run_scoped3A_146 : memref<!tpu.dma_semaphore, #tpu.memory_space<semaphore_mem>>)
        %dma_wait3A_152 = arith.constant 0 : i32
        %dma_wait3A_153 = tpu.memref_slice %arg5[%arg0, %multiple_of3A, %dma_wait3A_152] : memref<2x10000x128xf32, #tpu.memory_space<hbm>> -> memref<1x624x128xf32, #tpu.memory_space<hbm>>
        %dma_wait3A_154 = tpu.memref_squeeze %dma_wait3A_153 : memref<1x624x128xf32, #tpu.memory_space<hbm>> -> memref<624x128xf32, #tpu.memory_space<hbm>>
        %dma_wait3A_155 = arith.constant 0 : i32
        %dma_wait3A_156 = tpu.memref_slice %arg12[%multiple_of3A, %dma_wait3A_155] : memref<10000x128xf32, #tpu.memory_space<vmem_shared>> -> memref<624x128xf32, #tpu.memory_space<vmem_shared>>
        tpu.wait_dma2 semaphore(%run_scoped3A_146 : memref<!tpu.dma_semaphore, #tpu.memory_space<semaphore_mem>>) src(%dma_wait3A_156 : memref<624x128xf32, #tpu.memory_space<vmem_shared>>) dst(%dma_wait3A_154 : memref<624x128xf32, #tpu.memory_space<hbm>>)
        tpu.yield
      }) : () -> ()
    } else {
    }
    %eq3A_141 = arith.constant 15 : i32
    %eq3A_142 = arith.cmpi eq, %arg1, %eq3A_141 : i32
    %convert_element_type3A_143 = arith.extui %eq3A_142 : i1 to i32
    %cond3A_144 = arith.constant 0 : i32
    %cond3A_145 = arith.cmpi ne, %convert_element_type3A_143, %cond3A_144 : i32
    scf.if %cond3A_145 {
      "tpu.region"() ({
        %run_scoped3A_146 = tpu.sem_alloc : memref<!tpu.dma_semaphore, #tpu.memory_space<semaphore_mem>>
        %dma_start3A_147 = arith.constant 9360 : i32
        %dma_start3A_148 = arith.constant 0 : i32
        %dma_start3A_149 = tpu.memref_slice %arg5[%arg0, %dma_start3A_147, %dma_start3A_148] : memref<2x10000x128xf32, #tpu.memory_space<hbm>> -> memref<1x640x128xf32, #tpu.memory_space<hbm>>
        %dma_start3A_150 = tpu.memref_squeeze %dma_start3A_149 : memref<1x640x128xf32, #tpu.memory_space<hbm>> -> memref<640x128xf32, #tpu.memory_space<hbm>>
        %dma_start3A_151 = arith.constant 9360 : i32
        %dma_start3A_152 = arith.constant 0 : i32
        %dma_start3A_153 = tpu.memref_slice %arg12[%dma_start3A_151, %dma_start3A_152] : memref<10000x128xf32, #tpu.memory_space<vmem_shared>> -> memref<640x128xf32, #tpu.memory_space<vmem_shared>>
        tpu.enqueue_dma source(%dma_start3A_153 : memref<640x128xf32, #tpu.memory_space<vmem_shared>>) target(%dma_start3A_150 : memref<640x128xf32, #tpu.memory_space<hbm>>) target_semaphore(%run_scoped3A_146 : memref<!tpu.dma_semaphore, #tpu.memory_space<semaphore_mem>>)
        %dma_wait3A_154 = arith.constant 9360 : i32
        %dma_wait3A_155 = arith.constant 0 : i32
        %dma_wait3A_156 = tpu.memref_slice %arg5[%arg0, %dma_wait3A_154, %dma_wait3A_155] : memref<2x10000x128xf32, #tpu.memory_space<hbm>> -> memref<1x640x128xf32, #tpu.memory_space<hbm>>
        %dma_wait3A_157 = tpu.memref_squeeze %dma_wait3A_156 : memref<1x640x128xf32, #tpu.memory_space<hbm>> -> memref<640x128xf32, #tpu.memory_space<hbm>>
        %dma_wait3A_158 = arith.constant 9360 : i32
        %dma_wait3A_159 = arith.constant 0 : i32
        %dma_wait3A_160 = tpu.memref_slice %arg12[%dma_wait3A_158, %dma_wait3A_159] : memref<10000x128xf32, #tpu.memory_space<vmem_shared>> -> memref<640x128xf32, #tpu.memory_space<vmem_shared>>
        tpu.wait_dma2 semaphore(%run_scoped3A_146 : memref<!tpu.dma_semaphore, #tpu.memory_space<semaphore_mem>>) src(%dma_wait3A_160 : memref<640x128xf32, #tpu.memory_space<vmem_shared>>) dst(%dma_wait3A_157 : memref<640x128xf32, #tpu.memory_space<hbm>>)
        tpu.yield
      }) : () -> ()
    } else {
    }
    return
  }
}

module attributes {stable_mosaic.version = 14 : i64} {
  func.func @_gidx_body(%arg0: memref<2500x128xi32, #tpu.memory_space<vmem>>, %arg1: memref<2500x128xi32, #tpu.memory_space<vmem>>, %arg2: memref<2500x128xi32, #tpu.memory_space<vmem>>, %arg3: memref<2500x2x128xi32, #tpu.memory_space<vmem>>) attributes {dimension_semantics = [], scalar_prefetch = 0 : i64, scratch_operands = 0 : i64, tpu.core_type = #tpu.core_type<tc>} {
    %get3A = arith.constant 0 : index
    %get3A_0 = arith.constant 0 : index
    %get3A_1 = vector.load %arg1[%get3A, %get3A_0] : memref<2500x128xi32, #tpu.memory_space<vmem>>, vector<2500x128xi32>
    %mul3A = arith.constant 10000 : i32
    %mul3A_2 = vector.broadcast %mul3A : i32 to vector<2500x128xi32>
    %mul3A_3 = arith.muli %get3A_1, %mul3A_2 : vector<2500x128xi32>
    %get3A_4 = arith.constant 0 : index
    %get3A_5 = arith.constant 0 : index
    %get3A_6 = vector.load %arg0[%get3A_4, %get3A_5] : memref<2500x128xi32, #tpu.memory_space<vmem>>, vector<2500x128xi32>
    %add3A = arith.addi %mul3A_3, %get3A_6 : vector<2500x128xi32>
    %swap3A = arith.constant 0 : index
    %swap3A_7 = arith.constant 0 : index
    %swap3A_8 = arith.constant 0 : index
    %swap3A_9 = vector.load %arg3[%swap3A, %swap3A_7, %swap3A_8] : memref<2500x2x128xi32, #tpu.memory_space<vmem>>, vector<2500x1x128xi32>
    %swap3A_10 = vector.shape_cast %swap3A_9 : vector<2500x1x128xi32> to vector<2500x128xi32>
    %swap3A_11 = vector.shape_cast %add3A : vector<2500x128xi32> to vector<2500x1x128xi32>
    tpu.vector_store %arg3[%swap3A, %swap3A_7, %swap3A_8], %swap3A_11 {strides = array<i32>} : memref<2500x2x128xi32, #tpu.memory_space<vmem>>, vector<2500x1x128xi32>,
    %get3A_12 = arith.constant 0 : index
    %get3A_13 = arith.constant 0 : index
    %get3A_14 = vector.load %arg2[%get3A_12, %get3A_13] : memref<2500x128xi32, #tpu.memory_space<vmem>>, vector<2500x128xi32>
    %swap3A_15 = arith.constant 0 : index
    %swap3A_16 = arith.constant 1 : index
    %swap3A_17 = arith.constant 0 : index
    %swap3A_18 = vector.load %arg3[%swap3A_15, %swap3A_16, %swap3A_17] : memref<2500x2x128xi32, #tpu.memory_space<vmem>>, vector<2500x1x128xi32>
    %swap3A_19 = vector.shape_cast %swap3A_18 : vector<2500x1x128xi32> to vector<2500x128xi32>
    %swap3A_20 = vector.shape_cast %get3A_14 : vector<2500x128xi32> to vector<2500x1x128xi32>
    tpu.vector_store %arg3[%swap3A_15, %swap3A_16, %swap3A_17], %swap3A_20 {strides = array<i32>} : memref<2500x2x128xi32, #tpu.memory_space<vmem>>, vector<2500x1x128xi32>,
    return
  }
}

module attributes {stable_mosaic.version = 14 : i64} {
  func.func @_premult_body(%arg0: i32, %arg1: memref<1000x128xf32, #tpu.memory_space<vmem>>, %arg2: memref<8x128xf32, #tpu.memory_space<vmem>>, %arg3: memref<8x1000x128xf32, #tpu.memory_space<vmem>>) attributes {dimension_semantics = [#tpu.dimension_semantics<arbitrary>], iteration_bounds = array<i64: 10>, scalar_prefetch = 0 : i64, scratch_operands = 0 : i64, tpu.core_type = #tpu.core_type<tc>, window_params = [{transform_indices = @transform_0, window_bounds = array<i64: 1000, 128>}, {pipeline_mode = #tpu.pipeline_mode<synchronous>, transform_indices = @transform_1, window_bounds = array<i64: 8, 128>}, {transform_indices = @transform_2, window_bounds = array<i64: 8, 1000, 128>}]} {
    %get3A = arith.constant 0 : index
    %get3A_0 = arith.constant 0 : index
    %get3A_1 = vector.load %arg1[%get3A, %get3A_0] : memref<1000x128xf32, #tpu.memory_space<vmem>>, vector<1000x128xf32>
    %get3A_2 = arith.constant 0 : index
    %get3A_3 = arith.constant 0 : index
    %get3A_4 = vector.load %arg2[%get3A_2, %get3A_3] : memref<8x128xf32, #tpu.memory_space<vmem>>, vector<1x128xf32>
    %get3A_5 = vector.shape_cast %get3A_4 : vector<1x128xf32> to vector<128xf32>
    %broadcast_in_dim3A = vector.shape_cast %get3A_5 : vector<128xf32> to vector<1x128xf32>
    %mul3A = vector.broadcast %broadcast_in_dim3A : vector<1x128xf32> to vector<1000x128xf32>
    %mul3A_6 = arith.mulf %get3A_1, %mul3A : vector<1000x128xf32>
    %swap3A = arith.constant 0 : index
    %swap3A_7 = arith.constant 0 : index
    %swap3A_8 = arith.constant 0 : index
    %swap3A_9 = vector.load %arg3[%swap3A, %swap3A_7, %swap3A_8] : memref<8x1000x128xf32, #tpu.memory_space<vmem>>, vector<1x1000x128xf32>
    %swap3A_10 = vector.shape_cast %swap3A_9 : vector<1x1000x128xf32> to vector<1000x128xf32>
    %swap3A_11 = vector.shape_cast %mul3A_6 : vector<1000x128xf32> to vector<1x1000x128xf32>
    tpu.vector_store %arg3[%swap3A, %swap3A_7, %swap3A_8], %swap3A_11 {strides = array<i32>} : memref<8x1000x128xf32, #tpu.memory_space<vmem>>, vector<1x1000x128xf32>,
    %get3A_12 = arith.constant 1 : index
    %get3A_13 = arith.constant 0 : index
    %get3A_14 = vector.load %arg2[%get3A_12, %get3A_13] : memref<8x128xf32, #tpu.memory_space<vmem>>, vector<1x128xf32>
    %get3A_15 = vector.shape_cast %get3A_14 : vector<1x128xf32> to vector<128xf32>
    %broadcast_in_dim3A_16 = vector.shape_cast %get3A_15 : vector<128xf32> to vector<1x128xf32>
    %mul3A_17 = vector.broadcast %broadcast_in_dim3A_16 : vector<1x128xf32> to vector<1000x128xf32>
    %mul3A_18 = arith.mulf %get3A_1, %mul3A_17 : vector<1000x128xf32>
    %swap3A_19 = arith.constant 1 : index
    %swap3A_20 = arith.constant 0 : index
    %swap3A_21 = arith.constant 0 : index
    %swap3A_22 = vector.load %arg3[%swap3A_19, %swap3A_20, %swap3A_21] : memref<8x1000x128xf32, #tpu.memory_space<vmem>>, vector<1x1000x128xf32>
    %swap3A_23 = vector.shape_cast %swap3A_22 : vector<1x1000x128xf32> to vector<1000x128xf32>
    %swap3A_24 = vector.shape_cast %mul3A_18 : vector<1000x128xf32> to vector<1x1000x128xf32>
    tpu.vector_store %arg3[%swap3A_19, %swap3A_20, %swap3A_21], %swap3A_24 {strides = array<i32>} : memref<8x1000x128xf32, #tpu.memory_space<vmem>>, vector<1x1000x128xf32>,
    %get3A_25 = arith.constant 2 : index
    %get3A_26 = arith.constant 0 : index
    %get3A_27 = vector.load %arg2[%get3A_25, %get3A_26] : memref<8x128xf32, #tpu.memory_space<vmem>>, vector<1x128xf32>
    %get3A_28 = vector.shape_cast %get3A_27 : vector<1x128xf32> to vector<128xf32>
    %broadcast_in_dim3A_29 = vector.shape_cast %get3A_28 : vector<128xf32> to vector<1x128xf32>
    %mul3A_30 = vector.broadcast %broadcast_in_dim3A_29 : vector<1x128xf32> to vector<1000x128xf32>
    %mul3A_31 = arith.mulf %get3A_1, %mul3A_30 : vector<1000x128xf32>
    %swap3A_32 = arith.constant 2 : index
    %swap3A_33 = arith.constant 0 : index
    %swap3A_34 = arith.constant 0 : index
    %swap3A_35 = vector.load %arg3[%swap3A_32, %swap3A_33, %swap3A_34] : memref<8x1000x128xf32, #tpu.memory_space<vmem>>, vector<1x1000x128xf32>
    %swap3A_36 = vector.shape_cast %swap3A_35 : vector<1x1000x128xf32> to vector<1000x128xf32>
    %swap3A_37 = vector.shape_cast %mul3A_31 : vector<1000x128xf32> to vector<1x1000x128xf32>
    tpu.vector_store %arg3[%swap3A_32, %swap3A_33, %swap3A_34], %swap3A_37 {strides = array<i32>} : memref<8x1000x128xf32, #tpu.memory_space<vmem>>, vector<1x1000x128xf32>,
    %get3A_38 = arith.constant 3 : index
    %get3A_39 = arith.constant 0 : index
    %get3A_40 = vector.load %arg2[%get3A_38, %get3A_39] : memref<8x128xf32, #tpu.memory_space<vmem>>, vector<1x128xf32>
    %get3A_41 = vector.shape_cast %get3A_40 : vector<1x128xf32> to vector<128xf32>
    %broadcast_in_dim3A_42 = vector.shape_cast %get3A_41 : vector<128xf32> to vector<1x128xf32>
    %mul3A_43 = vector.broadcast %broadcast_in_dim3A_42 : vector<1x128xf32> to vector<1000x128xf32>
    %mul3A_44 = arith.mulf %get3A_1, %mul3A_43 : vector<1000x128xf32>
    %swap3A_45 = arith.constant 3 : index
    %swap3A_46 = arith.constant 0 : index
    %swap3A_47 = arith.constant 0 : index
    %swap3A_48 = vector.load %arg3[%swap3A_45, %swap3A_46, %swap3A_47] : memref<8x1000x128xf32, #tpu.memory_space<vmem>>, vector<1x1000x128xf32>
    %swap3A_49 = vector.shape_cast %swap3A_48 : vector<1x1000x128xf32> to vector<1000x128xf32>
    %swap3A_50 = vector.shape_cast %mul3A_44 : vector<1000x128xf32> to vector<1x1000x128xf32>
    tpu.vector_store %arg3[%swap3A_45, %swap3A_46, %swap3A_47], %swap3A_50 {strides = array<i32>} : memref<8x1000x128xf32, #tpu.memory_space<vmem>>, vector<1x1000x128xf32>,
    %get3A_51 = arith.constant 4 : index
    %get3A_52 = arith.constant 0 : index
    %get3A_53 = vector.load %arg2[%get3A_51, %get3A_52] : memref<8x128xf32, #tpu.memory_space<vmem>>, vector<1x128xf32>
    %get3A_54 = vector.shape_cast %get3A_53 : vector<1x128xf32> to vector<128xf32>
    %broadcast_in_dim3A_55 = vector.shape_cast %get3A_54 : vector<128xf32> to vector<1x128xf32>
    %mul3A_56 = vector.broadcast %broadcast_in_dim3A_55 : vector<1x128xf32> to vector<1000x128xf32>
    %mul3A_57 = arith.mulf %get3A_1, %mul3A_56 : vector<1000x128xf32>
    %swap3A_58 = arith.constant 4 : index
    %swap3A_59 = arith.constant 0 : index
    %swap3A_60 = arith.constant 0 : index
    %swap3A_61 = vector.load %arg3[%swap3A_58, %swap3A_59, %swap3A_60] : memref<8x1000x128xf32, #tpu.memory_space<vmem>>, vector<1x1000x128xf32>
    %swap3A_62 = vector.shape_cast %swap3A_61 : vector<1x1000x128xf32> to vector<1000x128xf32>
    %swap3A_63 = vector.shape_cast %mul3A_57 : vector<1000x128xf32> to vector<1x1000x128xf32>
    tpu.vector_store %arg3[%swap3A_58, %swap3A_59, %swap3A_60], %swap3A_63 {strides = array<i32>} : memref<8x1000x128xf32, #tpu.memory_space<vmem>>, vector<1x1000x128xf32>,
    %get3A_64 = arith.constant 5 : index
    %get3A_65 = arith.constant 0 : index
    %get3A_66 = vector.load %arg2[%get3A_64, %get3A_65] : memref<8x128xf32, #tpu.memory_space<vmem>>, vector<1x128xf32>
    %get3A_67 = vector.shape_cast %get3A_66 : vector<1x128xf32> to vector<128xf32>
    %broadcast_in_dim3A_68 = vector.shape_cast %get3A_67 : vector<128xf32> to vector<1x128xf32>
    %mul3A_69 = vector.broadcast %broadcast_in_dim3A_68 : vector<1x128xf32> to vector<1000x128xf32>
    %mul3A_70 = arith.mulf %get3A_1, %mul3A_69 : vector<1000x128xf32>
    %swap3A_71 = arith.constant 5 : index
    %swap3A_72 = arith.constant 0 : index
    %swap3A_73 = arith.constant 0 : index
    %swap3A_74 = vector.load %arg3[%swap3A_71, %swap3A_72, %swap3A_73] : memref<8x1000x128xf32, #tpu.memory_space<vmem>>, vector<1x1000x128xf32>
    %swap3A_75 = vector.shape_cast %swap3A_74 : vector<1x1000x128xf32> to vector<1000x128xf32>
    %swap3A_76 = vector.shape_cast %mul3A_70 : vector<1000x128xf32> to vector<1x1000x128xf32>
    tpu.vector_store %arg3[%swap3A_71, %swap3A_72, %swap3A_73], %swap3A_76 {strides = array<i32>} : memref<8x1000x128xf32, #tpu.memory_space<vmem>>, vector<1x1000x128xf32>,
    %get3A_77 = arith.constant 6 : index
    %get3A_78 = arith.constant 0 : index
    %get3A_79 = vector.load %arg2[%get3A_77, %get3A_78] : memref<8x128xf32, #tpu.memory_space<vmem>>, vector<1x128xf32>
    %get3A_80 = vector.shape_cast %get3A_79 : vector<1x128xf32> to vector<128xf32>
    %broadcast_in_dim3A_81 = vector.shape_cast %get3A_80 : vector<128xf32> to vector<1x128xf32>
    %mul3A_82 = vector.broadcast %broadcast_in_dim3A_81 : vector<1x128xf32> to vector<1000x128xf32>
    %mul3A_83 = arith.mulf %get3A_1, %mul3A_82 : vector<1000x128xf32>
    %swap3A_84 = arith.constant 6 : index
    %swap3A_85 = arith.constant 0 : index
    %swap3A_86 = arith.constant 0 : index
    %swap3A_87 = vector.load %arg3[%swap3A_84, %swap3A_85, %swap3A_86] : memref<8x1000x128xf32, #tpu.memory_space<vmem>>, vector<1x1000x128xf32>
    %swap3A_88 = vector.shape_cast %swap3A_87 : vector<1x1000x128xf32> to vector<1000x128xf32>
    %swap3A_89 = vector.shape_cast %mul3A_83 : vector<1000x128xf32> to vector<1x1000x128xf32>
    tpu.vector_store %arg3[%swap3A_84, %swap3A_85, %swap3A_86], %swap3A_89 {strides = array<i32>} : memref<8x1000x128xf32, #tpu.memory_space<vmem>>, vector<1x1000x128xf32>,
    %get3A_90 = arith.constant 7 : index
    %get3A_91 = arith.constant 0 : index
    %get3A_92 = vector.load %arg2[%get3A_90, %get3A_91] : memref<8x128xf32, #tpu.memory_space<vmem>>, vector<1x128xf32>
    %get3A_93 = vector.shape_cast %get3A_92 : vector<1x128xf32> to vector<128xf32>
    %broadcast_in_dim3A_94 = vector.shape_cast %get3A_93 : vector<128xf32> to vector<1x128xf32>
    %mul3A_95 = vector.broadcast %broadcast_in_dim3A_94 : vector<1x128xf32> to vector<1000x128xf32>
    %mul3A_96 = arith.mulf %get3A_1, %mul3A_95 : vector<1000x128xf32>
    %swap3A_97 = arith.constant 7 : index
    %swap3A_98 = arith.constant 0 : index
    %swap3A_99 = arith.constant 0 : index
    %swap3A_100 = vector.load %arg3[%swap3A_97, %swap3A_98, %swap3A_99] : memref<8x1000x128xf32, #tpu.memory_space<vmem>>, vector<1x1000x128xf32>
    %swap3A_101 = vector.shape_cast %swap3A_100 : vector<1x1000x128xf32> to vector<1000x128xf32>
    %swap3A_102 = vector.shape_cast %mul3A_96 : vector<1000x128xf32> to vector<1x1000x128xf32>
    tpu.vector_store %arg3[%swap3A_97, %swap3A_98, %swap3A_99], %swap3A_102 {strides = array<i32>} : memref<8x1000x128xf32, #tpu.memory_space<vmem>>, vector<1x1000x128xf32>,
    return
  }
  func.func @transform_0(%arg0: i32) -> (i32, i32) {
    %c0_i32 = arith.constant 0 : i32
    %c0_i32_0 = arith.constant 0 : i32
    return %arg0, %c0_i32 : i32, i32
  }
  func.func @transform_1(%arg0: i32) -> (i32, i32) {
    %c0_i32 = arith.constant 0 : i32
    %c0_i32_0 = arith.constant 0 : i32
    %c0_i32_1 = arith.constant 0 : i32
    return %c0_i32, %c0_i32_0 : i32, i32
  }
  func.func @transform_2(%arg0: i32) -> (i32, i32, i32) {
    %c0_i32 = arith.constant 0 : i32
    %c0_i32_0 = arith.constant 0 : i32
    %c0_i32_1 = arith.constant 0 : i32
    return %c0_i32, %arg0, %c0_i32_0 : i32, i32, i32
  }
}

module attributes {stable_mosaic.version = 14 : i64} {
  func.func @_mlp_body(%arg0: i32, %arg1: memref<1x1xf32, #tpu.memory_space<vmem>>, %arg2: memref<1000x128xf32, #tpu.memory_space<vmem>>, %arg3: memref<2x1000x128xf32, #tpu.memory_space<vmem>>, %arg4: memref<128x128xf32, #tpu.memory_space<vmem>>, %arg5: memref<1x128xf32, #tpu.memory_space<vmem>>, %arg6: memref<128x128xf32, #tpu.memory_space<vmem>>, %arg7: memref<1x128xf32, #tpu.memory_space<vmem>>, %arg8: memref<8x128xf32, #tpu.memory_space<vmem>>, %arg9: memref<1000x128xf32, #tpu.memory_space<vmem>>, %arg10: memref<8x1000x128xf32, #tpu.memory_space<vmem>>) attributes {dimension_semantics = [#tpu.dimension_semantics<arbitrary>], iteration_bounds = array<i64: 10>, scalar_prefetch = 0 : i64, scratch_operands = 0 : i64, tpu.core_type = #tpu.core_type<tc>, window_params = [{pipeline_mode = #tpu.pipeline_mode<synchronous>, transform_indices = @transform_0, window_bounds = array<i64: 1, 1>}, {transform_indices = @transform_1, window_bounds = array<i64: 1000, 128>}, {transform_indices = @transform_2, window_bounds = array<i64: 2, 1000, 128>}, {pipeline_mode = #tpu.pipeline_mode<synchronous>, transform_indices = @transform_3, window_bounds = array<i64: 128, 128>}, {pipeline_mode = #tpu.pipeline_mode<synchronous>, transform_indices = @transform_4, window_bounds = array<i64: 1, 128>}, {pipeline_mode = #tpu.pipeline_mode<synchronous>, transform_indices = @transform_5, window_bounds = array<i64: 128, 128>}, {pipeline_mode = #tpu.pipeline_mode<synchronous>, transform_indices = @transform_6, window_bounds = array<i64: 1, 128>}, {pipeline_mode = #tpu.pipeline_mode<synchronous>, transform_indices = @transform_7, window_bounds = array<i64: 8, 128>}, {transform_indices = @transform_8, window_bounds = array<i64: 1000, 128>}, {transform_indices = @transform_9, window_bounds = array<i64: 8, 1000, 128>}]} {
    %get3A = arith.constant 0 : index
    %get3A_0 = arith.constant 0 : index
    %get3A_1 = vector.load %arg1[%get3A, %get3A_0] : memref<1x1xf32, #tpu.memory_space<vmem>>, vector<1x1xf32>
    %get3A_2 = vector.extract %get3A_1[0, 0] : f32 from vector<1x1xf32>
    %add3A = arith.constant 1.000000e+00 : f32
    %add3A_3 = arith.addf %add3A, %get3A_2 : f32
    %get3A_4 = arith.constant 0 : index
    %get3A_5 = arith.constant 0 : index
    %get3A_6 = vector.load %arg2[%get3A_4, %get3A_5] : memref<1000x128xf32, #tpu.memory_space<vmem>>, vector<1000x128xf32>
    %mul3A = vector.broadcast %add3A_3 : f32 to vector<1000x128xf32>
    %mul3A_7 = arith.mulf %mul3A, %get3A_6 : vector<1000x128xf32>
    %get3A_8 = arith.constant 0 : index
    %get3A_9 = arith.constant 0 : index
    %get3A_10 = arith.constant 0 : index
    %get3A_11 = vector.load %arg3[%get3A_8, %get3A_9, %get3A_10] : memref<2x1000x128xf32, #tpu.memory_space<vmem>>, vector<1x1000x128xf32>
    %get3A_12 = vector.shape_cast %get3A_11 : vector<1x1000x128xf32> to vector<1000x128xf32>
    %add3A_13 = arith.addf %mul3A_7, %get3A_12 : vector<1000x128xf32>
    %get3A_14 = arith.constant 1 : index
    %get3A_15 = arith.constant 0 : index
    %get3A_16 = arith.constant 0 : index
    %get3A_17 = vector.load %arg3[%get3A_14, %get3A_15, %get3A_16] : memref<2x1000x128xf32, #tpu.memory_space<vmem>>, vector<1x1000x128xf32>
    %get3A_18 = vector.shape_cast %get3A_17 : vector<1x1000x128xf32> to vector<1000x128xf32>
    %add3A_19 = arith.addf %add3A_13, %get3A_18 : vector<1000x128xf32>
    %get3A_20 = arith.constant 0 : index
    %get3A_21 = arith.constant 0 : index
    %get3A_22 = vector.load %arg4[%get3A_20, %get3A_21] : memref<128x128xf32, #tpu.memory_space<vmem>>, vector<128x128xf32>
    %dot_general3A = arith.constant dense<0.000000e+00> : vector<1000x128xf32>
    %dot_general3A_23 = tpu.matmul %add3A_19, %get3A_22, %dot_general3A {dimension_numbers = #tpu.dot_dimension_numbers<[1], [0], [0], [1], [0, 0, 1, 1], [], []>, transpose_lhs_hint = false} : vector<1000x128xf32>, vector<128x128xf32>, vector<1000x128xf32> -> vector<1000x128xf32>
    %get3A_24 = arith.constant 0 : index
    %get3A_25 = arith.constant 0 : index
    %get3A_26 = vector.load %arg5[%get3A_24, %get3A_25] : memref<1x128xf32, #tpu.memory_space<vmem>>, vector<1x128xf32>
    %add3A_27 = vector.broadcast %get3A_26 : vector<1x128xf32> to vector<1000x128xf32>
    %add3A_28 = arith.addf %dot_general3A_23, %add3A_27 : vector<1000x128xf32>
    %max3A = arith.constant 0.000000e+00 : f32
    %max3A_29 = vector.broadcast %max3A : f32 to vector<1000x128xf32>
    %max3A_30 = arith.maximumf %add3A_28, %max3A_29 : vector<1000x128xf32>
    %get3A_31 = arith.constant 0 : index
    %get3A_32 = arith.constant 0 : index
    %get3A_33 = vector.load %arg6[%get3A_31, %get3A_32] : memref<128x128xf32, #tpu.memory_space<vmem>>, vector<128x128xf32>
    %dot_general3A_34 = arith.constant dense<0.000000e+00> : vector<1000x128xf32>
    %dot_general3A_35 = tpu.matmul %max3A_30, %get3A_33, %dot_general3A_34 {dimension_numbers = #tpu.dot_dimension_numbers<[1], [0], [0], [1], [0, 0, 1, 1], [], []>, transpose_lhs_hint = false} : vector<1000x128xf32>, vector<128x128xf32>, vector<1000x128xf32> -> vector<1000x128xf32>
    %get3A_36 = arith.constant 0 : index
    %get3A_37 = arith.constant 0 : index
    %get3A_38 = vector.load %arg7[%get3A_36, %get3A_37] : memref<1x128xf32, #tpu.memory_space<vmem>>, vector<1x128xf32>
    %add3A_39 = vector.broadcast %get3A_38 : vector<1x128xf32> to vector<1000x128xf32>
    %add3A_40 = arith.addf %dot_general3A_35, %add3A_39 : vector<1000x128xf32>
    %swap3A = arith.constant 0 : index
    %swap3A_41 = arith.constant 0 : index
    %swap3A_42 = vector.load %arg9[%swap3A, %swap3A_41] : memref<1000x128xf32, #tpu.memory_space<vmem>>, vector<1000x128xf32>
    tpu.vector_store %arg9[%swap3A, %swap3A_41], %add3A_40 {strides = array<i32>} : memref<1000x128xf32, #tpu.memory_space<vmem>>, vector<1000x128xf32>,
    %get3A_43 = arith.constant 0 : index
    %get3A_44 = arith.constant 0 : index
    %get3A_45 = vector.load %arg8[%get3A_43, %get3A_44] : memref<8x128xf32, #tpu.memory_space<vmem>>, vector<1x128xf32>
    %get3A_46 = vector.shape_cast %get3A_45 : vector<1x128xf32> to vector<128xf32>
    %broadcast_in_dim3A = vector.shape_cast %get3A_46 : vector<128xf32> to vector<1x128xf32>
    %mul3A_47 = vector.broadcast %broadcast_in_dim3A : vector<1x128xf32> to vector<1000x128xf32>
    %mul3A_48 = arith.mulf %add3A_40, %mul3A_47 : vector<1000x128xf32>
    %swap3A_49 = arith.constant 0 : index
    %swap3A_50 = arith.constant 0 : index
    %swap3A_51 = arith.constant 0 : index
    %swap3A_52 = vector.load %arg10[%swap3A_49, %swap3A_50, %swap3A_51] : memref<8x1000x128xf32, #tpu.memory_space<vmem>>, vector<1x1000x128xf32>
    %swap3A_53 = vector.shape_cast %swap3A_52 : vector<1x1000x128xf32> to vector<1000x128xf32>
    %swap3A_54 = vector.shape_cast %mul3A_48 : vector<1000x128xf32> to vector<1x1000x128xf32>
    tpu.vector_store %arg10[%swap3A_49, %swap3A_50, %swap3A_51], %swap3A_54 {strides = array<i32>} : memref<8x1000x128xf32, #tpu.memory_space<vmem>>, vector<1x1000x128xf32>,
    %get3A_55 = arith.constant 1 : index
    %get3A_56 = arith.constant 0 : index
    %get3A_57 = vector.load %arg8[%get3A_55, %get3A_56] : memref<8x128xf32, #tpu.memory_space<vmem>>, vector<1x128xf32>
    %get3A_58 = vector.shape_cast %get3A_57 : vector<1x128xf32> to vector<128xf32>
    %broadcast_in_dim3A_59 = vector.shape_cast %get3A_58 : vector<128xf32> to vector<1x128xf32>
    %mul3A_60 = vector.broadcast %broadcast_in_dim3A_59 : vector<1x128xf32> to vector<1000x128xf32>
    %mul3A_61 = arith.mulf %add3A_40, %mul3A_60 : vector<1000x128xf32>
    %swap3A_62 = arith.constant 1 : index
    %swap3A_63 = arith.constant 0 : index
    %swap3A_64 = arith.constant 0 : index
    %swap3A_65 = vector.load %arg10[%swap3A_62, %swap3A_63, %swap3A_64] : memref<8x1000x128xf32, #tpu.memory_space<vmem>>, vector<1x1000x128xf32>
    %swap3A_66 = vector.shape_cast %swap3A_65 : vector<1x1000x128xf32> to vector<1000x128xf32>
    %swap3A_67 = vector.shape_cast %mul3A_61 : vector<1000x128xf32> to vector<1x1000x128xf32>
    tpu.vector_store %arg10[%swap3A_62, %swap3A_63, %swap3A_64], %swap3A_67 {strides = array<i32>} : memref<8x1000x128xf32, #tpu.memory_space<vmem>>, vector<1x1000x128xf32>,
    %get3A_68 = arith.constant 2 : index
    %get3A_69 = arith.constant 0 : index
    %get3A_70 = vector.load %arg8[%get3A_68, %get3A_69] : memref<8x128xf32, #tpu.memory_space<vmem>>, vector<1x128xf32>
    %get3A_71 = vector.shape_cast %get3A_70 : vector<1x128xf32> to vector<128xf32>
    %broadcast_in_dim3A_72 = vector.shape_cast %get3A_71 : vector<128xf32> to vector<1x128xf32>
    %mul3A_73 = vector.broadcast %broadcast_in_dim3A_72 : vector<1x128xf32> to vector<1000x128xf32>
    %mul3A_74 = arith.mulf %add3A_40, %mul3A_73 : vector<1000x128xf32>
    %swap3A_75 = arith.constant 2 : index
    %swap3A_76 = arith.constant 0 : index
    %swap3A_77 = arith.constant 0 : index
    %swap3A_78 = vector.load %arg10[%swap3A_75, %swap3A_76, %swap3A_77] : memref<8x1000x128xf32, #tpu.memory_space<vmem>>, vector<1x1000x128xf32>
    %swap3A_79 = vector.shape_cast %swap3A_78 : vector<1x1000x128xf32> to vector<1000x128xf32>
    %swap3A_80 = vector.shape_cast %mul3A_74 : vector<1000x128xf32> to vector<1x1000x128xf32>
    tpu.vector_store %arg10[%swap3A_75, %swap3A_76, %swap3A_77], %swap3A_80 {strides = array<i32>} : memref<8x1000x128xf32, #tpu.memory_space<vmem>>, vector<1x1000x128xf32>,
    %get3A_81 = arith.constant 3 : index
    %get3A_82 = arith.constant 0 : index
    %get3A_83 = vector.load %arg8[%get3A_81, %get3A_82] : memref<8x128xf32, #tpu.memory_space<vmem>>, vector<1x128xf32>
    %get3A_84 = vector.shape_cast %get3A_83 : vector<1x128xf32> to vector<128xf32>
    %broadcast_in_dim3A_85 = vector.shape_cast %get3A_84 : vector<128xf32> to vector<1x128xf32>
    %mul3A_86 = vector.broadcast %broadcast_in_dim3A_85 : vector<1x128xf32> to vector<1000x128xf32>
    %mul3A_87 = arith.mulf %add3A_40, %mul3A_86 : vector<1000x128xf32>
    %swap3A_88 = arith.constant 3 : index
    %swap3A_89 = arith.constant 0 : index
    %swap3A_90 = arith.constant 0 : index
    %swap3A_91 = vector.load %arg10[%swap3A_88, %swap3A_89, %swap3A_90] : memref<8x1000x128xf32, #tpu.memory_space<vmem>>, vector<1x1000x128xf32>
    %swap3A_92 = vector.shape_cast %swap3A_91 : vector<1x1000x128xf32> to vector<1000x128xf32>
    %swap3A_93 = vector.shape_cast %mul3A_87 : vector<1000x128xf32> to vector<1x1000x128xf32>
    tpu.vector_store %arg10[%swap3A_88, %swap3A_89, %swap3A_90], %swap3A_93 {strides = array<i32>} : memref<8x1000x128xf32, #tpu.memory_space<vmem>>, vector<1x1000x128xf32>,
    %get3A_94 = arith.constant 4 : index
    %get3A_95 = arith.constant 0 : index
    %get3A_96 = vector.load %arg8[%get3A_94, %get3A_95] : memref<8x128xf32, #tpu.memory_space<vmem>>, vector<1x128xf32>
    %get3A_97 = vector.shape_cast %get3A_96 : vector<1x128xf32> to vector<128xf32>
    %broadcast_in_dim3A_98 = vector.shape_cast %get3A_97 : vector<128xf32> to vector<1x128xf32>
    %mul3A_99 = vector.broadcast %broadcast_in_dim3A_98 : vector<1x128xf32> to vector<1000x128xf32>
    %mul3A_100 = arith.mulf %add3A_40, %mul3A_99 : vector<1000x128xf32>
    %swap3A_101 = arith.constant 4 : index
    %swap3A_102 = arith.constant 0 : index
    %swap3A_103 = arith.constant 0 : index
    %swap3A_104 = vector.load %arg10[%swap3A_101, %swap3A_102, %swap3A_103] : memref<8x1000x128xf32, #tpu.memory_space<vmem>>, vector<1x1000x128xf32>
    %swap3A_105 = vector.shape_cast %swap3A_104 : vector<1x1000x128xf32> to vector<1000x128xf32>
    %swap3A_106 = vector.shape_cast %mul3A_100 : vector<1000x128xf32> to vector<1x1000x128xf32>
    tpu.vector_store %arg10[%swap3A_101, %swap3A_102, %swap3A_103], %swap3A_106 {strides = array<i32>} : memref<8x1000x128xf32, #tpu.memory_space<vmem>>, vector<1x1000x128xf32>,
    %get3A_107 = arith.constant 5 : index
    %get3A_108 = arith.constant 0 : index
    %get3A_109 = vector.load %arg8[%get3A_107, %get3A_108] : memref<8x128xf32, #tpu.memory_space<vmem>>, vector<1x128xf32>
    %get3A_110 = vector.shape_cast %get3A_109 : vector<1x128xf32> to vector<128xf32>
    %broadcast_in_dim3A_111 = vector.shape_cast %get3A_110 : vector<128xf32> to vector<1x128xf32>
    %mul3A_112 = vector.broadcast %broadcast_in_dim3A_111 : vector<1x128xf32> to vector<1000x128xf32>
    %mul3A_113 = arith.mulf %add3A_40, %mul3A_112 : vector<1000x128xf32>
    %swap3A_114 = arith.constant 5 : index
    %swap3A_115 = arith.constant 0 : index
    %swap3A_116 = arith.constant 0 : index
    %swap3A_117 = vector.load %arg10[%swap3A_114, %swap3A_115, %swap3A_116] : memref<8x1000x128xf32, #tpu.memory_space<vmem>>, vector<1x1000x128xf32>
    %swap3A_118 = vector.shape_cast %swap3A_117 : vector<1x1000x128xf32> to vector<1000x128xf32>
    %swap3A_119 = vector.shape_cast %mul3A_113 : vector<1000x128xf32> to vector<1x1000x128xf32>
    tpu.vector_store %arg10[%swap3A_114, %swap3A_115, %swap3A_116], %swap3A_119 {strides = array<i32>} : memref<8x1000x128xf32, #tpu.memory_space<vmem>>, vector<1x1000x128xf32>,
    %get3A_120 = arith.constant 6 : index
    %get3A_121 = arith.constant 0 : index
    %get3A_122 = vector.load %arg8[%get3A_120, %get3A_121] : memref<8x128xf32, #tpu.memory_space<vmem>>, vector<1x128xf32>
    %get3A_123 = vector.shape_cast %get3A_122 : vector<1x128xf32> to vector<128xf32>
    %broadcast_in_dim3A_124 = vector.shape_cast %get3A_123 : vector<128xf32> to vector<1x128xf32>
    %mul3A_125 = vector.broadcast %broadcast_in_dim3A_124 : vector<1x128xf32> to vector<1000x128xf32>
    %mul3A_126 = arith.mulf %add3A_40, %mul3A_125 : vector<1000x128xf32>
    %swap3A_127 = arith.constant 6 : index
    %swap3A_128 = arith.constant 0 : index
    %swap3A_129 = arith.constant 0 : index
    %swap3A_130 = vector.load %arg10[%swap3A_127, %swap3A_128, %swap3A_129] : memref<8x1000x128xf32, #tpu.memory_space<vmem>>, vector<1x1000x128xf32>
    %swap3A_131 = vector.shape_cast %swap3A_130 : vector<1x1000x128xf32> to vector<1000x128xf32>
    %swap3A_132 = vector.shape_cast %mul3A_126 : vector<1000x128xf32> to vector<1x1000x128xf32>
    tpu.vector_store %arg10[%swap3A_127, %swap3A_128, %swap3A_129], %swap3A_132 {strides = array<i32>} : memref<8x1000x128xf32, #tpu.memory_space<vmem>>, vector<1x1000x128xf32>,
    %get3A_133 = arith.constant 7 : index
    %get3A_134 = arith.constant 0 : index
    %get3A_135 = vector.load %arg8[%get3A_133, %get3A_134] : memref<8x128xf32, #tpu.memory_space<vmem>>, vector<1x128xf32>
    %get3A_136 = vector.shape_cast %get3A_135 : vector<1x128xf32> to vector<128xf32>
    %broadcast_in_dim3A_137 = vector.shape_cast %get3A_136 : vector<128xf32> to vector<1x128xf32>
    %mul3A_138 = vector.broadcast %broadcast_in_dim3A_137 : vector<1x128xf32> to vector<1000x128xf32>
    %mul3A_139 = arith.mulf %add3A_40, %mul3A_138 : vector<1000x128xf32>
    %swap3A_140 = arith.constant 7 : index
    %swap3A_141 = arith.constant 0 : index
    %swap3A_142 = arith.constant 0 : index
    %swap3A_143 = vector.load %arg10[%swap3A_140, %swap3A_141, %swap3A_142] : memref<8x1000x128xf32, #tpu.memory_space<vmem>>, vector<1x1000x128xf32>
    %swap3A_144 = vector.shape_cast %swap3A_143 : vector<1x1000x128xf32> to vector<1000x128xf32>
    %swap3A_145 = vector.shape_cast %mul3A_139 : vector<1000x128xf32> to vector<1x1000x128xf32>
    tpu.vector_store %arg10[%swap3A_140, %swap3A_141, %swap3A_142], %swap3A_145 {strides = array<i32>} : memref<8x1000x128xf32, #tpu.memory_space<vmem>>, vector<1x1000x128xf32>,
    return
  }
  func.func @transform_0(%arg0: i32) -> (i32, i32) {
    %c0_i32 = arith.constant 0 : i32
    %c0_i32_0 = arith.constant 0 : i32
    %c0_i32_1 = arith.constant 0 : i32
    return %c0_i32, %c0_i32_0 : i32, i32
  }
  func.func @transform_1(%arg0: i32) -> (i32, i32) {
    %c0_i32 = arith.constant 0 : i32
    %c0_i32_0 = arith.constant 0 : i32
    return %arg0, %c0_i32 : i32, i32
  }
  func.func @transform_2(%arg0: i32) -> (i32, i32, i32) {
    %c0_i32 = arith.constant 0 : i32
    %c0_i32_0 = arith.constant 0 : i32
    %c0_i32_1 = arith.constant 0 : i32
    return %c0_i32, %arg0, %c0_i32_0 : i32, i32, i32
  }
  func.func @transform_3(%arg0: i32) -> (i32, i32) {
    %c0_i32 = arith.constant 0 : i32
    %c0_i32_0 = arith.constant 0 : i32
    %c0_i32_1 = arith.constant 0 : i32
    return %c0_i32, %c0_i32_0 : i32, i32
  }
  func.func @transform_4(%arg0: i32) -> (i32, i32) {
    %c0_i32 = arith.constant 0 : i32
    %c0_i32_0 = arith.constant 0 : i32
    %c0_i32_1 = arith.constant 0 : i32
    return %c0_i32, %c0_i32_0 : i32, i32
  }
  func.func @transform_5(%arg0: i32) -> (i32, i32) {
    %c0_i32 = arith.constant 0 : i32
    %c0_i32_0 = arith.constant 0 : i32
    %c0_i32_1 = arith.constant 0 : i32
    return %c0_i32, %c0_i32_0 : i32, i32
  }
  func.func @transform_6(%arg0: i32) -> (i32, i32) {
    %c0_i32 = arith.constant 0 : i32
    %c0_i32_0 = arith.constant 0 : i32
    %c0_i32_1 = arith.constant 0 : i32
    return %c0_i32, %c0_i32_0 : i32, i32
  }
  func.func @transform_7(%arg0: i32) -> (i32, i32) {
    %c0_i32 = arith.constant 0 : i32
    %c0_i32_0 = arith.constant 0 : i32
    %c0_i32_1 = arith.constant 0 : i32
    return %c0_i32, %c0_i32_0 : i32, i32
  }
  func.func @transform_8(%arg0: i32) -> (i32, i32) {
    %c0_i32 = arith.constant 0 : i32
    %c0_i32_0 = arith.constant 0 : i32
    return %arg0, %c0_i32 : i32, i32
  }
  func.func @transform_9(%arg0: i32) -> (i32, i32, i32) {
    %c0_i32 = arith.constant 0 : i32
    %c0_i32_0 = arith.constant 0 : i32
    %c0_i32_1 = arith.constant 0 : i32
    return %c0_i32, %arg0, %c0_i32_0 : i32, i32, i32
  }
}

module attributes {stable_mosaic.version = 14 : i64} {
  func.func @_mlp_body(%arg0: i32, %arg1: memref<1x1xf32, #tpu.memory_space<vmem>>, %arg2: memref<1000x128xf32, #tpu.memory_space<vmem>>, %arg3: memref<2x1000x128xf32, #tpu.memory_space<vmem>>, %arg4: memref<128x128xf32, #tpu.memory_space<vmem>>, %arg5: memref<1x128xf32, #tpu.memory_space<vmem>>, %arg6: memref<128x128xf32, #tpu.memory_space<vmem>>, %arg7: memref<1x128xf32, #tpu.memory_space<vmem>>, %arg8: memref<1000x128xf32, #tpu.memory_space<vmem>>) attributes {dimension_semantics = [#tpu.dimension_semantics<arbitrary>], iteration_bounds = array<i64: 10>, scalar_prefetch = 0 : i64, scratch_operands = 0 : i64, tpu.core_type = #tpu.core_type<tc>, window_params = [{pipeline_mode = #tpu.pipeline_mode<synchronous>, transform_indices = @transform_0, window_bounds = array<i64: 1, 1>}, {transform_indices = @transform_1, window_bounds = array<i64: 1000, 128>}, {transform_indices = @transform_2, window_bounds = array<i64: 2, 1000, 128>}, {pipeline_mode = #tpu.pipeline_mode<synchronous>, transform_indices = @transform_3, window_bounds = array<i64: 128, 128>}, {pipeline_mode = #tpu.pipeline_mode<synchronous>, transform_indices = @transform_4, window_bounds = array<i64: 1, 128>}, {pipeline_mode = #tpu.pipeline_mode<synchronous>, transform_indices = @transform_5, window_bounds = array<i64: 128, 128>}, {pipeline_mode = #tpu.pipeline_mode<synchronous>, transform_indices = @transform_6, window_bounds = array<i64: 1, 128>}, {transform_indices = @transform_7, window_bounds = array<i64: 1000, 128>}]} {
    %get3A = arith.constant 0 : index
    %get3A_0 = arith.constant 0 : index
    %get3A_1 = vector.load %arg1[%get3A, %get3A_0] : memref<1x1xf32, #tpu.memory_space<vmem>>, vector<1x1xf32>
    %get3A_2 = vector.extract %get3A_1[0, 0] : f32 from vector<1x1xf32>
    %add3A = arith.constant 1.000000e+00 : f32
    %add3A_3 = arith.addf %add3A, %get3A_2 : f32
    %get3A_4 = arith.constant 0 : index
    %get3A_5 = arith.constant 0 : index
    %get3A_6 = vector.load %arg2[%get3A_4, %get3A_5] : memref<1000x128xf32, #tpu.memory_space<vmem>>, vector<1000x128xf32>
    %mul3A = vector.broadcast %add3A_3 : f32 to vector<1000x128xf32>
    %mul3A_7 = arith.mulf %mul3A, %get3A_6 : vector<1000x128xf32>
    %get3A_8 = arith.constant 0 : index
    %get3A_9 = arith.constant 0 : index
    %get3A_10 = arith.constant 0 : index
    %get3A_11 = vector.load %arg3[%get3A_8, %get3A_9, %get3A_10] : memref<2x1000x128xf32, #tpu.memory_space<vmem>>, vector<1x1000x128xf32>
    %get3A_12 = vector.shape_cast %get3A_11 : vector<1x1000x128xf32> to vector<1000x128xf32>
    %add3A_13 = arith.addf %mul3A_7, %get3A_12 : vector<1000x128xf32>
    %get3A_14 = arith.constant 1 : index
    %get3A_15 = arith.constant 0 : index
    %get3A_16 = arith.constant 0 : index
    %get3A_17 = vector.load %arg3[%get3A_14, %get3A_15, %get3A_16] : memref<2x1000x128xf32, #tpu.memory_space<vmem>>, vector<1x1000x128xf32>
    %get3A_18 = vector.shape_cast %get3A_17 : vector<1x1000x128xf32> to vector<1000x128xf32>
    %add3A_19 = arith.addf %add3A_13, %get3A_18 : vector<1000x128xf32>
    %get3A_20 = arith.constant 0 : index
    %get3A_21 = arith.constant 0 : index
    %get3A_22 = vector.load %arg4[%get3A_20, %get3A_21] : memref<128x128xf32, #tpu.memory_space<vmem>>, vector<128x128xf32>
    %dot_general3A = arith.constant dense<0.000000e+00> : vector<1000x128xf32>
    %dot_general3A_23 = tpu.matmul %add3A_19, %get3A_22, %dot_general3A {dimension_numbers = #tpu.dot_dimension_numbers<[1], [0], [0], [1], [0, 0, 1, 1], [], []>, transpose_lhs_hint = false} : vector<1000x128xf32>, vector<128x128xf32>, vector<1000x128xf32> -> vector<1000x128xf32>
    %get3A_24 = arith.constant 0 : index
    %get3A_25 = arith.constant 0 : index
    %get3A_26 = vector.load %arg5[%get3A_24, %get3A_25] : memref<1x128xf32, #tpu.memory_space<vmem>>, vector<1x128xf32>
    %add3A_27 = vector.broadcast %get3A_26 : vector<1x128xf32> to vector<1000x128xf32>
    %add3A_28 = arith.addf %dot_general3A_23, %add3A_27 : vector<1000x128xf32>
    %max3A = arith.constant 0.000000e+00 : f32
    %max3A_29 = vector.broadcast %max3A : f32 to vector<1000x128xf32>
    %max3A_30 = arith.maximumf %add3A_28, %max3A_29 : vector<1000x128xf32>
    %get3A_31 = arith.constant 0 : index
    %get3A_32 = arith.constant 0 : index
    %get3A_33 = vector.load %arg6[%get3A_31, %get3A_32] : memref<128x128xf32, #tpu.memory_space<vmem>>, vector<128x128xf32>
    %dot_general3A_34 = arith.constant dense<0.000000e+00> : vector<1000x128xf32>
    %dot_general3A_35 = tpu.matmul %max3A_30, %get3A_33, %dot_general3A_34 {dimension_numbers = #tpu.dot_dimension_numbers<[1], [0], [0], [1], [0, 0, 1, 1], [], []>, transpose_lhs_hint = false} : vector<1000x128xf32>, vector<128x128xf32>, vector<1000x128xf32> -> vector<1000x128xf32>
    %get3A_36 = arith.constant 0 : index
    %get3A_37 = arith.constant 0 : index
    %get3A_38 = vector.load %arg7[%get3A_36, %get3A_37] : memref<1x128xf32, #tpu.memory_space<vmem>>, vector<1x128xf32>
    %add3A_39 = vector.broadcast %get3A_38 : vector<1x128xf32> to vector<1000x128xf32>
    %add3A_40 = arith.addf %dot_general3A_35, %add3A_39 : vector<1000x128xf32>
    %swap3A = arith.constant 0 : index
    %swap3A_41 = arith.constant 0 : index
    %swap3A_42 = vector.load %arg8[%swap3A, %swap3A_41] : memref<1000x128xf32, #tpu.memory_space<vmem>>, vector<1000x128xf32>
    tpu.vector_store %arg8[%swap3A, %swap3A_41], %add3A_40 {strides = array<i32>} : memref<1000x128xf32, #tpu.memory_space<vmem>>, vector<1000x128xf32>,
    return
  }
  func.func @transform_0(%arg0: i32) -> (i32, i32) {
    %c0_i32 = arith.constant 0 : i32
    %c0_i32_0 = arith.constant 0 : i32
    %c0_i32_1 = arith.constant 0 : i32
    return %c0_i32, %c0_i32_0 : i32, i32
  }
  func.func @transform_1(%arg0: i32) -> (i32, i32) {
    %c0_i32 = arith.constant 0 : i32
    %c0_i32_0 = arith.constant 0 : i32
    return %arg0, %c0_i32 : i32, i32
  }
  func.func @transform_2(%arg0: i32) -> (i32, i32, i32) {
    %c0_i32 = arith.constant 0 : i32
    %c0_i32_0 = arith.constant 0 : i32
    %c0_i32_1 = arith.constant 0 : i32
    return %c0_i32, %arg0, %c0_i32_0 : i32, i32, i32
  }
  func.func @transform_3(%arg0: i32) -> (i32, i32) {
    %c0_i32 = arith.constant 0 : i32
    %c0_i32_0 = arith.constant 0 : i32
    %c0_i32_1 = arith.constant 0 : i32
    return %c0_i32, %c0_i32_0 : i32, i32
  }
  func.func @transform_4(%arg0: i32) -> (i32, i32) {
    %c0_i32 = arith.constant 0 : i32
    %c0_i32_0 = arith.constant 0 : i32
    %c0_i32_1 = arith.constant 0 : i32
    return %c0_i32, %c0_i32_0 : i32, i32
  }
  func.func @transform_5(%arg0: i32) -> (i32, i32) {
    %c0_i32 = arith.constant 0 : i32
    %c0_i32_0 = arith.constant 0 : i32
    %c0_i32_1 = arith.constant 0 : i32
    return %c0_i32, %c0_i32_0 : i32, i32
  }
  func.func @transform_6(%arg0: i32) -> (i32, i32) {
    %c0_i32 = arith.constant 0 : i32
    %c0_i32_0 = arith.constant 0 : i32
    %c0_i32_1 = arith.constant 0 : i32
    return %c0_i32, %c0_i32_0 : i32, i32
  }
  func.func @transform_7(%arg0: i32) -> (i32, i32) {
    %c0_i32 = arith.constant 0 : i32
    %c0_i32_0 = arith.constant 0 : i32
    return %arg0, %c0_i32 : i32, i32
  }
}

</mosaic_0001>

<sc_bundles>
// kernel: kernel.11.cloned.1.call-start
scs
__scs_entry_jumppad:
0x0: {  	(pc) =	sbr.rel $0x88, $3  }
0x1: {  	(tag) =	ssettag $0x0;
	lr =	simm.s32 $0x1  }
0x2: {  	[smem:$0x3F92] =	sst lr;
	_ =	strace $0xD0000000  }
0x3: {  	_ = 	snop  }
0x4: {  	_ = 	snop  }
0x5: {  	_ = 	snop  }
0x6: {  	_ = 	snop  }
0x7: {  	_ = 	snop  }
__scs_overlays_trampoline_lowered:
0x8: {  	[smem:$0x3FA1] =	sst s0  }
0x9: {  	[smem:$0x3FA2] =	sst s1  }
0xa: {  	[smem:$0x3FA3] =	sst s2  }
0xb: {  	[smem:$0x3FA4] =	sst s3  }
0xc: {  	[smem:$0x3FA5] =	sst s4  }
0xd: {  	[smem:$0x3FA6] =	sst s5  }
0xe: {  	[smem:$0x3FA7] =	sst s6  }
0xf: {  	[smem:$0x3FA8] =	sst s7  }
0x10: {  	[smem:$0x3FA9] =	sst s8  }
0x11: {  	[smem:$0x3FAA] =	sst s9;
	s0 =	simm.s32 @!p0 $0x0  }
0x12: {  	s1 =	sld [smem:$0x3F90];
	s0 =	simm.s32 @p0 $0x1  }
0x13: {  	[smem:$0x3FAB] =	sst s0;
	s0 =	simm.s32 @!p1 $0x0  }
0x14: {  	s2 =	sld [smem:$0x3F8F];
	s0 =	simm.s32 @p1 $0x1  }
0x15: {  	[smem:$0x3FAC] =	sst s0;
	s0 =	simm.s32 @!p2 $0x0  }
0x16: {  	s3 =	sld [smem:$0x3FDB];
	s0 =	simm.s32 @p2 $0x1  }
0x17: {  	s4 =	simm.s32 $0x1BF5;
	[smem:$0x3FAE] =	sst s0  }
0x18: {  	s0 =	sld [smem:$0x3F91];
	_ =	swait.ge [sflag:s4], $0x0  }
0x19: {  	s7 =	sld [smem:$0x3F92]  }
0x1a: {  	s8 =	sadd.s32 $0xFFFFE003, lr  }
0x1b: {  	s9 =	sadd.s32 $0xFFFFFEF7, lr;
	s5 =	simm.s32 $0xFFFFFFFF;
	p2 =	slt.u32 s8, $0xFFFFF086  }
0x1c: {  	p1 =	slt.u32 s9, $0xF7A;
	s5 =	simm.s32 @!p2 $0x0  }
0x1d: {  	s5 =	simm.s32 @p1 $0x1;
	p0 =	seq.s32 s7, s2  }
0x1e: {  	s7 =	smul.u32 @!p0 $0xF7A, s2;
	p2 =	seq.s32 @!p0 s5, $0x0  }
0x1f: {  	s9 =	smul.u32 $0xF7A, s1;
	s8 =	simm.s32 @!p0 $0x1BF5;
	p2 =	por !p2, p0  }
0x20: {  	[sflag:s8] =	ssyncset.s32 @!p0 $0xFFFFF086;
	s6 =	sadd.s32 @!p0 s3, s7;
	s7 =	simm.s32 @!p0 $0x108  }
0x21: {  	s3 =	sadd.s32 s3, s9;
	s6 =	sadd.s32 @!p0 $0x88, s6;
	s7 =	simm.s32 @p2 $0x1082  }
0x22: {  	[simem:s7], [sflag:s8] =	dma.local @!p0 [hbm:s6], $0xF7A  }
0x23: {  	s9 =	sor.u32 $0xD0000000, s2;
	s6 =	simm.s32 $0x108;
	_ =	swait.ge @!p0 [sflag:s8], $0x0  }
0x24: {  	s3 =	sadd.s32 $0x88, s3;
	s6 =	simm.s32 @!p1 $0x1082;
	[sflag:s4] =	ssyncset.s32 $0xFFFFF086  }
0x25: {  	[simem:s6], [sflag:s4] =	dma.local [hbm:s3], $0xF7A  }
0x26: {  	[smem:$0x3F92] =	sst s1;
	(tag) =	ssettag s2;
	_ =	strace s9  }
0x27: {  	s1 =	sld [smem:$0x3FA2]  }
0x28: {  	s2 =	sld [smem:$0x3FA3]  }
0x29: {  	s4 =	sld [smem:$0x3FA5]  }
0x2a: {  	p0 =	seq.s32 s5, $0x0;
	s5 =	sld [smem:$0x3FA6]  }
0x2b: {  	s6 =	sld [smem:$0x3FA7]  }
0x2c: {  	s7 =	sld [smem:$0x3FA8]  }
0x2d: {  	s3 =	simm.s32 $0x108;
	s8 =	sld [smem:$0x3FA9]  }
0x2e: {  	s3 =	simm.s32 @!p0 $0x1082;
	s9 =	sld [smem:$0x3FAA]  }
0x2f: {  	lr =	sadd.s32 s0, s3;
	s0 =	sld [smem:$0x3FA1]  }
0x30: {  	s3 =	sld [smem:$0x3FA4]  }
0x31: {  	[smem:$0x3FAD] =	sst s10  }
0x32: {  	s10 =	sld [smem:$0x3FAB];
	_ =	sdelay $0x3  }
0x33: {  	p0 =	seq.s32 s10, $0x1;
	s10 =	sld [smem:$0x3FAD];
	_ =	sdelay $0x3  }
0x34: {  	[smem:$0x3FAD] =	sst s10  }
0x35: {  	s10 =	sld [smem:$0x3FAC];
	_ =	sdelay $0x3  }
0x36: {  	p1 =	seq.s32 s10, $0x1;
	s10 =	sld [smem:$0x3FAD];
	_ =	sdelay $0x3  }
0x37: {  	[smem:$0x3FAD] =	sst s10  }
0x38: {  	s10 =	sld [smem:$0x3FAE]  }
0x39: {  	_ = 	snop;
	(pc) =	sbr.ind lr, $3  }
0x3a: {  	_ = 	snop  }
0x3b: {  	_ = 	snop  }
0x3c: {  	p2 =	seq.s32 s10, $0x1;
	s10 =	sld [smem:$0x3FAD]  }
0x3d: {  	_ =	shalt  }
0x3e: {  	_ =	shalt  }
0x3f: {  	_ =	shalt  }
0x40: {  	_ =	shalt  }
0x41: {  	_ =	shalt  }
0x42: {  	_ =	shalt  }
0x43: {  	_ =	shalt  }
0x44: {  	_ =	shalt  }
0x45: {  	_ =	shalt  }
0x46: {  	_ =	shalt  }
0x47: {  	_ =	shalt  }
0x48: {  	_ =	shalt  }
0x49: {  	_ =	shalt  }
0x4a: {  	_ =	shalt  }
0x4b: {  	_ =	shalt  }
0x4c: {  	_ =	shalt  }
0x4d: {  	_ =	shalt  }
0x4e: {  	_ =	shalt  }
0x4f: {  	_ =	shalt  }
0x50: {  	_ =	shalt  }
0x51: {  	_ =	shalt  }
0x52: {  	_ =	shalt  }
0x53: {  	_ =	shalt  }
0x54: {  	_ =	shalt  }
0x55: {  	_ =	shalt  }
0x56: {  	_ =	shalt  }
0x57: {  	_ =	shalt  }
0x58: {  	_ =	shalt  }
0x59: {  	_ =	shalt  }
0x5a: {  	_ =	shalt  }
0x5b: {  	_ =	shalt  }
0x5c: {  	_ =	shalt  }
0x5d: {  	_ =	shalt  }
0x5e: {  	_ =	shalt  }
0x5f: {  	_ =	shalt  }
0x60: {  	_ =	shalt  }
0x61: {  	_ =	shalt  }
0x62: {  	_ =	shalt  }
0x63: {  	_ =	shalt  }
0x64: {  	_ =	shalt  }
0x65: {  	_ =	shalt  }
0x66: {  	_ =	shalt  }
0x67: {  	_ =	shalt  }
0x68: {  	_ =	shalt  }
0x69: {  	_ =	shalt  }
0x6a: {  	_ =	shalt  }
0x6b: {  	_ =	shalt  }
0x6c: {  	_ =	shalt  }
0x6d: {  	_ =	shalt  }
0x6e: {  	_ =	shalt  }
0x6f: {  	_ =	shalt  }
0x70: {  	_ =	shalt  }
0x71: {  	_ =	shalt  }
0x72: {  	_ =	shalt  }
0x73: {  	_ =	shalt  }
0x74: {  	_ =	shalt  }
0x75: {  	_ =	shalt  }
0x76: {  	_ =	shalt  }
0x77: {  	_ =	shalt  }
0x78: {  	_ =	shalt  }
0x79: {  	_ =	shalt  }
0x7a: {  	_ =	shalt  }
0x7b: {  	_ =	shalt  }
0x7c: {  	_ =	shalt  }
0x7d: {  	_ =	shalt  }
0x7e: {  	_ =	shalt  }
0x7f: {  	_ =	shalt  }
0x80: {  	_ =	shalt  }
0x81: {  	_ =	shalt  }
0x82: {  	_ =	shalt  }
0x83: {  	_ =	shalt  }
0x84: {  	_ =	shalt  }
0x85: {  	_ =	shalt  }
0x86: {  	_ =	shalt  }
0x87: {  	_ =	shalt  }
.Lfunc_end0:
.L_simem_size_0:
called_computation.1_lowered:
.L_overlay_start_0:
0x88: {  	s2 =	sld [smem:$0x3FD9]  }
0x89: {  	s3 =	sld [smem:$0x3FFE];
	_ =	sdelay $0x1  }
0x8a: {  	s1 =	srdreg.scid  }
0x8b: {  	s0 =	sand.u32 $0x1, s1  }
0x8c: {  	s17 =	sshll.u32 s0, $0xA;
	s2 =	sadd.s32 s3, s2  }
0x8d: {  	s2 =	sadd.s32 s2, s17  }
0x8e: {  	[smem:$0x3FB9] =	sst s2  }
0x8f: {  	_ = 	snop  }
0x90: {  	s2 =	sld [smem:$0x3FD0];
	(tm) =	ssettm $0x1  }
0x91: {  	s18 =	sld [smem:$0x3FFB];
	_ =	sdelay $0x3  }
0x92: {  	_ =	strace s18  }
0x93: {  	s3 =	sld [smem:$0x3FFC];
	_ =	sdelay $0x3  }
0x94: {  	_ =	strace s3  }
0x95: {  	s3 =	sld [smem:$0x3FFD];
	_ =	sdelay $0x3  }
0x96: {  	_ =	strace s3  }
0x97: {  	_ =	strace $0x8FFFFFFF  }
0x98: {  	s19 =	sld [smem:$0x3FDB];
	_ =	sdelay $0x1  }
0x99: {  	s4 =	simm.s32 $_scs_section_size  }
0x9a: {  	s5 =	simm.s32 $_size__tile_overlayer_lowered;
	s6 =	simm.s32 $_tile_overlayer_lowered  }
0x9b: {  	s22 =	simm.s32 $0x1BFF;
	s21 =	sshll.u32 s6, $0x1;
	s3 =	sadd.s32 s4, s19  }
0x9c: {  	s7 =	simm.s32 $0x0;
	s20 =	sshll.u32 s5, $0x1;
	s5 =	sadd.s32 s21, s3  }
0x9d: {  	[timem:s7], [sflag:s22] =	dma.local [hbm:s5], s20  }
0x9e: {  	_ =	swait.ge [sflag:s22], s20  }
0x9f: {  	s4 =	ssub.s32 $0x0, s20;
	[sflag:s22] =	ssyncset.done $0x0  }
0xa0: {  	[sflag:s22] =	ssyncadd.s32 s4;
	_ =	sdelay $0x1  }
0xa1: {  	s23 =	simm.s32 $0x1B8B  }
0xa2: {  	_ =	swait.ge [sflag:s23], $0x1  }
0xa3: {  	[sflag:s23] =	ssyncset.done $0x0  }
0xa4: {  	s25 =	simm.s32 $0x1B8E;
	s24 =	sld [smem:$0x3FFE];
	[sflag:s23] =	ssyncadd.s32 $0xFFFFFFFF  }
0xa5: {  	s26 =	simm.s32 $execute0_lowered;
	[smem:$0x3FD2] =	sst s25  }
0xa6: {  	s5 =	sshll.u32 s26, $0x1;
	_ =	strace $0x80000049;
	[dreg:$0x1] =	wrdreg $0xFFFFFFFF  }
0xa7: {  	s28 =	simm.s32 $_size_execute0_lowered;
	s3 =	sadd.s32 s3, s5;
	[dreg:$0x0] =	wrdreg $0x0  }
0xa8: {  	s5 =	sshll.u32 s28, $0x1;
	[dreg:$0x2] =	wrdreg s3  }
0xa9: {  	[dreg:$0x3] =	wrdreg s5  }
0xaa: {  	[dreg:$0x4] =	wrdreg $0xC0  }
0xab: {  	_ =	task [dreg:s7], $0x5FFFF  }
0xac: {  	[dreg:$0x1] =	wrdreg $0xFFFFFFFF  }
0xad: {  	[dreg:$0x0] =	wrdreg $0x60  }
0xae: {  	[dreg:$0x2] =	wrdreg s24  }
0xaf: {  	[dreg:$0x3] =	wrdreg s2  }
0xb0: {  	[dreg:$0x4] =	wrdreg $0xC3000  }
0xb1: {  	[dreg:$0x5] =	wrdreg $0x9  }
0xb2: {  	_ =	task.clear_ibuf [dreg:s7], $0x6FFFF;
	_ =	strace $0x90000049  }
0xb3: {  	s29 =	simm.s32 $0x9;
	_ =	strace $0x8000004B  }
0xb4: {  	_ =	swait.ge [sflag:s29], $0x1  }
0xb5: {  	[sflag:s29] =	ssyncadd.s32 $0xFFFFFFFF  }
0xb6: {  	_ =	strace $0x9000004B  }
0xb7: {  	_ =	sfence  }
0xb8: {  	s30 =	sld [smem:$0x0];
	_ =	sdelay $0x2  }
0xb9: {  	s31 =	sshll.u32 s1, $0xD;
	s1 =	sshrl.u32 s1, $0x2  }
0xba: {  	s3 =	sand.u32 $0x4000, s31;
	s1 =	sadd.s32 s1, s30  }
0xbb: {  	s0 =	sor.u32 s3, s0;
	s1 =	sshll.u32 s1, $0x11  }
0xbc: {  	s0 =	sor.u32 s1, s0  }
0xbd: {  	s0 =	sadd.s32 $0x8F2B, s0  }
0xbe: {  	[sflag:s0] =	ssyncadd.remote.s32 $0x1  }
0xbf: {  	_ =	sfence.sel $0xFFFF  }
0xc0: {  	[dreg:$0x0] =	wrdreg $0xFFFFFFFF;
	(pc) =	sbr.abs _section_cstart, $3  }
0xc1: {  	[dreg:$0x1] =	wrdreg $0xFFFFFFFF  }
0xc2: {  	_ =	task.clear_ibuf [dreg:s7], $0x2FFFF;
	_ =	strace $0x9FFFFFFF  }
0xc3: {  	(tm) =	ssettm $0x7FFFFFFF  }
tec
execute0_lowered:
.L_overlay_start_1:
0x0: {  	(tag) =	ssettag $0x1  }
0x1: {  	s0 =	rddreg [dreg:$0x0]  }
0x2: {  	s3 =	rddreg [dreg:$0x1]  }
0x3: {  	s1 =	rddreg [dreg:$0x2];
	s2 =	simm.s32 $0x0;
	s5 =	srdreg.scid  }
0x4: {  	s25 =	stileid.u32;
	s28 =	simm.s32 $0x200;
	s29 =	simm.s32 $0x7  }
0x5: {  	s30 =	simm.s32 $0x1;
	s31 =	simm.s32 $0x6;
	[smem:$0x7FF] =	sst s2  }
0x6: {  	s4 =	sadd.s32 $0x2000, s0;
	s6 =	sadd.s32 $0x13A800, s0;
	s8 =	smul.u32 $0x4E000, s25  }
0x7: {  	s5 =	sand.u32 $0x1, s5;
	s0 =	sadd.s32 $0x14E200, s0;
	s13 =	smul.u32 $0x13800, s25  }
0x8: {  	s12 =	sshll.u32 s25, $0x6;
	s19 =	sadd.s32 $0x138000, s1;
	s23 =	sshll.u32 s25, $0x5  }
0x9: {  	p0 =	sne.s32 s25, $0xF;
	p2 =	seq.s32 s25, $0xF;
	_ =	strace $0x8000004A  }
0xa: {  	s7 =	ssub.s32 $0x2, s5;
	s10 =	sshll.u32 s5, $0x4;
	s22 =	smul.u32 $0x138800, s5  }
0xb: {  	[dreg:$0x4] =	wrdreg s12;
	s5 =	smul.u32 $0x4E0, s5;
	s19 =	sshrl.u32 @!p0 s19, $0x3  }
0xc: {  	s9 =	sshrl.u32 s7, $0x1;
	s10 =	sor.u32 s25, s10;
	s15 =	sshrl.u32 s8, $0x2  }
0xd: {  	s16 =	sshrl.u32 s13, $0x3;
	s9 =	ssub.s32 s7, s9;
	s11 =	smul.u32 $0x9C0, s10  }
0xe: {  	s14 =	sadd.s32 s15, s1;
	s17 =	sadd.s32 s3, s16;
	s7 =	sor.u32 $0x1C07, s12  }
0xf: {  	s20 =	smul.u32 $0x4E00, s10;
	s3 =	sadd.s32 $0x27000, s3;
	s12 =	sadd.s32 s23, s6  }
0x10: {  	s15 =	smul.u32 $0x4E, s25;
	s16 =	sshrl.u32 s22, $0x3;
	s23 =	simm.s32 $0x80  }
0x11: {  	p1 =	sgt.u32 s10, $0x3;
	s25 =	simm.s32 $0x180;
	[dreg:$0x5] =	wrdreg s17  }
0x12: {  	[dreg:$0x7] =	wrdreg s3;
	s12 =	sadd.s32 $0x13800, s12;
	s16 =	sadd.s32 s0, s16  }
0x13: {  	s3 =	sadd.s32 s13, s22;
	s22 =	simm.s32 $0x5;
	s13 =	simm.s32 $0x2  }
0x14: {  	s18 =	sadd.s32 s6, s11;
	s11 =	sshrl.u32 s20, $0x3;
	s5 =	sadd.s32 s15, s5  }
0x15: {  	s26 =	sadd.s32 $0x24900, s16;
	s3 =	sshrl.u32 s3, $0x3;
	s15 =	smax.u32 s9, $0x1  }
0x16: {  	s20 =	simm.s32 $0x4;
	[dreg:$0x6] =	wrdreg s18;
	s21 =	sadd.s32 $0x20, s18  }
0x17: {  	s11 =	sadd.s32 s6, s11;
	[dreg:$0xa] =	wrdreg s26;
	s5 =	sshll.u32 s5, $0x5  }
0x18: {  	s0 =	sadd.s32 s0, s3;
	s18 =	sshrl.u32 s14, $0x3;
	s3 =	simm.s32 $0x8  }
0x19: {  	s14 =	simm.s32 $0x280;
	[dreg:$0x8] =	wrdreg s21;
	s24 =	sadd.s32 $0x40, s11  }
.Ltmp0:
0x1a: {  	s11 =	sadd.s32 $0x124800, s1;
	[dreg:$0xb] =	wrdreg s0;
	(pc) =	sbr.rel .LBB2_1-.Ltmp0, $4  }
0x1b: {  	s21 =	simm.s32 $0x100;
	s0 =	simm.s32 $0x8300;
	[dreg:$0x9] =	wrdreg s24  }
0x1c: {  	s24 =	sadd.s32 s5, s6;
	s26 =	sshrl.u32 s11, $0x3;
	s5 =	simm.s32 $0x3  }
0x1d: {  	s6 =	simm.s32 $0x0;
	s16 =	sadd.s32 $0x80, s24;
	s17 =	sadd.s32 $0x60, s24  }
0x1e: {  	s24 =	simm.s32 $0x300;
	[dreg:$0xc] =	wrdreg s26;
	s26 =	simm.s32 $0x4300  }
.LBB2_7:
0x1f: {  	s8 =	rddreg [dreg:$0xa]  }
0x20: {  	s9 =	rddreg [dreg:$0xc];
	s10 =	simm.s32 $0x1FC8  }
0x21: {  	[hbm:s8], [sflag:s10] =	dma.local [spmem:s9], $0x2800  }
0x22: {  	_ =	swait.ge [sflag:s3], $0x2800  }
0x23: {  	[sflag:s3] =	ssyncset.done $0x0  }
0x24: {  	[sflag:s3] =	ssyncadd.s32 $0xFFFFD800  }
.LBB2_8:
0x25: {  	s6 =	sadd.s32 $0x1, s6  }
0x26: {  	p3 =	sne.s32 s6, s15  }
.Ltmp1:
0x27: {  	_ = 	snop;
	(pc) =	sbr.rel @!p3 .LBB2_9-.Ltmp1, $1  }
0x28: {  	_ =	sdelay $0x3  }
.LBB2_1:
0x29: {  	s8 =	rddreg [dreg:$0x5]  }
0x2a: {  	[spmem:s18], [sflag:s7] =	dma.local [hbm:s8], $0x2700  }
0x2b: {  	s8 =	rddreg [dreg:$0x7]  }
0x2c: {  	[spmem:s19], [sflag:s7] =	dma.local @!p0 [hbm:s8], $0x100  }
0x2d: {  	s8 =	rddreg [dreg:$0x6]  }
0x2e: {  	[tilespmem:s2], [sflag:$0x4] =	stream.linear.gather [hbm4b:s8+s2], $0x100, $0x38;
	[tilespmem:$0x1FB80] =	vst v63  }
0x2f: {  	_ =	swait.ge [sflag:s20], $0x100  }
0x30: {  	[sflag:s20] =	ssyncset.done $0x0  }
0x31: {  	s9 =	rddreg [dreg:$0x8];
	[sflag:s20] =	ssyncadd.s32 $0xFFFFFF00  }
0x32: {  	[tilespmem:s21], [sflag:$0x5] =	stream.linear.gather [hbm4b:s9+s2], $0x100, $0x38;
	[tilespmem:$0x1FB80] =	vst v63  }
0x33: {  	_ =	swait.ge [sflag:s22], $0x100  }
0x34: {  	[sflag:s22] =	ssyncset.done $0x0  }
0x35: {  	[sflag:s22] =	ssyncadd.s32 $0xFFFFFF00  }
0x36: {  	[tilespmem:s24], [sflag:$0x1] =	stream.indirect.gather [hbm4b:s4+s23], $0x80, s2, s23, $0xb8;
	[tilespmem:$0x1FB80] =	vst v63  }
0x37: {  	_ = 	snop  }
0x38: {  	[tilespmem:s26], [sflag:$0x2] =	stream.indirect.gather [hbm4b:s4+s23], $0x80, s21, s23, $0xb8;
	[tilespmem:$0x1FB80] =	vst v63  }
0x39: {  	s10 =	rddreg [dreg:$0x9]  }
0x3a: {  	[tilespmem:s28], [sflag:$0x6] =	stream.linear.gather [hbm4b:s10+s2], $0x100, $0x38;
	[tilespmem:$0x1FB80] =	vst v63  }
0x3b: {  	_ =	swait.ge [sflag:s29], $0x2700  }
0x3c: {  	[sflag:s29] =	ssyncset.done $0x0  }
0x3d: {  	s9 =	simm.s32 @!p0 $0x7;
	[sflag:s29] =	ssyncadd.s32 $0xFFFFD900  }
0x3e: {  	_ =	swait.ge @!p0 [sflag:s9], $0x100  }
0x3f: {  	[sflag:s9] =	ssyncset.done @!p0 $0x0  }
0x40: {  	[sflag:s9] =	ssyncadd.s32 @!p0 $0xFFFFFF00  }
0x41: {  	[bflag:$0x0] =	sbarrier.arrive $0xFFFF  }
0x42: {  	_ =	swait.ge [sflag:s30], $0x4000  }
0x43: {  	[sflag:s30] =	ssyncset.done $0x0  }
0x44: {  	[sflag:s30] =	ssyncadd.s32 $0xFFFFC000  }
0x45: {  	_ =	swait.ge [sflag:s31], $0x100  }
0x46: {  	[sflag:s31] =	ssyncset.done $0x0  }
0x47: {  	[sflag:s31] =	ssyncadd.s32 $0xFFFFFF00  }
0x48: {  	[tilespmem:s0], [sflag:$0x3] =	stream.indirect.gather [hbm4b:s4+s23], $0x80, s28, s23, $0xb8;
	[tilespmem:$0x1FB80] =	vst v63  }
0x49: {  	_ = 	snop  }
0x4a: {  	[spmem:s1] =	stream.indirect.scatter.add.f32 [tilespmem:s24], [sflag:$0x8], $0x80, s23, s23, $0xb8;
	[tilespmem:$0x1FB80] =	vst v63  }
0x4b: {  	_ =	swait.ge [sflag:s3], $0x4000  }
0x4c: {  	[sflag:s3] =	ssyncset.done $0x0  }
0x4d: {  	s11 =	sadd.s32 $0x0, s17;
	[sflag:s3] =	ssyncadd.s32 $0xFFFFC000  }
0x4e: {  	[tilespmem:s2], [sflag:$0x4] =	stream.linear.gather [hbm4b:s11+s2], $0x100, $0x38;
	[tilespmem:$0x1FB80] =	vst v63  }
0x4f: {  	_ =	swait.ge [sflag:s13], $0x4000  }
0x50: {  	[sflag:s13] =	ssyncset.done $0x0  }
0x51: {  	[sflag:s13] =	ssyncadd.s32 $0xFFFFC000  }
0x52: {  	_ =	swait.ge [sflag:s20], $0x100  }
0x53: {  	[sflag:s20] =	ssyncset.done $0x0  }
0x54: {  	[sflag:s20] =	ssyncadd.s32 $0xFFFFFF00  }
0x55: {  	[tilespmem:s24], [sflag:$0x1] =	stream.indirect.gather [hbm4b:s4+s23], $0x80, s2, s23, $0xb8;
	[tilespmem:$0x1FB80] =	vst v63  }
0x56: {  	_ = 	snop  }
0x57: {  	[spmem:s1] =	stream.indirect.scatter.add.f32 [tilespmem:s26], [sflag:$0x8], $0x80, s25, s23, $0xb8;
	[tilespmem:$0x1FB80] =	vst v63  }
0x58: {  	_ =	swait.ge [sflag:s3], $0x4000  }
0x59: {  	[sflag:s3] =	ssyncset.done $0x0  }
0x5a: {  	s10 =	sadd.s32 $0x0, s16;
	[sflag:s3] =	ssyncadd.s32 $0xFFFFC000  }
0x5b: {  	[tilespmem:s21], [sflag:$0x5] =	stream.linear.gather [hbm4b:s10+s2], $0x100, $0x38;
	[tilespmem:$0x1FB80] =	vst v63  }
0x5c: {  	_ =	swait.ge [sflag:s5], $0x4000  }
0x5d: {  	[sflag:s5] =	ssyncset.done $0x0  }
0x5e: {  	[sflag:s5] =	ssyncadd.s32 $0xFFFFC000  }
0x5f: {  	_ =	swait.ge [sflag:s22], $0x100  }
0x60: {  	[sflag:s22] =	ssyncset.done $0x0  }
0x61: {  	[sflag:s22] =	ssyncadd.s32 $0xFFFFFF00  }
0x62: {  	[tilespmem:s26], [sflag:$0x2] =	stream.indirect.gather [hbm4b:s4+s23], $0x80, s21, s23, $0xb8;
	[tilespmem:$0x1FB80] =	vst v63  }
0x63: {  	_ = 	snop  }
0x64: {  	[spmem:s1] =	stream.indirect.scatter.add.f32 [tilespmem:s0], [sflag:$0x8], $0x80, s14, s23, $0xb8;
	[tilespmem:$0x1FB80] =	vst v63  }
0x65: {  	_ =	swait.ge [sflag:s3], $0x4000  }
0x66: {  	[sflag:s3] =	ssyncset.done $0x0  }
0x67: {  	s9 =	simm.s32 $0x60;
	s10 =	sadd.s32 $0x20, s10;
	[sflag:s3] =	ssyncadd.s32 $0xFFFFC000  }
.LBB2_2:
0x68: {  	[tilespmem:s28], [sflag:$0x6] =	stream.linear.gather [hbm4b:s10+s2], $0x100, $0x38;
	[tilespmem:$0x1FB80] =	vst v63  }
0x69: {  	s10 =	smov.u32 s9  }
0x6a: {  	p3 =	sne.s32 s9, $0x900;
	s9 =	sadd.s32 $0x60, s9;
	_ =	swait.ge [sflag:s30], $0x4000  }
0x6b: {  	[sflag:s30] =	ssyncset.done $0x0  }
0x6c: {  	[sflag:s30] =	ssyncadd.s32 $0xFFFFC000  }
0x6d: {  	_ =	swait.ge [sflag:s31], $0x100  }
0x6e: {  	[sflag:s31] =	ssyncset.done $0x0  }
0x6f: {  	[sflag:s31] =	ssyncadd.s32 $0xFFFFFF00  }
0x70: {  	[tilespmem:s0], [sflag:$0x3] =	stream.indirect.gather [hbm4b:s4+s23], $0x80, s28, s23, $0xb8;
	[tilespmem:$0x1FB80] =	vst v63  }
0x71: {  	_ = 	snop  }
0x72: {  	[spmem:s1] =	stream.indirect.scatter.add.f32 [tilespmem:s24], [sflag:$0x8], $0x80, s23, s23, $0xb8;
	[tilespmem:$0x1FB80] =	vst v63  }
0x73: {  	_ =	swait.ge [sflag:s3], $0x4000  }
0x74: {  	[sflag:s3] =	ssyncset.done $0x0  }
0x75: {  	s8 =	sadd.s32 s10, s17;
	[sflag:s3] =	ssyncadd.s32 $0xFFFFC000  }
0x76: {  	[tilespmem:s2], [sflag:$0x4] =	stream.linear.gather [hbm4b:s8+s2], $0x100, $0x38;
	[tilespmem:$0x1FB80] =	vst v63  }
0x77: {  	_ =	swait.ge [sflag:s13], $0x4000  }
0x78: {  	[sflag:s13] =	ssyncset.done $0x0  }
0x79: {  	[sflag:s13] =	ssyncadd.s32 $0xFFFFC000  }
0x7a: {  	_ =	swait.ge [sflag:s20], $0x100  }
0x7b: {  	[sflag:s20] =	ssyncset.done $0x0  }
0x7c: {  	[sflag:s20] =	ssyncadd.s32 $0xFFFFFF00  }
0x7d: {  	[tilespmem:s24], [sflag:$0x1] =	stream.indirect.gather [hbm4b:s4+s23], $0x80, s2, s23, $0xb8;
	[tilespmem:$0x1FB80] =	vst v63  }
0x7e: {  	_ = 	snop  }
0x7f: {  	[spmem:s1] =	stream.indirect.scatter.add.f32 [tilespmem:s26], [sflag:$0x8], $0x80, s25, s23, $0xb8;
	[tilespmem:$0x1FB80] =	vst v63  }
0x80: {  	_ =	swait.ge [sflag:s3], $0x4000  }
0x81: {  	[sflag:s3] =	ssyncset.done $0x0  }
0x82: {  	s8 =	sadd.s32 s10, s16;
	[sflag:s3] =	ssyncadd.s32 $0xFFFFC000  }
0x83: {  	[tilespmem:s21], [sflag:$0x5] =	stream.linear.gather [hbm4b:s8+s2], $0x100, $0x38;
	[tilespmem:$0x1FB80] =	vst v63  }
0x84: {  	_ =	swait.ge [sflag:s5], $0x4000  }
0x85: {  	[sflag:s5] =	ssyncset.done $0x0  }
0x86: {  	[sflag:s5] =	ssyncadd.s32 $0xFFFFC000  }
0x87: {  	_ =	swait.ge [sflag:s22], $0x100  }
0x88: {  	[sflag:s22] =	ssyncset.done $0x0  }
0x89: {  	[sflag:s22] =	ssyncadd.s32 $0xFFFFFF00  }
0x8a: {  	[tilespmem:s26], [sflag:$0x2] =	stream.indirect.gather [hbm4b:s4+s23], $0x80, s21, s23, $0xb8;
	[tilespmem:$0x1FB80] =	vst v63  }
.Ltmp2:
0x8b: {  	(pc) =	sbr.rel @p3 .LBB2_2-.Ltmp2, $4  }
0x8c: {  	[spmem:s1] =	stream.indirect.scatter.add.f32 [tilespmem:s0], [sflag:$0x8], $0x80, s14, s23, $0xb8;
	[tilespmem:$0x1FB80] =	vst v63  }
0x8d: {  	_ =	swait.ge [sflag:s3], $0x4000  }
0x8e: {  	[sflag:s3] =	ssyncset.done $0x0  }
0x8f: {  	s10 =	sadd.s32 $0x20, s8;
	[sflag:s3] =	ssyncadd.s32 $0xFFFFC000  }
0x90: {  	[tilespmem:s28], [sflag:$0x6] =	stream.linear.gather [hbm4b:s10+s2], $0x100, $0x38;
	[tilespmem:$0x1FB80] =	vst v63  }
0x91: {  	_ =	swait.ge [sflag:s30], $0x4000  }
0x92: {  	[sflag:s30] =	ssyncset.done $0x0  }
0x93: {  	[sflag:s30] =	ssyncadd.s32 $0xFFFFC000  }
0x94: {  	_ =	swait.ge [sflag:s31], $0x100  }
0x95: {  	[sflag:s31] =	ssyncset.done $0x0  }
0x96: {  	[sflag:s31] =	ssyncadd.s32 $0xFFFFFF00  }
0x97: {  	[tilespmem:s0], [sflag:$0x3] =	stream.indirect.gather [hbm4b:s4+s23], $0x80, s28, s23, $0xb8;
	[tilespmem:$0x1FB80] =	vst v63  }
0x98: {  	_ = 	snop  }
0x99: {  	[spmem:s1] =	stream.indirect.scatter.add.f32 [tilespmem:s24], [sflag:$0x8], $0x80, s23, s23, $0xb8;
	[tilespmem:$0x1FB80] =	vst v63  }
0x9a: {  	_ =	swait.ge [sflag:s3], $0x4000  }
0x9b: {  	[sflag:s3] =	ssyncset.done $0x0  }
0x9c: {  	s8 =	simm.s32 @p1 $0x2;
	[sflag:s3] =	ssyncadd.s32 $0xFFFFC000  }
0x9d: {  	_ =	swait.ge @p1 [sflag:s8], $0x4000  }
0x9e: {  	s9 =	simm.s32 @p1 $0x180;
	[sflag:s8] =	ssyncset.done @p1 $0x0  }
0x9f: {  	s10 =	simm.s32 @p1 $0x4300;
	[sflag:s8] =	ssyncadd.s32 @p1 $0xFFFFC000;
	s8 =	simm.s32 @p1 $0x80  }
0xa0: {  	[spmem:s1] =	stream.indirect.scatter.add.f32 @p1 [tilespmem:s10], [sflag:$0x8], $0x80, s9, s8, $0xb8;
	[tilespmem:$0x1FB80] =	vst v63  }
0xa1: {  	s8 =	simm.s32 @p1 $0x8  }
0xa2: {  	_ =	swait.ge @p1 [sflag:s8], $0x4000  }
0xa3: {  	[sflag:s8] =	ssyncset.done @p1 $0x0  }
0xa4: {  	s9 =	simm.s32 @!p1 $0x2;
	[sflag:s8] =	ssyncadd.s32 @p1 $0xFFFFC000;
	s8 =	simm.s32 @!p1 $0x0  }
0xa5: {  	[tilespmem:s8], [sflag:$0x4] =	stream.linear.gather @!p1 [hbm4b:s12+s8], $0x100, $0x38;
	[tilespmem:$0x1FB80] =	vst v63  }
0xa6: {  	_ =	swait.ge @!p1 [sflag:s9], $0x4000  }
0xa7: {  	s11 =	simm.s32 @!p1 $0x4300;
	[sflag:s9] =	ssyncset.done @!p1 $0x0  }
0xa8: {  	s10 =	simm.s32 @!p1 $0x180;
	[sflag:s9] =	ssyncadd.s32 @!p1 $0xFFFFC000;
	s9 =	simm.s32 @!p1 $0x80  }
0xa9: {  	[spmem:s1] =	stream.indirect.scatter.add.f32 @!p1 [tilespmem:s11], [sflag:$0x8], $0x80, s10, s9, $0xb8;
	[tilespmem:$0x1FB80] =	vst v63  }
0xaa: {  	s10 =	simm.s32 @!p1 $0x8  }
0xab: {  	_ =	swait.ge @!p1 [sflag:s10], $0x4000  }
0xac: {  	[sflag:s10] =	ssyncset.done @!p1 $0x0  }
0xad: {  	[sflag:s10] =	ssyncadd.s32 @!p1 $0xFFFFC000;
	s10 =	simm.s32 @!p1 $0x4  }
0xae: {  	_ =	swait.ge @!p1 [sflag:s10], $0x100  }
0xaf: {  	[sflag:s10] =	ssyncset.done @!p1 $0x0  }
0xb0: {  	[sflag:s10] =	ssyncadd.s32 @!p1 $0xFFFFFF00;
	s10 =	simm.s32 @!p1 $0x300  }
0xb1: {  	[tilespmem:s10], [sflag:$0x1] =	stream.indirect.gather @!p1 [hbm4b:s4+s9], $0x80, s8, s9, $0xb8;
	[tilespmem:$0x1FB80] =	vst v63  }
0xb2: {  	_ =	swait.ge [sflag:s5], $0x4000  }
0xb3: {  	[sflag:s5] =	ssyncset.done $0x0  }
.Ltmp3:
0xb4: {  	[sflag:s5] =	ssyncadd.s32 $0xFFFFC000;
	(pc) =	sbr.rel @p1 .LBB2_5-.Ltmp3, $4  }
0xb5: {  	[spmem:s1] =	stream.indirect.scatter.add.f32 [tilespmem:s0], [sflag:$0x8], $0x80, s14, s23, $0xb8;
	[tilespmem:$0x1FB80] =	vst v63  }
0xb6: {  	_ =	swait.ge [sflag:s3], $0x4000  }
0xb7: {  	[sflag:s3] =	ssyncset.done $0x0  }
0xb8: {  	[sflag:s3] =	ssyncadd.s32 $0xFFFFC000  }
0xb9: {  	_ =	swait.ge [sflag:s30], $0x4000  }
0xba: {  	[sflag:s30] =	ssyncset.done $0x0  }
0xbb: {  	[sflag:s30] =	ssyncadd.s32 $0xFFFFC000  }
0xbc: {  	[spmem:s1] =	stream.indirect.scatter.add.f32 [tilespmem:s24], [sflag:$0x8], $0x80, s23, s23, $0xb8;
	[tilespmem:$0x1FB80] =	vst v63  }
.Ltmp4:
0xbd: {  	_ =	swait.ge [sflag:s3], $0x4000;
	(pc) =	sbr.rel .LBB2_6-.Ltmp4, $3  }
0xbe: {  	[sflag:s3] =	ssyncset.done $0x0  }
0xbf: {  	[sflag:s3] =	ssyncadd.s32 $0xFFFFC000  }
0xc0: {  	[bflag:$0x0] =	sbarrier.arrive $0xFFFF;
	_ =	sdelay $0x1  }
.LBB2_5:
.Ltmp5:
0xc1: {  	(pc) =	sbr.rel @p2 .LBB2_7-.Ltmp5, $2  }
0xc2: {  	_ =	sdelay $0x1  }
0xc3: {  	[bflag:$0x0] =	sbarrier.arrive $0xFFFF;
	_ =	sdelay $0x1  }
.LBB2_6:
0xc4: {  	s8 =	rddreg [dreg:$0x4]  }
.Ltmp6:
0xc5: {  	s9 =	rddreg [dreg:$0xb];
	s8 =	sor.u32 $0x1C08, s8;
	(pc) =	sbr.rel .LBB2_8-.Ltmp6, $4  }
0xc6: {  	[hbm:s9], [sflag:s8] =	dma.local [spmem:s18], $0x2700  }
0xc7: {  	_ =	swait.ge [sflag:s3], $0x2700  }
0xc8: {  	[sflag:s3] =	ssyncset.done $0x0  }
0xc9: {  	[sflag:s3] =	ssyncadd.s32 $0xFFFFD900  }
.LBB2_9:
0xca: {  	_ =	sfence.sel $0x180000  }
0xcb: {  	[bflag:$0x0] =	sbarrier.arrive $0xFFFF  }
0xcc: {  	_ =	strace $0x9000004A  }
0xcd: {  	s0 =	stileid.u32;
	[bflag:$0x2] =	sbarrier.arrive $0xFFFF  }
0xce: {  	p0 =	sne.s32 s0, $0x0;
	s0 =	rddreg [dreg:$0x3]  }
0xcf: {  	s0 =	sadd.s32 @!p0 $0x100000, s0  }
0xd0: {  	[sflag:s0] =	ssyncadd.tile.s32 @!p0 $0x1;
	_ =	shalt  }
.Lfunc_end2:
_tile_overlayer_lowered:
.L_overlay_start_2:
0xd1: {  	(tag) =	ssettag $0x2  }
0xd2: {  	s0 =	rddreg [dreg:$0x0];
	s2 =	stileid.u32  }
0xd3: {  	s1 =	rddreg [dreg:$0x1];
	p0 =	sne.s32 s2, $0x0  }
0xd4: {  	s3 =	rddreg [dreg:$0x2];
	[bflag:$0x3] =	sbarrier.arrive $0xFFFF;
	s2 =	simm.s32 @!p0 $0x1C08  }
0xd5: {  	[timem:s3], [sflag:s2] =	dma.local @!p0 [hbm:s0], s1  }
0xd6: {  	s0 =	simm.s32 @!p0 $0x8  }
0xd7: {  	_ =	swait.ge @!p0 [sflag:s0], s1  }
0xd8: {  	s1 =	ssub.s32 @!p0 $0x0, s1;
	[sflag:s0] =	ssyncset.done @!p0 $0x0  }
0xd9: {  	[sflag:s0] =	ssyncadd.s32 @!p0 s1  }
0xda: {  	[bflag:$0x3] =	sbarrier.arrive $0xFFFF  }
0xdb: {  	_ =	shalt  }

// kernel: kernel.8.cloned.1.call-start
scs
__scs_entry_jumppad:
0x0: {  	(pc) =	sbr.rel $0x88, $3  }
0x1: {  	(tag) =	ssettag $0x0;
	lr =	simm.s32 $0x1  }
0x2: {  	[smem:$0x3F92] =	sst lr;
	_ =	strace $0xD0000000  }
0x3: {  	_ = 	snop  }
0x4: {  	_ = 	snop  }
0x5: {  	_ = 	snop  }
0x6: {  	_ = 	snop  }
0x7: {  	_ = 	snop  }
__scs_overlays_trampoline_lowered:
0x8: {  	[smem:$0x3FA1] =	sst s0  }
0x9: {  	[smem:$0x3FA2] =	sst s1  }
0xa: {  	[smem:$0x3FA3] =	sst s2  }
0xb: {  	[smem:$0x3FA4] =	sst s3  }
0xc: {  	[smem:$0x3FA5] =	sst s4  }
0xd: {  	[smem:$0x3FA6] =	sst s5  }
0xe: {  	[smem:$0x3FA7] =	sst s6  }
0xf: {  	[smem:$0x3FA8] =	sst s7  }
0x10: {  	[smem:$0x3FA9] =	sst s8  }
0x11: {  	[smem:$0x3FAA] =	sst s9;
	s0 =	simm.s32 @!p0 $0x0  }
0x12: {  	s1 =	sld [smem:$0x3F90];
	s0 =	simm.s32 @p0 $0x1  }
0x13: {  	[smem:$0x3FAB] =	sst s0;
	s0 =	simm.s32 @!p1 $0x0  }
0x14: {  	s2 =	sld [smem:$0x3F8F];
	s0 =	simm.s32 @p1 $0x1  }
0x15: {  	[smem:$0x3FAC] =	sst s0;
	s0 =	simm.s32 @!p2 $0x0  }
0x16: {  	s3 =	sld [smem:$0x3FDB];
	s0 =	simm.s32 @p2 $0x1  }
0x17: {  	s4 =	simm.s32 $0x1BF5;
	[smem:$0x3FAE] =	sst s0  }
0x18: {  	s0 =	sld [smem:$0x3F91];
	_ =	swait.ge [sflag:s4], $0x0  }
0x19: {  	s7 =	sld [smem:$0x3F92]  }
0x1a: {  	s8 =	sadd.s32 $0xFFFFE003, lr  }
0x1b: {  	s9 =	sadd.s32 $0xFFFFFEF7, lr;
	s5 =	simm.s32 $0xFFFFFFFF;
	p2 =	slt.u32 s8, $0xFFFFF086  }
0x1c: {  	p1 =	slt.u32 s9, $0xF7A;
	s5 =	simm.s32 @!p2 $0x0  }
0x1d: {  	s5 =	simm.s32 @p1 $0x1;
	p0 =	seq.s32 s7, s2  }
0x1e: {  	s7 =	smul.u32 @!p0 $0xF7A, s2;
	p2 =	seq.s32 @!p0 s5, $0x0  }
0x1f: {  	s9 =	smul.u32 $0xF7A, s1;
	s8 =	simm.s32 @!p0 $0x1BF5;
	p2 =	por !p2, p0  }
0x20: {  	[sflag:s8] =	ssyncset.s32 @!p0 $0xFFFFF086;
	s6 =	sadd.s32 @!p0 s3, s7;
	s7 =	simm.s32 @!p0 $0x108  }
0x21: {  	s3 =	sadd.s32 s3, s9;
	s6 =	sadd.s32 @!p0 $0x88, s6;
	s7 =	simm.s32 @p2 $0x1082  }
0x22: {  	[simem:s7], [sflag:s8] =	dma.local @!p0 [hbm:s6], $0xF7A  }
0x23: {  	s9 =	sor.u32 $0xD0000000, s2;
	s6 =	simm.s32 $0x108;
	_ =	swait.ge @!p0 [sflag:s8], $0x0  }
0x24: {  	s3 =	sadd.s32 $0x88, s3;
	s6 =	simm.s32 @!p1 $0x1082;
	[sflag:s4] =	ssyncset.s32 $0xFFFFF086  }
0x25: {  	[simem:s6], [sflag:s4] =	dma.local [hbm:s3], $0xF7A  }
0x26: {  	[smem:$0x3F92] =	sst s1;
	(tag) =	ssettag s2;
	_ =	strace s9  }
0x27: {  	s1 =	sld [smem:$0x3FA2]  }
0x28: {  	s2 =	sld [smem:$0x3FA3]  }
0x29: {  	s4 =	sld [smem:$0x3FA5]  }
0x2a: {  	p0 =	seq.s32 s5, $0x0;
	s5 =	sld [smem:$0x3FA6]  }
0x2b: {  	s6 =	sld [smem:$0x3FA7]  }
0x2c: {  	s7 =	sld [smem:$0x3FA8]  }
0x2d: {  	s3 =	simm.s32 $0x108;
	s8 =	sld [smem:$0x3FA9]  }
0x2e: {  	s3 =	simm.s32 @!p0 $0x1082;
	s9 =	sld [smem:$0x3FAA]  }
0x2f: {  	lr =	sadd.s32 s0, s3;
	s0 =	sld [smem:$0x3FA1]  }
0x30: {  	s3 =	sld [smem:$0x3FA4]  }
0x31: {  	[smem:$0x3FAD] =	sst s10  }
0x32: {  	s10 =	sld [smem:$0x3FAB];
	_ =	sdelay $0x3  }
0x33: {  	p0 =	seq.s32 s10, $0x1;
	s10 =	sld [smem:$0x3FAD];
	_ =	sdelay $0x3  }
0x34: {  	[smem:$0x3FAD] =	sst s10  }
0x35: {  	s10 =	sld [smem:$0x3FAC];
	_ =	sdelay $0x3  }
0x36: {  	p1 =	seq.s32 s10, $0x1;
	s10 =	sld [smem:$0x3FAD];
	_ =	sdelay $0x3  }
0x37: {  	[smem:$0x3FAD] =	sst s10  }
0x38: {  	s10 =	sld [smem:$0x3FAE]  }
0x39: {  	_ = 	snop;
	(pc) =	sbr.ind lr, $3  }
0x3a: {  	_ = 	snop  }
0x3b: {  	_ = 	snop  }
0x3c: {  	p2 =	seq.s32 s10, $0x1;
	s10 =	sld [smem:$0x3FAD]  }
0x3d: {  	_ =	shalt  }
0x3e: {  	_ =	shalt  }
0x3f: {  	_ =	shalt  }
0x40: {  	_ =	shalt  }
0x41: {  	_ =	shalt  }
0x42: {  	_ =	shalt  }
0x43: {  	_ =	shalt  }
0x44: {  	_ =	shalt  }
0x45: {  	_ =	shalt  }
0x46: {  	_ =	shalt  }
0x47: {  	_ =	shalt  }
0x48: {  	_ =	shalt  }
0x49: {  	_ =	shalt  }
0x4a: {  	_ =	shalt  }
0x4b: {  	_ =	shalt  }
0x4c: {  	_ =	shalt  }
0x4d: {  	_ =	shalt  }
0x4e: {  	_ =	shalt  }
0x4f: {  	_ =	shalt  }
0x50: {  	_ =	shalt  }
0x51: {  	_ =	shalt  }
0x52: {  	_ =	shalt  }
0x53: {  	_ =	shalt  }
0x54: {  	_ =	shalt  }
0x55: {  	_ =	shalt  }
0x56: {  	_ =	shalt  }
0x57: {  	_ =	shalt  }
0x58: {  	_ =	shalt  }
0x59: {  	_ =	shalt  }
0x5a: {  	_ =	shalt  }
0x5b: {  	_ =	shalt  }
0x5c: {  	_ =	shalt  }
0x5d: {  	_ =	shalt  }
0x5e: {  	_ =	shalt  }
0x5f: {  	_ =	shalt  }
0x60: {  	_ =	shalt  }
0x61: {  	_ =	shalt  }
0x62: {  	_ =	shalt  }
0x63: {  	_ =	shalt  }
0x64: {  	_ =	shalt  }
0x65: {  	_ =	shalt  }
0x66: {  	_ =	shalt  }
0x67: {  	_ =	shalt  }
0x68: {  	_ =	shalt  }
0x69: {  	_ =	shalt  }
0x6a: {  	_ =	shalt  }
0x6b: {  	_ =	shalt  }
0x6c: {  	_ =	shalt  }
0x6d: {  	_ =	shalt  }
0x6e: {  	_ =	shalt  }
0x6f: {  	_ =	shalt  }
0x70: {  	_ =	shalt  }
0x71: {  	_ =	shalt  }
0x72: {  	_ =	shalt  }
0x73: {  	_ =	shalt  }
0x74: {  	_ =	shalt  }
0x75: {  	_ =	shalt  }
0x76: {  	_ =	shalt  }
0x77: {  	_ =	shalt  }
0x78: {  	_ =	shalt  }
0x79: {  	_ =	shalt  }
0x7a: {  	_ =	shalt  }
0x7b: {  	_ =	shalt  }
0x7c: {  	_ =	shalt  }
0x7d: {  	_ =	shalt  }
0x7e: {  	_ =	shalt  }
0x7f: {  	_ =	shalt  }
0x80: {  	_ =	shalt  }
0x81: {  	_ =	shalt  }
0x82: {  	_ =	shalt  }
0x83: {  	_ =	shalt  }
0x84: {  	_ =	shalt  }
0x85: {  	_ =	shalt  }
0x86: {  	_ =	shalt  }
0x87: {  	_ =	shalt  }
.Lfunc_end0:
.L_simem_size_0:
called_computation_lowered:
.L_overlay_start_0:
0x88: {  	s2 =	sld [smem:$0x3FD9]  }
0x89: {  	s3 =	sld [smem:$0x3FFE];
	_ =	sdelay $0x1  }
0x8a: {  	s1 =	srdreg.scid  }
0x8b: {  	s0 =	sand.u32 $0x1, s1  }
0x8c: {  	s17 =	sshll.u32 s0, $0xA;
	s2 =	sadd.s32 s3, s2  }
0x8d: {  	s2 =	sadd.s32 s2, s17  }
0x8e: {  	[smem:$0x3FB9] =	sst s2  }
0x8f: {  	_ = 	snop  }
0x90: {  	s2 =	sld [smem:$0x3FD0];
	(tm) =	ssettm $0x1  }
0x91: {  	s18 =	sld [smem:$0x3FFB];
	_ =	sdelay $0x3  }
0x92: {  	_ =	strace s18  }
0x93: {  	s3 =	sld [smem:$0x3FFC];
	_ =	sdelay $0x3  }
0x94: {  	_ =	strace s3  }
0x95: {  	s3 =	sld [smem:$0x3FFD];
	_ =	sdelay $0x3  }
0x96: {  	_ =	strace s3  }
0x97: {  	_ =	strace $0x8FFFFFFF  }
0x98: {  	s19 =	sld [smem:$0x3FDB];
	_ =	sdelay $0x1  }
0x99: {  	s4 =	simm.s32 $_scs_section_size  }
0x9a: {  	s5 =	simm.s32 $_size__tile_overlayer_lowered;
	s6 =	simm.s32 $_tile_overlayer_lowered  }
0x9b: {  	s22 =	simm.s32 $0x1BFF;
	s21 =	sshll.u32 s6, $0x1;
	s3 =	sadd.s32 s4, s19  }
0x9c: {  	s7 =	simm.s32 $0x0;
	s20 =	sshll.u32 s5, $0x1;
	s5 =	sadd.s32 s21, s3  }
0x9d: {  	[timem:s7], [sflag:s22] =	dma.local [hbm:s5], s20  }
0x9e: {  	_ =	swait.ge [sflag:s22], s20  }
0x9f: {  	s4 =	ssub.s32 $0x0, s20;
	[sflag:s22] =	ssyncset.done $0x0  }
0xa0: {  	[sflag:s22] =	ssyncadd.s32 s4;
	_ =	sdelay $0x1  }
0xa1: {  	s23 =	simm.s32 $0x1B8B  }
0xa2: {  	_ =	swait.ge [sflag:s23], $0x1  }
0xa3: {  	[sflag:s23] =	ssyncset.done $0x0  }
0xa4: {  	s25 =	simm.s32 $0x1B8E;
	s24 =	sld [smem:$0x3FFE];
	[sflag:s23] =	ssyncadd.s32 $0xFFFFFFFF  }
0xa5: {  	s26 =	simm.s32 $execute0_lowered;
	[smem:$0x3FD2] =	sst s25  }
0xa6: {  	s5 =	sshll.u32 s26, $0x1;
	_ =	strace $0x80000046;
	[dreg:$0x1] =	wrdreg $0xFFFFFFFF  }
0xa7: {  	s28 =	simm.s32 $_size_execute0_lowered;
	s3 =	sadd.s32 s3, s5;
	[dreg:$0x0] =	wrdreg $0x0  }
0xa8: {  	s5 =	sshll.u32 s28, $0x1;
	[dreg:$0x2] =	wrdreg s3  }
0xa9: {  	[dreg:$0x3] =	wrdreg s5  }
0xaa: {  	[dreg:$0x4] =	wrdreg $0xC0  }
0xab: {  	_ =	task [dreg:s7], $0x5FFFF  }
0xac: {  	[dreg:$0x1] =	wrdreg $0xFFFFFFFF  }
0xad: {  	[dreg:$0x0] =	wrdreg $0x60  }
0xae: {  	[dreg:$0x2] =	wrdreg s24  }
0xaf: {  	[dreg:$0x3] =	wrdreg s2  }
0xb0: {  	[dreg:$0x4] =	wrdreg $0xC3000  }
0xb1: {  	[dreg:$0x5] =	wrdreg $0x9  }
0xb2: {  	_ =	task.clear_ibuf [dreg:s7], $0x6FFFF;
	_ =	strace $0x90000046  }
0xb3: {  	s29 =	simm.s32 $0x9;
	_ =	strace $0x80000048  }
0xb4: {  	_ =	swait.ge [sflag:s29], $0x1  }
0xb5: {  	[sflag:s29] =	ssyncadd.s32 $0xFFFFFFFF  }
0xb6: {  	_ =	strace $0x90000048  }
0xb7: {  	_ =	sfence  }
0xb8: {  	s30 =	sld [smem:$0x0];
	_ =	sdelay $0x2  }
0xb9: {  	s31 =	sshll.u32 s1, $0xD;
	s1 =	sshrl.u32 s1, $0x2  }
0xba: {  	s3 =	sand.u32 $0x4000, s31;
	s1 =	sadd.s32 s1, s30  }
0xbb: {  	s0 =	sor.u32 s3, s0;
	s1 =	sshll.u32 s1, $0x11  }
0xbc: {  	s0 =	sor.u32 s1, s0  }
0xbd: {  	s0 =	sadd.s32 $0x8F2B, s0  }
0xbe: {  	[sflag:s0] =	ssyncadd.remote.s32 $0x1  }
0xbf: {  	_ =	sfence.sel $0xFFFF  }
0xc0: {  	[dreg:$0x0] =	wrdreg $0xFFFFFFFF;
	(pc) =	sbr.abs _section_cstart, $3  }
0xc1: {  	[dreg:$0x1] =	wrdreg $0xFFFFFFFF  }
0xc2: {  	_ =	task.clear_ibuf [dreg:s7], $0x2FFFF;
	_ =	strace $0x9FFFFFFF  }
0xc3: {  	(tm) =	ssettm $0x7FFFFFFF  }
tec
execute0_lowered:
.L_overlay_start_1:
0x0: {  	(tag) =	ssettag $0x1  }
0x1: {  	s0 =	rddreg [dreg:$0x0]  }
0x2: {  	s3 =	rddreg [dreg:$0x1]  }
0x3: {  	s1 =	rddreg [dreg:$0x2];
	s2 =	simm.s32 $0x0;
	s5 =	srdreg.scid  }
0x4: {  	s25 =	stileid.u32;
	s28 =	simm.s32 $0x200;
	s29 =	simm.s32 $0x7  }
0x5: {  	s30 =	simm.s32 $0x1;
	s31 =	simm.s32 $0x6;
	[smem:$0x7FF] =	sst s2  }
0x6: {  	s4 =	sadd.s32 $0x2000, s0;
	s6 =	sadd.s32 $0x13A800, s0;
	s8 =	smul.u32 $0x4E000, s25  }
0x7: {  	s5 =	sand.u32 $0x1, s5;
	s0 =	sadd.s32 $0x14E200, s0;
	s13 =	smul.u32 $0x13800, s25  }
0x8: {  	s12 =	sshll.u32 s25, $0x6;
	s19 =	sadd.s32 $0x138000, s1;
	s23 =	sshll.u32 s25, $0x5  }
0x9: {  	p0 =	sne.s32 s25, $0xF;
	p2 =	seq.s32 s25, $0xF;
	_ =	strace $0x80000047  }
0xa: {  	s7 =	ssub.s32 $0x2, s5;
	s10 =	sshll.u32 s5, $0x4;
	s22 =	smul.u32 $0x138800, s5  }
0xb: {  	[dreg:$0x4] =	wrdreg s12;
	s5 =	smul.u32 $0x4E0, s5;
	s19 =	sshrl.u32 @!p0 s19, $0x3  }
0xc: {  	s9 =	sshrl.u32 s7, $0x1;
	s10 =	sor.u32 s25, s10;
	s15 =	sshrl.u32 s8, $0x2  }
0xd: {  	s16 =	sshrl.u32 s13, $0x3;
	s9 =	ssub.s32 s7, s9;
	s11 =	smul.u32 $0x9C0, s10  }
0xe: {  	s14 =	sadd.s32 s15, s1;
	s17 =	sadd.s32 s3, s16;
	s7 =	sor.u32 $0x1C07, s12  }
0xf: {  	s20 =	smul.u32 $0x4E00, s10;
	s3 =	sadd.s32 $0x27000, s3;
	s12 =	sadd.s32 s23, s6  }
0x10: {  	s15 =	smul.u32 $0x4E, s25;
	s16 =	sshrl.u32 s22, $0x3;
	s23 =	simm.s32 $0x80  }
0x11: {  	p1 =	sgt.u32 s10, $0x3;
	s25 =	simm.s32 $0x180;
	[dreg:$0x5] =	wrdreg s17  }
0x12: {  	[dreg:$0x7] =	wrdreg s3;
	s12 =	sadd.s32 $0x13800, s12;
	s16 =	sadd.s32 s0, s16  }
0x13: {  	s3 =	sadd.s32 s13, s22;
	s22 =	simm.s32 $0x5;
	s13 =	simm.s32 $0x2  }
0x14: {  	s18 =	sadd.s32 s6, s11;
	s11 =	sshrl.u32 s20, $0x3;
	s5 =	sadd.s32 s15, s5  }
0x15: {  	s26 =	sadd.s32 $0x24900, s16;
	s3 =	sshrl.u32 s3, $0x3;
	s15 =	smax.u32 s9, $0x1  }
0x16: {  	s20 =	simm.s32 $0x4;
	[dreg:$0x6] =	wrdreg s18;
	s21 =	sadd.s32 $0x20, s18  }
0x17: {  	s11 =	sadd.s32 s6, s11;
	[dreg:$0xa] =	wrdreg s26;
	s5 =	sshll.u32 s5, $0x5  }
0x18: {  	s0 =	sadd.s32 s0, s3;
	s18 =	sshrl.u32 s14, $0x3;
	s3 =	simm.s32 $0x8  }
0x19: {  	s14 =	simm.s32 $0x280;
	[dreg:$0x8] =	wrdreg s21;
	s24 =	sadd.s32 $0x40, s11  }
.Ltmp0:
0x1a: {  	s11 =	sadd.s32 $0x124800, s1;
	[dreg:$0xb] =	wrdreg s0;
	(pc) =	sbr.rel .LBB2_1-.Ltmp0, $4  }
0x1b: {  	s21 =	simm.s32 $0x100;
	s0 =	simm.s32 $0x8300;
	[dreg:$0x9] =	wrdreg s24  }
0x1c: {  	s24 =	sadd.s32 s5, s6;
	s26 =	sshrl.u32 s11, $0x3;
	s5 =	simm.s32 $0x3  }
0x1d: {  	s6 =	simm.s32 $0x0;
	s16 =	sadd.s32 $0x80, s24;
	s17 =	sadd.s32 $0x60, s24  }
0x1e: {  	s24 =	simm.s32 $0x300;
	[dreg:$0xc] =	wrdreg s26;
	s26 =	simm.s32 $0x4300  }
.LBB2_7:
0x1f: {  	s8 =	rddreg [dreg:$0xa]  }
0x20: {  	s9 =	rddreg [dreg:$0xc];
	s10 =	simm.s32 $0x1FC8  }
0x21: {  	[hbm:s8], [sflag:s10] =	dma.local [spmem:s9], $0x2800  }
0x22: {  	_ =	swait.ge [sflag:s3], $0x2800  }
0x23: {  	[sflag:s3] =	ssyncset.done $0x0  }
0x24: {  	[sflag:s3] =	ssyncadd.s32 $0xFFFFD800  }
.LBB2_8:
0x25: {  	s6 =	sadd.s32 $0x1, s6  }
0x26: {  	p3 =	sne.s32 s6, s15  }
.Ltmp1:
0x27: {  	_ = 	snop;
	(pc) =	sbr.rel @!p3 .LBB2_9-.Ltmp1, $1  }
0x28: {  	_ =	sdelay $0x3  }
.LBB2_1:
0x29: {  	s8 =	rddreg [dreg:$0x5]  }
0x2a: {  	[spmem:s18], [sflag:s7] =	dma.local [hbm:s8], $0x2700  }
0x2b: {  	s8 =	rddreg [dreg:$0x7]  }
0x2c: {  	[spmem:s19], [sflag:s7] =	dma.local @!p0 [hbm:s8], $0x100  }
0x2d: {  	s8 =	rddreg [dreg:$0x6]  }
0x2e: {  	[tilespmem:s2], [sflag:$0x4] =	stream.linear.gather [hbm4b:s8+s2], $0x100, $0x38;
	[tilespmem:$0x1FB80] =	vst v63  }
0x2f: {  	_ =	swait.ge [sflag:s20], $0x100  }
0x30: {  	[sflag:s20] =	ssyncset.done $0x0  }
0x31: {  	s9 =	rddreg [dreg:$0x8];
	[sflag:s20] =	ssyncadd.s32 $0xFFFFFF00  }
0x32: {  	[tilespmem:s21], [sflag:$0x5] =	stream.linear.gather [hbm4b:s9+s2], $0x100, $0x38;
	[tilespmem:$0x1FB80] =	vst v63  }
0x33: {  	_ =	swait.ge [sflag:s22], $0x100  }
0x34: {  	[sflag:s22] =	ssyncset.done $0x0  }
0x35: {  	[sflag:s22] =	ssyncadd.s32 $0xFFFFFF00  }
0x36: {  	[tilespmem:s24], [sflag:$0x1] =	stream.indirect.gather [hbm4b:s4+s23], $0x80, s2, s23, $0xb8;
	[tilespmem:$0x1FB80] =	vst v63  }
0x37: {  	_ = 	snop  }
0x38: {  	[tilespmem:s26], [sflag:$0x2] =	stream.indirect.gather [hbm4b:s4+s23], $0x80, s21, s23, $0xb8;
	[tilespmem:$0x1FB80] =	vst v63  }
0x39: {  	s10 =	rddreg [dreg:$0x9]  }
0x3a: {  	[tilespmem:s28], [sflag:$0x6] =	stream.linear.gather [hbm4b:s10+s2], $0x100, $0x38;
	[tilespmem:$0x1FB80] =	vst v63  }
0x3b: {  	_ =	swait.ge [sflag:s29], $0x2700  }
0x3c: {  	[sflag:s29] =	ssyncset.done $0x0  }
0x3d: {  	s9 =	simm.s32 @!p0 $0x7;
	[sflag:s29] =	ssyncadd.s32 $0xFFFFD900  }
0x3e: {  	_ =	swait.ge @!p0 [sflag:s9], $0x100  }
0x3f: {  	[sflag:s9] =	ssyncset.done @!p0 $0x0  }
0x40: {  	[sflag:s9] =	ssyncadd.s32 @!p0 $0xFFFFFF00  }
0x41: {  	[bflag:$0x0] =	sbarrier.arrive $0xFFFF  }
0x42: {  	_ =	swait.ge [sflag:s30], $0x4000  }
0x43: {  	[sflag:s30] =	ssyncset.done $0x0  }
0x44: {  	[sflag:s30] =	ssyncadd.s32 $0xFFFFC000  }
0x45: {  	_ =	swait.ge [sflag:s31], $0x100  }
0x46: {  	[sflag:s31] =	ssyncset.done $0x0  }
0x47: {  	[sflag:s31] =	ssyncadd.s32 $0xFFFFFF00  }
0x48: {  	[tilespmem:s0], [sflag:$0x3] =	stream.indirect.gather [hbm4b:s4+s23], $0x80, s28, s23, $0xb8;
	[tilespmem:$0x1FB80] =	vst v63  }
0x49: {  	_ = 	snop  }
0x4a: {  	[spmem:s1] =	stream.indirect.scatter.add.f32 [tilespmem:s24], [sflag:$0x8], $0x80, s23, s23, $0xb8;
	[tilespmem:$0x1FB80] =	vst v63  }
0x4b: {  	_ =	swait.ge [sflag:s3], $0x4000  }
0x4c: {  	[sflag:s3] =	ssyncset.done $0x0  }
0x4d: {  	s11 =	sadd.s32 $0x0, s17;
	[sflag:s3] =	ssyncadd.s32 $0xFFFFC000  }
0x4e: {  	[tilespmem:s2], [sflag:$0x4] =	stream.linear.gather [hbm4b:s11+s2], $0x100, $0x38;
	[tilespmem:$0x1FB80] =	vst v63  }
0x4f: {  	_ =	swait.ge [sflag:s13], $0x4000  }
0x50: {  	[sflag:s13] =	ssyncset.done $0x0  }
0x51: {  	[sflag:s13] =	ssyncadd.s32 $0xFFFFC000  }
0x52: {  	_ =	swait.ge [sflag:s20], $0x100  }
0x53: {  	[sflag:s20] =	ssyncset.done $0x0  }
0x54: {  	[sflag:s20] =	ssyncadd.s32 $0xFFFFFF00  }
0x55: {  	[tilespmem:s24], [sflag:$0x1] =	stream.indirect.gather [hbm4b:s4+s23], $0x80, s2, s23, $0xb8;
	[tilespmem:$0x1FB80] =	vst v63  }
0x56: {  	_ = 	snop  }
0x57: {  	[spmem:s1] =	stream.indirect.scatter.add.f32 [tilespmem:s26], [sflag:$0x8], $0x80, s25, s23, $0xb8;
	[tilespmem:$0x1FB80] =	vst v63  }
0x58: {  	_ =	swait.ge [sflag:s3], $0x4000  }
0x59: {  	[sflag:s3] =	ssyncset.done $0x0  }
0x5a: {  	s10 =	sadd.s32 $0x0, s16;
	[sflag:s3] =	ssyncadd.s32 $0xFFFFC000  }
0x5b: {  	[tilespmem:s21], [sflag:$0x5] =	stream.linear.gather [hbm4b:s10+s2], $0x100, $0x38;
	[tilespmem:$0x1FB80] =	vst v63  }
0x5c: {  	_ =	swait.ge [sflag:s5], $0x4000  }
0x5d: {  	[sflag:s5] =	ssyncset.done $0x0  }
0x5e: {  	[sflag:s5] =	ssyncadd.s32 $0xFFFFC000  }
0x5f: {  	_ =	swait.ge [sflag:s22], $0x100  }
0x60: {  	[sflag:s22] =	ssyncset.done $0x0  }
0x61: {  	[sflag:s22] =	ssyncadd.s32 $0xFFFFFF00  }
0x62: {  	[tilespmem:s26], [sflag:$0x2] =	stream.indirect.gather [hbm4b:s4+s23], $0x80, s21, s23, $0xb8;
	[tilespmem:$0x1FB80] =	vst v63  }
0x63: {  	_ = 	snop  }
0x64: {  	[spmem:s1] =	stream.indirect.scatter.add.f32 [tilespmem:s0], [sflag:$0x8], $0x80, s14, s23, $0xb8;
	[tilespmem:$0x1FB80] =	vst v63  }
0x65: {  	_ =	swait.ge [sflag:s3], $0x4000  }
0x66: {  	[sflag:s3] =	ssyncset.done $0x0  }
0x67: {  	s9 =	simm.s32 $0x60;
	s10 =	sadd.s32 $0x20, s10;
	[sflag:s3] =	ssyncadd.s32 $0xFFFFC000  }
.LBB2_2:
0x68: {  	[tilespmem:s28], [sflag:$0x6] =	stream.linear.gather [hbm4b:s10+s2], $0x100, $0x38;
	[tilespmem:$0x1FB80] =	vst v63  }
0x69: {  	s10 =	smov.u32 s9  }
0x6a: {  	p3 =	sne.s32 s9, $0x900;
	s9 =	sadd.s32 $0x60, s9;
	_ =	swait.ge [sflag:s30], $0x4000  }
0x6b: {  	[sflag:s30] =	ssyncset.done $0x0  }
0x6c: {  	[sflag:s30] =	ssyncadd.s32 $0xFFFFC000  }
0x6d: {  	_ =	swait.ge [sflag:s31], $0x100  }
0x6e: {  	[sflag:s31] =	ssyncset.done $0x0  }
0x6f: {  	[sflag:s31] =	ssyncadd.s32 $0xFFFFFF00  }
0x70: {  	[tilespmem:s0], [sflag:$0x3] =	stream.indirect.gather [hbm4b:s4+s23], $0x80, s28, s23, $0xb8;
	[tilespmem:$0x1FB80] =	vst v63  }
0x71: {  	_ = 	snop  }
0x72: {  	[spmem:s1] =	stream.indirect.scatter.add.f32 [tilespmem:s24], [sflag:$0x8], $0x80, s23, s23, $0xb8;
	[tilespmem:$0x1FB80] =	vst v63  }
0x73: {  	_ =	swait.ge [sflag:s3], $0x4000  }
0x74: {  	[sflag:s3] =	ssyncset.done $0x0  }
0x75: {  	s8 =	sadd.s32 s10, s17;
	[sflag:s3] =	ssyncadd.s32 $0xFFFFC000  }
0x76: {  	[tilespmem:s2], [sflag:$0x4] =	stream.linear.gather [hbm4b:s8+s2], $0x100, $0x38;
	[tilespmem:$0x1FB80] =	vst v63  }
0x77: {  	_ =	swait.ge [sflag:s13], $0x4000  }
0x78: {  	[sflag:s13] =	ssyncset.done $0x0  }
0x79: {  	[sflag:s13] =	ssyncadd.s32 $0xFFFFC000  }
0x7a: {  	_ =	swait.ge [sflag:s20], $0x100  }
0x7b: {  	[sflag:s20] =	ssyncset.done $0x0  }
0x7c: {  	[sflag:s20] =	ssyncadd.s32 $0xFFFFFF00  }
0x7d: {  	[tilespmem:s24], [sflag:$0x1] =	stream.indirect.gather [hbm4b:s4+s23], $0x80, s2, s23, $0xb8;
	[tilespmem:$0x1FB80] =	vst v63  }
0x7e: {  	_ = 	snop  }
0x7f: {  	[spmem:s1] =	stream.indirect.scatter.add.f32 [tilespmem:s26], [sflag:$0x8], $0x80, s25, s23, $0xb8;
	[tilespmem:$0x1FB80] =	vst v63  }
0x80: {  	_ =	swait.ge [sflag:s3], $0x4000  }
0x81: {  	[sflag:s3] =	ssyncset.done $0x0  }
0x82: {  	s8 =	sadd.s32 s10, s16;
	[sflag:s3] =	ssyncadd.s32 $0xFFFFC000  }
0x83: {  	[tilespmem:s21], [sflag:$0x5] =	stream.linear.gather [hbm4b:s8+s2], $0x100, $0x38;
	[tilespmem:$0x1FB80] =	vst v63  }
0x84: {  	_ =	swait.ge [sflag:s5], $0x4000  }
0x85: {  	[sflag:s5] =	ssyncset.done $0x0  }
0x86: {  	[sflag:s5] =	ssyncadd.s32 $0xFFFFC000  }
0x87: {  	_ =	swait.ge [sflag:s22], $0x100  }
0x88: {  	[sflag:s22] =	ssyncset.done $0x0  }
0x89: {  	[sflag:s22] =	ssyncadd.s32 $0xFFFFFF00  }
0x8a: {  	[tilespmem:s26], [sflag:$0x2] =	stream.indirect.gather [hbm4b:s4+s23], $0x80, s21, s23, $0xb8;
	[tilespmem:$0x1FB80] =	vst v63  }
.Ltmp2:
0x8b: {  	(pc) =	sbr.rel @p3 .LBB2_2-.Ltmp2, $4  }
0x8c: {  	[spmem:s1] =	stream.indirect.scatter.add.f32 [tilespmem:s0], [sflag:$0x8], $0x80, s14, s23, $0xb8;
	[tilespmem:$0x1FB80] =	vst v63  }
0x8d: {  	_ =	swait.ge [sflag:s3], $0x4000  }
0x8e: {  	[sflag:s3] =	ssyncset.done $0x0  }
0x8f: {  	s10 =	sadd.s32 $0x20, s8;
	[sflag:s3] =	ssyncadd.s32 $0xFFFFC000  }
0x90: {  	[tilespmem:s28], [sflag:$0x6] =	stream.linear.gather [hbm4b:s10+s2], $0x100, $0x38;
	[tilespmem:$0x1FB80] =	vst v63  }
0x91: {  	_ =	swait.ge [sflag:s30], $0x4000  }
0x92: {  	[sflag:s30] =	ssyncset.done $0x0  }
0x93: {  	[sflag:s30] =	ssyncadd.s32 $0xFFFFC000  }
0x94: {  	_ =	swait.ge [sflag:s31], $0x100  }
0x95: {  	[sflag:s31] =	ssyncset.done $0x0  }
0x96: {  	[sflag:s31] =	ssyncadd.s32 $0xFFFFFF00  }
0x97: {  	[tilespmem:s0], [sflag:$0x3] =	stream.indirect.gather [hbm4b:s4+s23], $0x80, s28, s23, $0xb8;
	[tilespmem:$0x1FB80] =	vst v63  }
0x98: {  	_ = 	snop  }
0x99: {  	[spmem:s1] =	stream.indirect.scatter.add.f32 [tilespmem:s24], [sflag:$0x8], $0x80, s23, s23, $0xb8;
	[tilespmem:$0x1FB80] =	vst v63  }
0x9a: {  	_ =	swait.ge [sflag:s3], $0x4000  }
0x9b: {  	[sflag:s3] =	ssyncset.done $0x0  }
0x9c: {  	s8 =	simm.s32 @p1 $0x2;
	[sflag:s3] =	ssyncadd.s32 $0xFFFFC000  }
0x9d: {  	_ =	swait.ge @p1 [sflag:s8], $0x4000  }
0x9e: {  	s9 =	simm.s32 @p1 $0x180;
	[sflag:s8] =	ssyncset.done @p1 $0x0  }
0x9f: {  	s10 =	simm.s32 @p1 $0x4300;
	[sflag:s8] =	ssyncadd.s32 @p1 $0xFFFFC000;
	s8 =	simm.s32 @p1 $0x80  }
0xa0: {  	[spmem:s1] =	stream.indirect.scatter.add.f32 @p1 [tilespmem:s10], [sflag:$0x8], $0x80, s9, s8, $0xb8;
	[tilespmem:$0x1FB80] =	vst v63  }
0xa1: {  	s8 =	simm.s32 @p1 $0x8  }
0xa2: {  	_ =	swait.ge @p1 [sflag:s8], $0x4000  }
0xa3: {  	[sflag:s8] =	ssyncset.done @p1 $0x0  }
0xa4: {  	s9 =	simm.s32 @!p1 $0x2;
	[sflag:s8] =	ssyncadd.s32 @p1 $0xFFFFC000;
	s8 =	simm.s32 @!p1 $0x0  }
0xa5: {  	[tilespmem:s8], [sflag:$0x4] =	stream.linear.gather @!p1 [hbm4b:s12+s8], $0x100, $0x38;
	[tilespmem:$0x1FB80] =	vst v63  }
0xa6: {  	_ =	swait.ge @!p1 [sflag:s9], $0x4000  }
0xa7: {  	s11 =	simm.s32 @!p1 $0x4300;
	[sflag:s9] =	ssyncset.done @!p1 $0x0  }
0xa8: {  	s10 =	simm.s32 @!p1 $0x180;
	[sflag:s9] =	ssyncadd.s32 @!p1 $0xFFFFC000;
	s9 =	simm.s32 @!p1 $0x80  }
0xa9: {  	[spmem:s1] =	stream.indirect.scatter.add.f32 @!p1 [tilespmem:s11], [sflag:$0x8], $0x80, s10, s9, $0xb8;
	[tilespmem:$0x1FB80] =	vst v63  }
0xaa: {  	s10 =	simm.s32 @!p1 $0x8  }
0xab: {  	_ =	swait.ge @!p1 [sflag:s10], $0x4000  }
0xac: {  	[sflag:s10] =	ssyncset.done @!p1 $0x0  }
0xad: {  	[sflag:s10] =	ssyncadd.s32 @!p1 $0xFFFFC000;
	s10 =	simm.s32 @!p1 $0x4  }
0xae: {  	_ =	swait.ge @!p1 [sflag:s10], $0x100  }
0xaf: {  	[sflag:s10] =	ssyncset.done @!p1 $0x0  }
0xb0: {  	[sflag:s10] =	ssyncadd.s32 @!p1 $0xFFFFFF00;
	s10 =	simm.s32 @!p1 $0x300  }
0xb1: {  	[tilespmem:s10], [sflag:$0x1] =	stream.indirect.gather @!p1 [hbm4b:s4+s9], $0x80, s8, s9, $0xb8;
	[tilespmem:$0x1FB80] =	vst v63  }
0xb2: {  	_ =	swait.ge [sflag:s5], $0x4000  }
0xb3: {  	[sflag:s5] =	ssyncset.done $0x0  }
.Ltmp3:
0xb4: {  	[sflag:s5] =	ssyncadd.s32 $0xFFFFC000;
	(pc) =	sbr.rel @p1 .LBB2_5-.Ltmp3, $4  }
0xb5: {  	[spmem:s1] =	stream.indirect.scatter.add.f32 [tilespmem:s0], [sflag:$0x8], $0x80, s14, s23, $0xb8;
	[tilespmem:$0x1FB80] =	vst v63  }
0xb6: {  	_ =	swait.ge [sflag:s3], $0x4000  }
0xb7: {  	[sflag:s3] =	ssyncset.done $0x0  }
0xb8: {  	[sflag:s3] =	ssyncadd.s32 $0xFFFFC000  }
0xb9: {  	_ =	swait.ge [sflag:s30], $0x4000  }
0xba: {  	[sflag:s30] =	ssyncset.done $0x0  }
0xbb: {  	[sflag:s30] =	ssyncadd.s32 $0xFFFFC000  }
0xbc: {  	[spmem:s1] =	stream.indirect.scatter.add.f32 [tilespmem:s24], [sflag:$0x8], $0x80, s23, s23, $0xb8;
	[tilespmem:$0x1FB80] =	vst v63  }
.Ltmp4:
0xbd: {  	_ =	swait.ge [sflag:s3], $0x4000;
	(pc) =	sbr.rel .LBB2_6-.Ltmp4, $3  }
0xbe: {  	[sflag:s3] =	ssyncset.done $0x0  }
0xbf: {  	[sflag:s3] =	ssyncadd.s32 $0xFFFFC000  }
0xc0: {  	[bflag:$0x0] =	sbarrier.arrive $0xFFFF;
	_ =	sdelay $0x1  }
.LBB2_5:
.Ltmp5:
0xc1: {  	(pc) =	sbr.rel @p2 .LBB2_7-.Ltmp5, $2  }
0xc2: {  	_ =	sdelay $0x1  }
0xc3: {  	[bflag:$0x0] =	sbarrier.arrive $0xFFFF;
	_ =	sdelay $0x1  }
.LBB2_6:
0xc4: {  	s8 =	rddreg [dreg:$0x4]  }
.Ltmp6:
0xc5: {  	s9 =	rddreg [dreg:$0xb];
	s8 =	sor.u32 $0x1C08, s8;
	(pc) =	sbr.rel .LBB2_8-.Ltmp6, $4  }
0xc6: {  	[hbm:s9], [sflag:s8] =	dma.local [spmem:s18], $0x2700  }
0xc7: {  	_ =	swait.ge [sflag:s3], $0x2700  }
0xc8: {  	[sflag:s3] =	ssyncset.done $0x0  }
0xc9: {  	[sflag:s3] =	ssyncadd.s32 $0xFFFFD900  }
.LBB2_9:
0xca: {  	_ =	sfence.sel $0x180000  }
0xcb: {  	[bflag:$0x0] =	sbarrier.arrive $0xFFFF  }
0xcc: {  	_ =	strace $0x90000047  }
0xcd: {  	s0 =	stileid.u32;
	[bflag:$0x2] =	sbarrier.arrive $0xFFFF  }
0xce: {  	p0 =	sne.s32 s0, $0x0;
	s0 =	rddreg [dreg:$0x3]  }
0xcf: {  	s0 =	sadd.s32 @!p0 $0x100000, s0  }
0xd0: {  	[sflag:s0] =	ssyncadd.tile.s32 @!p0 $0x1;
	_ =	shalt  }
.Lfunc_end2:
_tile_overlayer_lowered:
.L_overlay_start_2:
0xd1: {  	(tag) =	ssettag $0x2  }
0xd2: {  	s0 =	rddreg [dreg:$0x0];
	s2 =	stileid.u32  }
0xd3: {  	s1 =	rddreg [dreg:$0x1];
	p0 =	sne.s32 s2, $0x0  }
0xd4: {  	s3 =	rddreg [dreg:$0x2];
	[bflag:$0x3] =	sbarrier.arrive $0xFFFF;
	s2 =	simm.s32 @!p0 $0x1C08  }
0xd5: {  	[timem:s3], [sflag:s2] =	dma.local @!p0 [hbm:s0], s1  }
0xd6: {  	s0 =	simm.s32 @!p0 $0x8  }
0xd7: {  	_ =	swait.ge @!p0 [sflag:s0], s1  }
0xd8: {  	s1 =	ssub.s32 @!p0 $0x0, s1;
	[sflag:s0] =	ssyncset.done @!p0 $0x0  }
0xd9: {  	[sflag:s0] =	ssyncadd.s32 @!p0 s1  }
0xda: {  	[bflag:$0x3] =	sbarrier.arrive $0xFFFF  }
0xdb: {  	_ =	shalt  }

</sc_bundles>
